<compile_context>
chip_gen: v7x
topology: tpu7x:2x2x1
jax: 0.10.2.dev20260603
libtpu: 0.0.44.dev20260713+nightly
codegen_flags: <defaults>
</compile_context>

<pallas_src>
import functools

import jax
import jax.numpy as jnp
from jax import lax
from jax.experimental import pallas as pl
from jax.experimental.pallas import tpu as pltpu
from jax.experimental.pallas import tpu_sc as plsc

_NC = 2
_NS = 16
_L = 16
_NW = _NC * _NS



@functools.lru_cache(maxsize=None)
def _deg_kernel(N, EP):
    mesh = plsc.VectorSubcoreMesh(core_axis_name="c", subcore_axis_name="s")

    @functools.partial(
        pl.kernel,
        out_type=jax.ShapeDtypeStruct((_NW, N), jnp.float32),
        mesh=mesh,
        scratch_types=[
            pltpu.VMEM((EP,), jnp.int32),
            pltpu.VMEM((N,), jnp.float32),
        ],
        compiler_params=pltpu.CompilerParams(needs_layout_passes=False),
    )
    def deg(dst_hbm, degp_hbm, dstv, degloc):
        cid = lax.axis_index("c")
        sid = lax.axis_index("s")
        wid = cid * _NS + sid

        zero = jnp.zeros((_L,), jnp.float32)

        def zb(i, carry):
            degloc[pl.ds(i * _L, _L)] = zero
            return carry

        lax.fori_loop(0, N // _L, zb, 0)

        pltpu.sync_copy(dst_hbm.at[wid], dstv)

        ones = jnp.ones((_L,), jnp.float32)

        def eb(i, carry):
            idx = dstv[pl.ds(i * _L, _L)]
            plsc.addupdate_scatter(degloc, [idx], ones)
            return carry

        lax.fori_loop(0, EP // _L, eb, 0)

        pltpu.sync_copy(degloc, degp_hbm.at[wid])

    return deg


_NBUF = 3


@functools.lru_cache(maxsize=None)
def _edge_kernel(N, D, B, NBUF, EPP, padded):
    RP0 = (N // _NS) // 8 * 8
    RPL = N - (_NS - 1) * RP0
    NBt = EPP // B
    assert RPL % 8 == 0 and NBt * B == EPP and NBt >= 4 and B % 8 == 0
    Na = N + _NW if padded else N
    mesh = plsc.VectorSubcoreMesh(core_axis_name="c", subcore_axis_name="s")

    @functools.partial(
        pl.kernel,
        out_type=jax.ShapeDtypeStruct((_NC, N, D), jnp.float32),
        mesh=mesh,
        scratch_types=[
            pltpu.VMEM((EPP,), jnp.int32),
            pltpu.VMEM((EPP,), jnp.int32),
            pltpu.VMEM((NBUF, B, D), jnp.float32),
            pltpu.VMEM_SHARED((Na, D), jnp.float32),
            pltpu.SemaphoreType.DMA((NBUF,)),
            pltpu.SemaphoreType.DMA((NBUF,)),
        ],
        compiler_params=pltpu.CompilerParams(needs_layout_passes=False),
    )
    def edge(u_hbm, z_hbm, src_hbm, dst_hbm, aggp_hbm, srcv, dstv, rows, acc,
             gsem, ssem):
        cid = lax.axis_index("c")
        sid = lax.axis_index("s")
        wid = cid * _NS + sid

        def for_my_rows(do_copy):
            @pl.when(sid < _NS - 1)
            def _():
                do_copy(pl.multiple_of(sid * RP0, 8), RP0)

            @pl.when(sid == _NS - 1)
            def _():
                do_copy((_NS - 1) * RP0, RPL)

        def init_copy(r0, n):
            @pl.when(cid == 0)
            def _():
                pltpu.sync_copy(u_hbm.at[pl.ds(r0, n)], acc.at[pl.ds(r0, n)])

            @pl.when(cid != 0)
            def _():
                pltpu.sync_copy(z_hbm.at[pl.ds(r0, n)], acc.at[pl.ds(r0, n)])

        for_my_rows(init_copy)
        pltpu.sync_copy(src_hbm.at[wid], srcv)
        pltpu.sync_copy(dst_hbm.at[wid], dstv)
        plsc.subcore_barrier()

        def start_gather(j, b):
            pltpu.async_copy(u_hbm.at[srcv.at[pl.ds(j * B, B)]], rows.at[b],
                             gsem.at[b])

        def wait_gather(j, b):
            pltpu.make_async_copy(u_hbm.at[srcv.at[pl.ds(j * B, B)]],
                                  rows.at[b], gsem.at[b]).wait()

        def start_scatter(j, b):
            pltpu.async_copy(rows.at[b], acc.at[dstv.at[pl.ds(j * B, B)]],
                             ssem.at[b], add=True)

        def wait_scatter(j, b):
            pltpu.make_async_copy(rows.at[b], acc.at[dstv.at[pl.ds(j * B, B)]],
                                  ssem.at[b]).wait()

        start_gather(0, 0)
        start_gather(1, 1)
        wait_gather(0, 0)
        start_scatter(0, 0)
        start_gather(2, 2)
        wait_gather(1, 1)
        start_scatter(1, 1)
        wait_scatter(0, 0)
        start_gather(3, 0)

        def body(j, carry):
            b = lax.rem(j, 3)
            pb = lax.rem(j + 2, 3)
            wait_gather(j, b)
            start_scatter(j, b)
            wait_scatter(j - 1, pb)
            start_gather(j + 2, pb)
            return carry

        lax.fori_loop(2, NBt - 2, body, 0)

        for j in (NBt - 2, NBt - 1):
            b = j % 3
            wait_gather(j, b)
            start_scatter(j, b)
            wait_scatter(j - 1, (j + 2) % 3)
        wait_scatter(NBt - 1, (NBt - 1) % 3)

        plsc.subcore_barrier()

        def out_copy(r0, n):
            pltpu.sync_copy(acc.at[pl.ds(r0, n)], aggp_hbm.at[cid, pl.ds(r0, n)])

        for_my_rows(out_copy)

    return edge



def _tc_first(degp, x, W0):
    N, D = x.shape

    def body(degp_ref, x_ref, W0_ref, dinv_ref, u_ref):
        dp = degp_ref[...]
        ones = jnp.ones((dp.shape[0], 1), jnp.float32)
        deg = 1.0 + lax.dot_general(dp, ones, (((0,), (0,)), ((), ())),
                                    preferred_element_type=jnp.float32)
        dinv = lax.rsqrt(deg)
        dinv_ref[...] = dinv
        t = lax.dot_general(x_ref[...], W0_ref[...], (((1,), (1,)), ((), ())),
                            preferred_element_type=jnp.float32)
        u_ref[...] = t * dinv

    return pl.pallas_call(
        body,
        out_shape=(jax.ShapeDtypeStruct((N, 1), jnp.float32),
                   jax.ShapeDtypeStruct((N, D), jnp.float32)),
    )(degp, x, W0)


def _tc_mid(aggp, dinv, b, g, be, Wn):
    _, N, D = aggp.shape

    def body(aggp_ref, dinv_ref, b_ref, g_ref, be_ref, Wn_ref, un_ref):
        dinv = dinv_ref[...]
        out = (aggp_ref[0] + aggp_ref[1]) * dinv + b_ref[...]
        m = jnp.mean(out, axis=0, keepdims=True)
        c = out - m
        v = jnp.mean(c * c, axis=0, keepdims=True)
        y = c * lax.rsqrt(v + 1e-5) * g_ref[...] + be_ref[...]
        y = jnp.where(y >= 0, y, 0.01 * y)
        t = lax.dot_general(y, Wn_ref[...], (((1,), (1,)), ((), ())),
                            preferred_element_type=jnp.float32)
        un_ref[...] = t * dinv

    return pl.pallas_call(
        body,
        out_shape=jax.ShapeDtypeStruct((N, D), jnp.float32),
    )(aggp, dinv, b.reshape(1, D), g.reshape(1, D), be.reshape(1, D), Wn)


def _tc_last(aggp, dinv, b, g, be):
    _, N, D = aggp.shape

    def body(aggp_ref, dinv_ref, b_ref, g_ref, be_ref, y_ref):
        out = (aggp_ref[0] + aggp_ref[1]) * dinv_ref[...] + b_ref[...]
        m = jnp.mean(out, axis=0, keepdims=True)
        c = out - m
        v = jnp.mean(c * c, axis=0, keepdims=True)
        y_ref[...] = c * lax.rsqrt(v + 1e-5) * g_ref[...] + be_ref[...]

    return pl.pallas_call(
        body,
        out_shape=jax.ShapeDtypeStruct((N, D), jnp.float32),
    )(aggp, dinv, b.reshape(1, D), g.reshape(1, D), be.reshape(1, D))



def kernel(x, edge_index, W0, b0, g0, be0, W1, b1, g1, be1, W2, b2, g2, be2):
    N, D = x.shape
    E = edge_index.shape[1]
    EP = E // _NW
    B = 80
    EPP = -(-EP // B) * B
    pad = EPP - EP
    assert EP * _NW == E and EP % _L == 0 and N % _NS == 0 and N % _L == 0

    src = edge_index[0].astype(jnp.int32)
    dst = edge_index[1].astype(jnp.int32)
    srcp = jnp.pad(src.reshape(_NW, EP), ((0, 0), (0, pad)))
    dump = (N + jnp.arange(_NW, dtype=jnp.int32))[:, None]
    dstp = (jnp.pad(dst.reshape(_NW, EP), ((0, 0), (0, pad)),
                    constant_values=-1))
    dstp = jnp.where(dstp < 0, dump, dstp)
    dst2 = dst.reshape(_NW, EP)
    zeros = jnp.zeros((N, D), jnp.float32)

    degp = _deg_kernel(N, EP)(dst2)
    dinv, u = _tc_first(degp, x, W0)

    edge = _edge_kernel(N, D, B, _NBUF, EPP, pad > 0)
    aggp = edge(u, zeros, srcp, dstp)
    u = _tc_mid(aggp, dinv, b0, g0, be0, W1)
    aggp = edge(u, zeros, srcp, dstp)
    u = _tc_mid(aggp, dinv, b1, g1, be1, W2)
    aggp = edge(u, zeros, srcp, dstp)
    return _tc_last(aggp, dinv, b2, g2, be2)

# --- scband reference (transcript-rebuilt; emitter-appended) ---
"""Pipeline reference for scband-gcnconv-net-1434519076955 (READ-ONLY COPY).

The authoritative reference and input builder live on the scoring server;
editing this copy changes nothing except your own understanding.
"""

import jax, jax.numpy as jnp
import numpy as np

N = 10000
E = 320000
D = 128


def setup_inputs(seed: int = 0) -> dict:
    key = jax.random.key(seed)
    ks = jax.random.split(key, 16)
    inp = {}
    inp['x'] = jax.random.normal(ks[0], (N, D), dtype=jnp.float32)
    inp['edge_index'] = jax.random.randint(ks[1], (2, E), 0, N, dtype=jnp.int64 if jax.config.jax_enable_x64 else jnp.int32)
    # layer params: GCNConv lin weight [out,in], bias [out]; BatchNorm gamma/beta
    for i in range(3):
        inp[f'W{i}'] = jax.random.normal(ks[2 + 4 * i], (D, D), dtype=jnp.float32) * (1.0 / np.sqrt(D))
        inp[f'b{i}'] = jnp.zeros((D,), dtype=jnp.float32)
        inp[f'g{i}'] = jnp.ones((D,), dtype=jnp.float32)
        inp[f'be{i}'] = jnp.zeros((D,), dtype=jnp.float32)
    return inp


def _gcn_conv(x, src, dst, W, b):
    n = x.shape[0]
    h = x @ W.T
    loop = jnp.arange(n, dtype=src.dtype)
    s = jnp.concatenate([src, loop])
    d = jnp.concatenate([dst, loop])
    deg = jnp.zeros((n,), x.dtype).at[d].add(1.0)
    dinv = jnp.where(deg > 0, jax.lax.rsqrt(deg), 0.0)
    norm = dinv[s] * dinv[d]
    out = jnp.zeros_like(h).at[d].add(h[s] * norm[:, None])
    return out + b


def _batchnorm(x, g, be, eps=1e-5):
    m = jnp.mean(x, axis=0)
    v = jnp.var(x, axis=0)
    return (x - m) * jax.lax.rsqrt(v + eps) * g + be


def _leaky_relu(x, slope=0.01):
    return jnp.where(x >= 0, x, slope * x)


def reference(x, edge_index, W0, b0, g0, be0, W1, b1, g1, be1, W2, b2, g2, be2):
    src = edge_index[0]
    dst = edge_index[1]
    # layer 0
    h = _gcn_conv(x, src, dst, W0, b0)
    h = _leaky_relu(_batchnorm(h, g0, be0))
    # layer 1
    h = _gcn_conv(h, src, dst, W1, b1)
    h = _leaky_relu(_batchnorm(h, g1, be1))
    # layer 2 (last): norm only, no activation; dropout p=0.0 is identity
    h = _gcn_conv(h, src, dst, W2, b2)
    h = _batchnorm(h, g2, be2)
    return h

if __name__ == "__main__":
    import jax
    _d = setup_inputs()
    print(jax.jit(kernel)(*tuple(_d.values())))

</pallas_src>

<mosaic_0001>
#map = affine_map<(d0, d1) -> (0, 0)>
#map1 = affine_map<(d0, d1) -> (0, 0, 0)>
module attributes {stable_mosaic.version = 14 : i64} {
  func.func @edge(%arg0: i32, %arg1: i32, %arg2: memref<10000x128xf32, #tpu.memory_space<hbm>>, %arg3: memref<10000x128xf32, #tpu.memory_space<hbm>>, %arg4: memref<32x10000xi32, #tpu.memory_space<hbm>>, %arg5: memref<32x10000xi32, #tpu.memory_space<hbm>>, %arg6: memref<2x10000x128xf32, #tpu.memory_space<hbm>>, %arg7: memref<10000xi32, #tpu.memory_space<vmem>>, %arg8: memref<10000xi32, #tpu.memory_space<vmem>>, %arg9: memref<3x80x128xf32, #tpu.memory_space<vmem>>, %arg10: memref<10000x128xf32, #tpu.memory_space<vmem_shared>>, %arg11: memref<3x!tpu.dma_semaphore, #tpu.memory_space<semaphore_mem>>, %arg12: memref<3x!tpu.dma_semaphore, #tpu.memory_space<semaphore_mem>>) attributes {dimension_semantics = [#tpu.dimension_semantics<core_parallel>, #tpu.dimension_semantics<subcore_parallel>], iteration_bounds = array<i64: 2, 16>, scalar_prefetch = 0 : i64, scratch_operands = 6 : i64, tpu.core_type = #tpu.core_type<sc_vector_subcore>, window_params = [{transform_indices = #map}, {transform_indices = #map}, {transform_indices = #map}, {transform_indices = #map}, {transform_indices = #map1}]} {
    %mul3A = arith.constant 16 : i32
    %mul3A_0 = arith.muli %arg0, %mul3A : i32
    %add3A = arith.addi %mul3A_0, %arg1 : i32
    %lt3A = arith.constant 15 : i32
    %lt3A_1 = arith.cmpi slt, %arg1, %lt3A : i32
    %convert_element_type3A = arith.extui %lt3A_1 : i1 to i32
    %cond3A = arith.constant 0 : i32
    %cond3A_2 = arith.cmpi ne, %convert_element_type3A, %cond3A : i32
    scf.if %cond3A_2 {
      %mul3A_229 = arith.constant 624 : i32
      %mul3A_230 = arith.muli %arg1, %mul3A_229 : i32
      %multiple_of3A = tpu.assume_multiple %mul3A_230, 8 : i32
      %eq3A_231 = arith.constant 0 : i32
      %eq3A_232 = arith.cmpi eq, %arg0, %eq3A_231 : i32
      %convert_element_type3A_233 = arith.extui %eq3A_232 : i1 to i32
      %cond3A_234 = arith.constant 0 : i32
      %cond3A_235 = arith.cmpi ne, %convert_element_type3A_233, %cond3A_234 : i32
      scf.if %cond3A_235 {
        "tpu.region"() ({
          %run_scoped3A = tpu.sem_alloc : memref<!tpu.dma_semaphore, #tpu.memory_space<semaphore_mem>>
          %dma_start3A_240 = arith.constant 0 : i32
          %dma_start3A_241 = tpu.memref_slice %arg10[%multiple_of3A, %dma_start3A_240] : memref<10000x128xf32, #tpu.memory_space<vmem_shared>> -> memref<624x128xf32, #tpu.memory_space<vmem_shared>>
          %dma_start3A_242 = arith.constant 0 : i32
          %dma_start3A_243 = tpu.memref_slice %arg2[%multiple_of3A, %dma_start3A_242] : memref<10000x128xf32, #tpu.memory_space<hbm>> -> memref<624x128xf32, #tpu.memory_space<hbm>>
          tpu.enqueue_dma source(%dma_start3A_243 : memref<624x128xf32, #tpu.memory_space<hbm>>) target(%dma_start3A_241 : memref<624x128xf32, #tpu.memory_space<vmem_shared>>) target_semaphore(%run_scoped3A : memref<!tpu.dma_semaphore, #tpu.memory_space<semaphore_mem>>)
          %dma_wait3A_244 = arith.constant 0 : i32
          %dma_wait3A_245 = tpu.memref_slice %arg10[%multiple_of3A, %dma_wait3A_244] : memref<10000x128xf32, #tpu.memory_space<vmem_shared>> -> memref<624x128xf32, #tpu.memory_space<vmem_shared>>
          %dma_wait3A_246 = arith.constant 0 : i32
          %dma_wait3A_247 = tpu.memref_slice %arg2[%multiple_of3A, %dma_wait3A_246] : memref<10000x128xf32, #tpu.memory_space<hbm>> -> memref<624x128xf32, #tpu.memory_space<hbm>>
          tpu.wait_dma2 semaphore(%run_scoped3A : memref<!tpu.dma_semaphore, #tpu.memory_space<semaphore_mem>>) src(%dma_wait3A_247 : memref<624x128xf32, #tpu.memory_space<hbm>>) dst(%dma_wait3A_245 : memref<624x128xf32, #tpu.memory_space<vmem_shared>>)
          tpu.yield
        }) : () -> ()
      } else {
      }
      %ne3A = arith.constant 0 : i32
      %ne3A_236 = arith.cmpi ne, %arg0, %ne3A : i32
      %convert_element_type3A_237 = arith.extui %ne3A_236 : i1 to i32
      %cond3A_238 = arith.constant 0 : i32
      %cond3A_239 = arith.cmpi ne, %convert_element_type3A_237, %cond3A_238 : i32
      scf.if %cond3A_239 {
        "tpu.region"() ({
          %run_scoped3A = tpu.sem_alloc : memref<!tpu.dma_semaphore, #tpu.memory_space<semaphore_mem>>
          %dma_start3A_240 = arith.constant 0 : i32
          %dma_start3A_241 = tpu.memref_slice %arg10[%multiple_of3A, %dma_start3A_240] : memref<10000x128xf32, #tpu.memory_space<vmem_shared>> -> memref<624x128xf32, #tpu.memory_space<vmem_shared>>
          %dma_start3A_242 = arith.constant 0 : i32
          %dma_start3A_243 = tpu.memref_slice %arg3[%multiple_of3A, %dma_start3A_242] : memref<10000x128xf32, #tpu.memory_space<hbm>> -> memref<624x128xf32, #tpu.memory_space<hbm>>
          tpu.enqueue_dma source(%dma_start3A_243 : memref<624x128xf32, #tpu.memory_space<hbm>>) target(%dma_start3A_241 : memref<624x128xf32, #tpu.memory_space<vmem_shared>>) target_semaphore(%run_scoped3A : memref<!tpu.dma_semaphore, #tpu.memory_space<semaphore_mem>>)
          %dma_wait3A_244 = arith.constant 0 : i32
          %dma_wait3A_245 = tpu.memref_slice %arg10[%multiple_of3A, %dma_wait3A_244] : memref<10000x128xf32, #tpu.memory_space<vmem_shared>> -> memref<624x128xf32, #tpu.memory_space<vmem_shared>>
          %dma_wait3A_246 = arith.constant 0 : i32
          %dma_wait3A_247 = tpu.memref_slice %arg3[%multiple_of3A, %dma_wait3A_246] : memref<10000x128xf32, #tpu.memory_space<hbm>> -> memref<624x128xf32, #tpu.memory_space<hbm>>
          tpu.wait_dma2 semaphore(%run_scoped3A : memref<!tpu.dma_semaphore, #tpu.memory_space<semaphore_mem>>) src(%dma_wait3A_247 : memref<624x128xf32, #tpu.memory_space<hbm>>) dst(%dma_wait3A_245 : memref<624x128xf32, #tpu.memory_space<vmem_shared>>)
          tpu.yield
        }) : () -> ()
      } else {
      }
    } else {
    }
    %eq3A = arith.constant 15 : i32
    %eq3A_3 = arith.cmpi eq, %arg1, %eq3A : i32
    %convert_element_type3A_4 = arith.extui %eq3A_3 : i1 to i32
    %cond3A_5 = arith.constant 0 : i32
    %cond3A_6 = arith.cmpi ne, %convert_element_type3A_4, %cond3A_5 : i32
    scf.if %cond3A_6 {
      %eq3A_229 = arith.constant 0 : i32
      %eq3A_230 = arith.cmpi eq, %arg0, %eq3A_229 : i32
      %convert_element_type3A_231 = arith.extui %eq3A_230 : i1 to i32
      %cond3A_232 = arith.constant 0 : i32
      %cond3A_233 = arith.cmpi ne, %convert_element_type3A_231, %cond3A_232 : i32
      scf.if %cond3A_233 {
        "tpu.region"() ({
          %run_scoped3A = tpu.sem_alloc : memref<!tpu.dma_semaphore, #tpu.memory_space<semaphore_mem>>
          %dma_start3A_238 = arith.constant 9360 : i32
          %dma_start3A_239 = arith.constant 0 : i32
          %dma_start3A_240 = tpu.memref_slice %arg10[%dma_start3A_238, %dma_start3A_239] : memref<10000x128xf32, #tpu.memory_space<vmem_shared>> -> memref<640x128xf32, #tpu.memory_space<vmem_shared>>
          %dma_start3A_241 = arith.constant 9360 : i32
          %dma_start3A_242 = arith.constant 0 : i32
          %dma_start3A_243 = tpu.memref_slice %arg2[%dma_start3A_241, %dma_start3A_242] : memref<10000x128xf32, #tpu.memory_space<hbm>> -> memref<640x128xf32, #tpu.memory_space<hbm>>
          tpu.enqueue_dma source(%dma_start3A_243 : memref<640x128xf32, #tpu.memory_space<hbm>>) target(%dma_start3A_240 : memref<640x128xf32, #tpu.memory_space<vmem_shared>>) target_semaphore(%run_scoped3A : memref<!tpu.dma_semaphore, #tpu.memory_space<semaphore_mem>>)
          %dma_wait3A_244 = arith.constant 9360 : i32
          %dma_wait3A_245 = arith.constant 0 : i32
          %dma_wait3A_246 = tpu.memref_slice %arg10[%dma_wait3A_244, %dma_wait3A_245] : memref<10000x128xf32, #tpu.memory_space<vmem_shared>> -> memref<640x128xf32, #tpu.memory_space<vmem_shared>>
          %dma_wait3A_247 = arith.constant 9360 : i32
          %dma_wait3A_248 = arith.constant 0 : i32
          %dma_wait3A_249 = tpu.memref_slice %arg2[%dma_wait3A_247, %dma_wait3A_248] : memref<10000x128xf32, #tpu.memory_space<hbm>> -> memref<640x128xf32, #tpu.memory_space<hbm>>
          tpu.wait_dma2 semaphore(%run_scoped3A : memref<!tpu.dma_semaphore, #tpu.memory_space<semaphore_mem>>) src(%dma_wait3A_249 : memref<640x128xf32, #tpu.memory_space<hbm>>) dst(%dma_wait3A_246 : memref<640x128xf32, #tpu.memory_space<vmem_shared>>)
          tpu.yield
        }) : () -> ()
      } else {
      }
      %ne3A = arith.constant 0 : i32
      %ne3A_234 = arith.cmpi ne, %arg0, %ne3A : i32
      %convert_element_type3A_235 = arith.extui %ne3A_234 : i1 to i32
      %cond3A_236 = arith.constant 0 : i32
      %cond3A_237 = arith.cmpi ne, %convert_element_type3A_235, %cond3A_236 : i32
      scf.if %cond3A_237 {
        "tpu.region"() ({
          %run_scoped3A = tpu.sem_alloc : memref<!tpu.dma_semaphore, #tpu.memory_space<semaphore_mem>>
          %dma_start3A_238 = arith.constant 9360 : i32
          %dma_start3A_239 = arith.constant 0 : i32
          %dma_start3A_240 = tpu.memref_slice %arg10[%dma_start3A_238, %dma_start3A_239] : memref<10000x128xf32, #tpu.memory_space<vmem_shared>> -> memref<640x128xf32, #tpu.memory_space<vmem_shared>>
          %dma_start3A_241 = arith.constant 9360 : i32
          %dma_start3A_242 = arith.constant 0 : i32
          %dma_start3A_243 = tpu.memref_slice %arg3[%dma_start3A_241, %dma_start3A_242] : memref<10000x128xf32, #tpu.memory_space<hbm>> -> memref<640x128xf32, #tpu.memory_space<hbm>>
          tpu.enqueue_dma source(%dma_start3A_243 : memref<640x128xf32, #tpu.memory_space<hbm>>) target(%dma_start3A_240 : memref<640x128xf32, #tpu.memory_space<vmem_shared>>) target_semaphore(%run_scoped3A : memref<!tpu.dma_semaphore, #tpu.memory_space<semaphore_mem>>)
          %dma_wait3A_244 = arith.constant 9360 : i32
          %dma_wait3A_245 = arith.constant 0 : i32
          %dma_wait3A_246 = tpu.memref_slice %arg10[%dma_wait3A_244, %dma_wait3A_245] : memref<10000x128xf32, #tpu.memory_space<vmem_shared>> -> memref<640x128xf32, #tpu.memory_space<vmem_shared>>
          %dma_wait3A_247 = arith.constant 9360 : i32
          %dma_wait3A_248 = arith.constant 0 : i32
          %dma_wait3A_249 = tpu.memref_slice %arg3[%dma_wait3A_247, %dma_wait3A_248] : memref<10000x128xf32, #tpu.memory_space<hbm>> -> memref<640x128xf32, #tpu.memory_space<hbm>>
          tpu.wait_dma2 semaphore(%run_scoped3A : memref<!tpu.dma_semaphore, #tpu.memory_space<semaphore_mem>>) src(%dma_wait3A_249 : memref<640x128xf32, #tpu.memory_space<hbm>>) dst(%dma_wait3A_246 : memref<640x128xf32, #tpu.memory_space<vmem_shared>>)
          tpu.yield
        }) : () -> ()
      } else {
      }
    } else {
    }
    "tpu.region"() ({
      %run_scoped3A = tpu.sem_alloc : memref<!tpu.dma_semaphore, #tpu.memory_space<semaphore_mem>>
      %dma_start3A_229 = arith.constant 0 : i32
      %dma_start3A_230 = tpu.memref_slice %arg4[%add3A, %dma_start3A_229] : memref<32x10000xi32, #tpu.memory_space<hbm>> -> memref<1x10000xi32, #tpu.memory_space<hbm>>
      %dma_start3A_231 = tpu.memref_squeeze %dma_start3A_230 : memref<1x10000xi32, #tpu.memory_space<hbm>> -> memref<10000xi32, #tpu.memory_space<hbm>>
      %dma_start3A_232 = arith.constant 0 : i32
      %dma_start3A_233 = tpu.memref_slice %arg4[%add3A, %dma_start3A_232] : memref<32x10000xi32, #tpu.memory_space<hbm>> -> memref<1x10000xi32, #tpu.memory_space<hbm>>
      %dma_start3A_234 = tpu.memref_squeeze %dma_start3A_233 : memref<1x10000xi32, #tpu.memory_space<hbm>> -> memref<10000xi32, #tpu.memory_space<hbm>>
      tpu.enqueue_dma source(%dma_start3A_234 : memref<10000xi32, #tpu.memory_space<hbm>>) target(%arg7 : memref<10000xi32, #tpu.memory_space<vmem>>) target_semaphore(%run_scoped3A : memref<!tpu.dma_semaphore, #tpu.memory_space<semaphore_mem>>)
      %dma_wait3A_235 = arith.constant 0 : i32
      %dma_wait3A_236 = tpu.memref_slice %arg4[%add3A, %dma_wait3A_235] : memref<32x10000xi32, #tpu.memory_space<hbm>> -> memref<1x10000xi32, #tpu.memory_space<hbm>>
      %dma_wait3A_237 = tpu.memref_squeeze %dma_wait3A_236 : memref<1x10000xi32, #tpu.memory_space<hbm>> -> memref<10000xi32, #tpu.memory_space<hbm>>
      %dma_wait3A_238 = arith.constant 0 : i32
      %dma_wait3A_239 = tpu.memref_slice %arg4[%add3A, %dma_wait3A_238] : memref<32x10000xi32, #tpu.memory_space<hbm>> -> memref<1x10000xi32, #tpu.memory_space<hbm>>
      %dma_wait3A_240 = tpu.memref_squeeze %dma_wait3A_239 : memref<1x10000xi32, #tpu.memory_space<hbm>> -> memref<10000xi32, #tpu.memory_space<hbm>>
      tpu.wait_dma2 semaphore(%run_scoped3A : memref<!tpu.dma_semaphore, #tpu.memory_space<semaphore_mem>>) src(%dma_wait3A_240 : memref<10000xi32, #tpu.memory_space<hbm>>) dst(%arg7 : memref<10000xi32, #tpu.memory_space<vmem>>)
      tpu.yield
    }) : () -> ()
    "tpu.region"() ({
      %run_scoped3A = tpu.sem_alloc : memref<!tpu.dma_semaphore, #tpu.memory_space<semaphore_mem>>
      %dma_start3A_229 = arith.constant 0 : i32
      %dma_start3A_230 = tpu.memref_slice %arg5[%add3A, %dma_start3A_229] : memref<32x10000xi32, #tpu.memory_space<hbm>> -> memref<1x10000xi32, #tpu.memory_space<hbm>>
      %dma_start3A_231 = tpu.memref_squeeze %dma_start3A_230 : memref<1x10000xi32, #tpu.memory_space<hbm>> -> memref<10000xi32, #tpu.memory_space<hbm>>
      %dma_start3A_232 = arith.constant 0 : i32
      %dma_start3A_233 = tpu.memref_slice %arg5[%add3A, %dma_start3A_232] : memref<32x10000xi32, #tpu.memory_space<hbm>> -> memref<1x10000xi32, #tpu.memory_space<hbm>>
      %dma_start3A_234 = tpu.memref_squeeze %dma_start3A_233 : memref<1x10000xi32, #tpu.memory_space<hbm>> -> memref<10000xi32, #tpu.memory_space<hbm>>
      tpu.enqueue_dma source(%dma_start3A_234 : memref<10000xi32, #tpu.memory_space<hbm>>) target(%arg8 : memref<10000xi32, #tpu.memory_space<vmem>>) target_semaphore(%run_scoped3A : memref<!tpu.dma_semaphore, #tpu.memory_space<semaphore_mem>>)
      %dma_wait3A_235 = arith.constant 0 : i32
      %dma_wait3A_236 = tpu.memref_slice %arg5[%add3A, %dma_wait3A_235] : memref<32x10000xi32, #tpu.memory_space<hbm>> -> memref<1x10000xi32, #tpu.memory_space<hbm>>
      %dma_wait3A_237 = tpu.memref_squeeze %dma_wait3A_236 : memref<1x10000xi32, #tpu.memory_space<hbm>> -> memref<10000xi32, #tpu.memory_space<hbm>>
      %dma_wait3A_238 = arith.constant 0 : i32
      %dma_wait3A_239 = tpu.memref_slice %arg5[%add3A, %dma_wait3A_238] : memref<32x10000xi32, #tpu.memory_space<hbm>> -> memref<1x10000xi32, #tpu.memory_space<hbm>>
      %dma_wait3A_240 = tpu.memref_squeeze %dma_wait3A_239 : memref<1x10000xi32, #tpu.memory_space<hbm>> -> memref<10000xi32, #tpu.memory_space<hbm>>
      tpu.wait_dma2 semaphore(%run_scoped3A : memref<!tpu.dma_semaphore, #tpu.memory_space<semaphore_mem>>) src(%dma_wait3A_240 : memref<10000xi32, #tpu.memory_space<hbm>>) dst(%arg8 : memref<10000xi32, #tpu.memory_space<vmem>>)
      tpu.yield
    }) : () -> ()
    %barrier3A = arith.constant 0 : index
    tpu.barrier barrier_id(%barrier3A)
    %dma_start3A = arith.constant 0 : i32
    %dma_start3A_7 = arith.constant 0 : i32
    %dma_start3A_8 = arith.constant 0 : i32
    %dma_start3A_9 = arith.constant 0 : i32
    %dma_start3A_10 = tpu.memref_slice %arg9[%dma_start3A, %dma_start3A_8, %dma_start3A_9] : memref<3x80x128xf32, #tpu.memory_space<vmem>> -> memref<1x80x128xf32, #tpu.memory_space<vmem>>
    %dma_start3A_11 = tpu.memref_squeeze %dma_start3A_10 : memref<1x80x128xf32, #tpu.memory_space<vmem>> -> memref<80x128xf32, #tpu.memory_space<vmem>>
    %dma_start3A_12 = arith.constant 0 : i32
    %dma_start3A_13 = tpu.memref_slice %arg7[%dma_start3A_12] : memref<10000xi32, #tpu.memory_space<vmem>> -> memref<80xi32, #tpu.memory_space<vmem>>
    %dma_start3A_14 = arith.constant 0 : i32
    %dma_start3A_15 = arith.constant 0 : i32
    %dma_start3A_16 = tpu.memref_slice %arg2[%dma_start3A_14, %dma_start3A_15] : memref<10000x128xf32, #tpu.memory_space<hbm>> -> memref<10000x128xf32, #tpu.memory_space<hbm>>
    %dma_start3A_17 = tpu.memref_slice %arg11[%dma_start3A_7] : memref<3x!tpu.dma_semaphore, #tpu.memory_space<semaphore_mem>> -> memref<1x!tpu.dma_semaphore, #tpu.memory_space<semaphore_mem>>
    %dma_start3A_18 = tpu.memref_squeeze %dma_start3A_17 : memref<1x!tpu.dma_semaphore, #tpu.memory_space<semaphore_mem>> -> memref<!tpu.dma_semaphore, #tpu.memory_space<semaphore_mem>>
    tpu.enqueue_indirect_dma source(%dma_start3A_16 : memref<10000x128xf32, #tpu.memory_space<hbm>>) target(%dma_start3A_11 : memref<80x128xf32, #tpu.memory_space<vmem>>) offsets(%dma_start3A_13 : memref<80xi32, #tpu.memory_space<vmem>>) semaphore(%dma_start3A_18 : memref<!tpu.dma_semaphore, #tpu.memory_space<semaphore_mem>>)
    %dma_start3A_19 = arith.constant 1 : i32
    %dma_start3A_20 = arith.constant 1 : i32
    %dma_start3A_21 = arith.constant 0 : i32
    %dma_start3A_22 = arith.constant 0 : i32
    %dma_start3A_23 = tpu.memref_slice %arg9[%dma_start3A_19, %dma_start3A_21, %dma_start3A_22] : memref<3x80x128xf32, #tpu.memory_space<vmem>> -> memref<1x80x128xf32, #tpu.memory_space<vmem>>
    %dma_start3A_24 = tpu.memref_squeeze %dma_start3A_23 : memref<1x80x128xf32, #tpu.memory_space<vmem>> -> memref<80x128xf32, #tpu.memory_space<vmem>>
    %dma_start3A_25 = arith.constant 80 : i32
    %dma_start3A_26 = tpu.memref_slice %arg7[%dma_start3A_25] : memref<10000xi32, #tpu.memory_space<vmem>> -> memref<80xi32, #tpu.memory_space<vmem>>
    %dma_start3A_27 = arith.constant 0 : i32
    %dma_start3A_28 = arith.constant 0 : i32
    %dma_start3A_29 = tpu.memref_slice %arg2[%dma_start3A_27, %dma_start3A_28] : memref<10000x128xf32, #tpu.memory_space<hbm>> -> memref<10000x128xf32, #tpu.memory_space<hbm>>
    %dma_start3A_30 = tpu.memref_slice %arg11[%dma_start3A_20] : memref<3x!tpu.dma_semaphore, #tpu.memory_space<semaphore_mem>> -> memref<1x!tpu.dma_semaphore, #tpu.memory_space<semaphore_mem>>
    %dma_start3A_31 = tpu.memref_squeeze %dma_start3A_30 : memref<1x!tpu.dma_semaphore, #tpu.memory_space<semaphore_mem>> -> memref<!tpu.dma_semaphore, #tpu.memory_space<semaphore_mem>>
    tpu.enqueue_indirect_dma source(%dma_start3A_29 : memref<10000x128xf32, #tpu.memory_space<hbm>>) target(%dma_start3A_24 : memref<80x128xf32, #tpu.memory_space<vmem>>) offsets(%dma_start3A_26 : memref<80xi32, #tpu.memory_space<vmem>>) semaphore(%dma_start3A_31 : memref<!tpu.dma_semaphore, #tpu.memory_space<semaphore_mem>>)
    %dma_wait3A = arith.constant 0 : i32
    %dma_wait3A_32 = arith.constant 0 : i32
    %dma_wait3A_33 = arith.constant 0 : i32
    %dma_wait3A_34 = arith.constant 0 : i32
    %dma_wait3A_35 = tpu.memref_slice %arg9[%dma_wait3A, %dma_wait3A_33, %dma_wait3A_34] : memref<3x80x128xf32, #tpu.memory_space<vmem>> -> memref<1x80x128xf32, #tpu.memory_space<vmem>>
    %dma_wait3A_36 = tpu.memref_squeeze %dma_wait3A_35 : memref<1x80x128xf32, #tpu.memory_space<vmem>> -> memref<80x128xf32, #tpu.memory_space<vmem>>
    %dma_wait3A_37 = arith.constant 0 : i32
    %dma_wait3A_38 = tpu.memref_slice %arg7[%dma_wait3A_37] : memref<10000xi32, #tpu.memory_space<vmem>> -> memref<80xi32, #tpu.memory_space<vmem>>
    %dma_wait3A_39 = arith.constant 0 : i32
    %dma_wait3A_40 = arith.constant 0 : i32
    %dma_wait3A_41 = tpu.memref_slice %arg2[%dma_wait3A_39, %dma_wait3A_40] : memref<10000x128xf32, #tpu.memory_space<hbm>> -> memref<10000x128xf32, #tpu.memory_space<hbm>>
    %dma_wait3A_42 = tpu.memref_slice %arg11[%dma_wait3A_32] : memref<3x!tpu.dma_semaphore, #tpu.memory_space<semaphore_mem>> -> memref<1x!tpu.dma_semaphore, #tpu.memory_space<semaphore_mem>>
    %dma_wait3A_43 = tpu.memref_squeeze %dma_wait3A_42 : memref<1x!tpu.dma_semaphore, #tpu.memory_space<semaphore_mem>> -> memref<!tpu.dma_semaphore, #tpu.memory_space<semaphore_mem>>
    tpu.wait_indirect_dma semaphore(%dma_wait3A_43 : memref<!tpu.dma_semaphore, #tpu.memory_space<semaphore_mem>>) src(%dma_wait3A_41 : memref<10000x128xf32, #tpu.memory_space<hbm>>) dst(%dma_wait3A_36 : memref<80x128xf32, #tpu.memory_space<vmem>>)
    %dma_start3A_44 = arith.constant 0 : i32
    %dma_start3A_45 = arith.constant 0 : i32
    %dma_start3A_46 = arith.constant 0 : i32
    %dma_start3A_47 = arith.constant 0 : i32
    %dma_start3A_48 = tpu.memref_slice %arg9[%dma_start3A_44, %dma_start3A_46, %dma_start3A_47] : memref<3x80x128xf32, #tpu.memory_space<vmem>> -> memref<1x80x128xf32, #tpu.memory_space<vmem>>
    %dma_start3A_49 = tpu.memref_squeeze %dma_start3A_48 : memref<1x80x128xf32, #tpu.memory_space<vmem>> -> memref<80x128xf32, #tpu.memory_space<vmem>>
    %dma_start3A_50 = arith.constant 0 : i32
    %dma_start3A_51 = tpu.memref_slice %arg8[%dma_start3A_50] : memref<10000xi32, #tpu.memory_space<vmem>> -> memref<80xi32, #tpu.memory_space<vmem>>
    %dma_start3A_52 = arith.constant 0 : i32
    %dma_start3A_53 = arith.constant 0 : i32
    %dma_start3A_54 = tpu.memref_slice %arg10[%dma_start3A_52, %dma_start3A_53] : memref<10000x128xf32, #tpu.memory_space<vmem_shared>> -> memref<10000x128xf32, #tpu.memory_space<vmem_shared>>
    %dma_start3A_55 = tpu.memref_slice %arg12[%dma_start3A_45] : memref<3x!tpu.dma_semaphore, #tpu.memory_space<semaphore_mem>> -> memref<1x!tpu.dma_semaphore, #tpu.memory_space<semaphore_mem>>
    %dma_start3A_56 = tpu.memref_squeeze %dma_start3A_55 : memref<1x!tpu.dma_semaphore, #tpu.memory_space<semaphore_mem>> -> memref<!tpu.dma_semaphore, #tpu.memory_space<semaphore_mem>>
    tpu.enqueue_indirect_dma source(%dma_start3A_49 : memref<80x128xf32, #tpu.memory_space<vmem>>) target(%dma_start3A_54 : memref<10000x128xf32, #tpu.memory_space<vmem_shared>>) offsets(%dma_start3A_51 : memref<80xi32, #tpu.memory_space<vmem>>) semaphore(%dma_start3A_56 : memref<!tpu.dma_semaphore, #tpu.memory_space<semaphore_mem>>) {add = true}
    %dma_start3A_57 = arith.constant 2 : i32
    %dma_start3A_58 = arith.constant 2 : i32
    %dma_start3A_59 = arith.constant 0 : i32
    %dma_start3A_60 = arith.constant 0 : i32
    %dma_start3A_61 = tpu.memref_slice %arg9[%dma_start3A_57, %dma_start3A_59, %dma_start3A_60] : memref<3x80x128xf32, #tpu.memory_space<vmem>> -> memref<1x80x128xf32, #tpu.memory_space<vmem>>
    %dma_start3A_62 = tpu.memref_squeeze %dma_start3A_61 : memref<1x80x128xf32, #tpu.memory_space<vmem>> -> memref<80x128xf32, #tpu.memory_space<vmem>>
    %dma_start3A_63 = arith.constant 160 : i32
    %dma_start3A_64 = tpu.memref_slice %arg7[%dma_start3A_63] : memref<10000xi32, #tpu.memory_space<vmem>> -> memref<80xi32, #tpu.memory_space<vmem>>
    %dma_start3A_65 = arith.constant 0 : i32
    %dma_start3A_66 = arith.constant 0 : i32
    %dma_start3A_67 = tpu.memref_slice %arg2[%dma_start3A_65, %dma_start3A_66] : memref<10000x128xf32, #tpu.memory_space<hbm>> -> memref<10000x128xf32, #tpu.memory_space<hbm>>
    %dma_start3A_68 = tpu.memref_slice %arg11[%dma_start3A_58] : memref<3x!tpu.dma_semaphore, #tpu.memory_space<semaphore_mem>> -> memref<1x!tpu.dma_semaphore, #tpu.memory_space<semaphore_mem>>
    %dma_start3A_69 = tpu.memref_squeeze %dma_start3A_68 : memref<1x!tpu.dma_semaphore, #tpu.memory_space<semaphore_mem>> -> memref<!tpu.dma_semaphore, #tpu.memory_space<semaphore_mem>>
    tpu.enqueue_indirect_dma source(%dma_start3A_67 : memref<10000x128xf32, #tpu.memory_space<hbm>>) target(%dma_start3A_62 : memref<80x128xf32, #tpu.memory_space<vmem>>) offsets(%dma_start3A_64 : memref<80xi32, #tpu.memory_space<vmem>>) semaphore(%dma_start3A_69 : memref<!tpu.dma_semaphore, #tpu.memory_space<semaphore_mem>>)
    %dma_wait3A_70 = arith.constant 1 : i32
    %dma_wait3A_71 = arith.constant 1 : i32
    %dma_wait3A_72 = arith.constant 0 : i32
    %dma_wait3A_73 = arith.constant 0 : i32
    %dma_wait3A_74 = tpu.memref_slice %arg9[%dma_wait3A_70, %dma_wait3A_72, %dma_wait3A_73] : memref<3x80x128xf32, #tpu.memory_space<vmem>> -> memref<1x80x128xf32, #tpu.memory_space<vmem>>
    %dma_wait3A_75 = tpu.memref_squeeze %dma_wait3A_74 : memref<1x80x128xf32, #tpu.memory_space<vmem>> -> memref<80x128xf32, #tpu.memory_space<vmem>>
    %dma_wait3A_76 = arith.constant 80 : i32
    %dma_wait3A_77 = tpu.memref_slice %arg7[%dma_wait3A_76] : memref<10000xi32, #tpu.memory_space<vmem>> -> memref<80xi32, #tpu.memory_space<vmem>>
    %dma_wait3A_78 = arith.constant 0 : i32
    %dma_wait3A_79 = arith.constant 0 : i32
    %dma_wait3A_80 = tpu.memref_slice %arg2[%dma_wait3A_78, %dma_wait3A_79] : memref<10000x128xf32, #tpu.memory_space<hbm>> -> memref<10000x128xf32, #tpu.memory_space<hbm>>
    %dma_wait3A_81 = tpu.memref_slice %arg11[%dma_wait3A_71] : memref<3x!tpu.dma_semaphore, #tpu.memory_space<semaphore_mem>> -> memref<1x!tpu.dma_semaphore, #tpu.memory_space<semaphore_mem>>
    %dma_wait3A_82 = tpu.memref_squeeze %dma_wait3A_81 : memref<1x!tpu.dma_semaphore, #tpu.memory_space<semaphore_mem>> -> memref<!tpu.dma_semaphore, #tpu.memory_space<semaphore_mem>>
    tpu.wait_indirect_dma semaphore(%dma_wait3A_82 : memref<!tpu.dma_semaphore, #tpu.memory_space<semaphore_mem>>) src(%dma_wait3A_80 : memref<10000x128xf32, #tpu.memory_space<hbm>>) dst(%dma_wait3A_75 : memref<80x128xf32, #tpu.memory_space<vmem>>)
    %dma_start3A_83 = arith.constant 1 : i32
    %dma_start3A_84 = arith.constant 1 : i32
    %dma_start3A_85 = arith.constant 0 : i32
    %dma_start3A_86 = arith.constant 0 : i32
    %dma_start3A_87 = tpu.memref_slice %arg9[%dma_start3A_83, %dma_start3A_85, %dma_start3A_86] : memref<3x80x128xf32, #tpu.memory_space<vmem>> -> memref<1x80x128xf32, #tpu.memory_space<vmem>>
    %dma_start3A_88 = tpu.memref_squeeze %dma_start3A_87 : memref<1x80x128xf32, #tpu.memory_space<vmem>> -> memref<80x128xf32, #tpu.memory_space<vmem>>
    %dma_start3A_89 = arith.constant 80 : i32
    %dma_start3A_90 = tpu.memref_slice %arg8[%dma_start3A_89] : memref<10000xi32, #tpu.memory_space<vmem>> -> memref<80xi32, #tpu.memory_space<vmem>>
    %dma_start3A_91 = arith.constant 0 : i32
    %dma_start3A_92 = arith.constant 0 : i32
    %dma_start3A_93 = tpu.memref_slice %arg10[%dma_start3A_91, %dma_start3A_92] : memref<10000x128xf32, #tpu.memory_space<vmem_shared>> -> memref<10000x128xf32, #tpu.memory_space<vmem_shared>>
    %dma_start3A_94 = tpu.memref_slice %arg12[%dma_start3A_84] : memref<3x!tpu.dma_semaphore, #tpu.memory_space<semaphore_mem>> -> memref<1x!tpu.dma_semaphore, #tpu.memory_space<semaphore_mem>>
    %dma_start3A_95 = tpu.memref_squeeze %dma_start3A_94 : memref<1x!tpu.dma_semaphore, #tpu.memory_space<semaphore_mem>> -> memref<!tpu.dma_semaphore, #tpu.memory_space<semaphore_mem>>
    tpu.enqueue_indirect_dma source(%dma_start3A_88 : memref<80x128xf32, #tpu.memory_space<vmem>>) target(%dma_start3A_93 : memref<10000x128xf32, #tpu.memory_space<vmem_shared>>) offsets(%dma_start3A_90 : memref<80xi32, #tpu.memory_space<vmem>>) semaphore(%dma_start3A_95 : memref<!tpu.dma_semaphore, #tpu.memory_space<semaphore_mem>>) {add = true}
    %dma_wait3A_96 = arith.constant 0 : i32
    %dma_wait3A_97 = arith.constant 0 : i32
    %dma_wait3A_98 = arith.constant 0 : i32
    %dma_wait3A_99 = arith.constant 0 : i32
    %dma_wait3A_100 = tpu.memref_slice %arg9[%dma_wait3A_96, %dma_wait3A_98, %dma_wait3A_99] : memref<3x80x128xf32, #tpu.memory_space<vmem>> -> memref<1x80x128xf32, #tpu.memory_space<vmem>>
    %dma_wait3A_101 = tpu.memref_squeeze %dma_wait3A_100 : memref<1x80x128xf32, #tpu.memory_space<vmem>> -> memref<80x128xf32, #tpu.memory_space<vmem>>
    %dma_wait3A_102 = arith.constant 0 : i32
    %dma_wait3A_103 = tpu.memref_slice %arg8[%dma_wait3A_102] : memref<10000xi32, #tpu.memory_space<vmem>> -> memref<80xi32, #tpu.memory_space<vmem>>
    %dma_wait3A_104 = arith.constant 0 : i32
    %dma_wait3A_105 = arith.constant 0 : i32
    %dma_wait3A_106 = tpu.memref_slice %arg10[%dma_wait3A_104, %dma_wait3A_105] : memref<10000x128xf32, #tpu.memory_space<vmem_shared>> -> memref<10000x128xf32, #tpu.memory_space<vmem_shared>>
    %dma_wait3A_107 = tpu.memref_slice %arg12[%dma_wait3A_97] : memref<3x!tpu.dma_semaphore, #tpu.memory_space<semaphore_mem>> -> memref<1x!tpu.dma_semaphore, #tpu.memory_space<semaphore_mem>>
    %dma_wait3A_108 = tpu.memref_squeeze %dma_wait3A_107 : memref<1x!tpu.dma_semaphore, #tpu.memory_space<semaphore_mem>> -> memref<!tpu.dma_semaphore, #tpu.memory_space<semaphore_mem>>
    tpu.wait_indirect_dma semaphore(%dma_wait3A_108 : memref<!tpu.dma_semaphore, #tpu.memory_space<semaphore_mem>>) src(%dma_wait3A_101 : memref<80x128xf32, #tpu.memory_space<vmem>>) dst(%dma_wait3A_106 : memref<10000x128xf32, #tpu.memory_space<vmem_shared>>)
    %dma_start3A_109 = arith.constant 0 : i32
    %dma_start3A_110 = arith.constant 0 : i32
    %dma_start3A_111 = arith.constant 0 : i32
    %dma_start3A_112 = arith.constant 0 : i32
    %dma_start3A_113 = tpu.memref_slice %arg9[%dma_start3A_109, %dma_start3A_111, %dma_start3A_112] : memref<3x80x128xf32, #tpu.memory_space<vmem>> -> memref<1x80x128xf32, #tpu.memory_space<vmem>>
    %dma_start3A_114 = tpu.memref_squeeze %dma_start3A_113 : memref<1x80x128xf32, #tpu.memory_space<vmem>> -> memref<80x128xf32, #tpu.memory_space<vmem>>
    %dma_start3A_115 = arith.constant 240 : i32
    %dma_start3A_116 = tpu.memref_slice %arg7[%dma_start3A_115] : memref<10000xi32, #tpu.memory_space<vmem>> -> memref<80xi32, #tpu.memory_space<vmem>>
    %dma_start3A_117 = arith.constant 0 : i32
    %dma_start3A_118 = arith.constant 0 : i32
    %dma_start3A_119 = tpu.memref_slice %arg2[%dma_start3A_117, %dma_start3A_118] : memref<10000x128xf32, #tpu.memory_space<hbm>> -> memref<10000x128xf32, #tpu.memory_space<hbm>>
    %dma_start3A_120 = tpu.memref_slice %arg11[%dma_start3A_110] : memref<3x!tpu.dma_semaphore, #tpu.memory_space<semaphore_mem>> -> memref<1x!tpu.dma_semaphore, #tpu.memory_space<semaphore_mem>>
    %dma_start3A_121 = tpu.memref_squeeze %dma_start3A_120 : memref<1x!tpu.dma_semaphore, #tpu.memory_space<semaphore_mem>> -> memref<!tpu.dma_semaphore, #tpu.memory_space<semaphore_mem>>
    tpu.enqueue_indirect_dma source(%dma_start3A_119 : memref<10000x128xf32, #tpu.memory_space<hbm>>) target(%dma_start3A_114 : memref<80x128xf32, #tpu.memory_space<vmem>>) offsets(%dma_start3A_116 : memref<80xi32, #tpu.memory_space<vmem>>) semaphore(%dma_start3A_121 : memref<!tpu.dma_semaphore, #tpu.memory_space<semaphore_mem>>)
    %scan3A = arith.constant 0 : i32
    %scan3A_122 = arith.constant 2 : i32
    %scan3A_123 = arith.constant 121 : i32
    %scan3A_124 = arith.addi %scan3A_122, %scan3A_123 : i32
    %scan3A_125 = arith.constant 1 : i32
    scf.for %scan3A_229 = %scan3A_122 to %scan3A_124 step %scan3A_125  : i32 {
      %rem3A = arith.constant 3 : i32
      %rem3A_230 = arith.remsi %scan3A_229, %rem3A : i32
      %add3A_231 = arith.constant 2 : i32
      %add3A_232 = arith.addi %scan3A_229, %add3A_231 : i32
      %rem3A_233 = arith.constant 3 : i32
      %rem3A_234 = arith.remsi %add3A_232, %rem3A_233 : i32
      %mul3A_235 = arith.constant 80 : i32
      %mul3A_236 = arith.muli %scan3A_229, %mul3A_235 : i32
      %dma_wait3A_237 = arith.constant 0 : i32
      %dma_wait3A_238 = arith.constant 0 : i32
      %dma_wait3A_239 = tpu.memref_slice %arg9[%rem3A_230, %dma_wait3A_237, %dma_wait3A_238] : memref<3x80x128xf32, #tpu.memory_space<vmem>> -> memref<1x80x128xf32, #tpu.memory_space<vmem>>
      %dma_wait3A_240 = tpu.memref_squeeze %dma_wait3A_239 : memref<1x80x128xf32, #tpu.memory_space<vmem>> -> memref<80x128xf32, #tpu.memory_space<vmem>>
      %dma_wait3A_241 = tpu.memref_slice %arg7[%mul3A_236] : memref<10000xi32, #tpu.memory_space<vmem>> -> memref<80xi32, #tpu.memory_space<vmem>>
      %dma_wait3A_242 = arith.constant 0 : i32
      %dma_wait3A_243 = arith.constant 0 : i32
      %dma_wait3A_244 = tpu.memref_slice %arg2[%dma_wait3A_242, %dma_wait3A_243] : memref<10000x128xf32, #tpu.memory_space<hbm>> -> memref<10000x128xf32, #tpu.memory_space<hbm>>
      %dma_wait3A_245 = tpu.memref_slice %arg11[%rem3A_230] : memref<3x!tpu.dma_semaphore, #tpu.memory_space<semaphore_mem>> -> memref<1x!tpu.dma_semaphore, #tpu.memory_space<semaphore_mem>>
      %dma_wait3A_246 = tpu.memref_squeeze %dma_wait3A_245 : memref<1x!tpu.dma_semaphore, #tpu.memory_space<semaphore_mem>> -> memref<!tpu.dma_semaphore, #tpu.memory_space<semaphore_mem>>
      tpu.wait_indirect_dma semaphore(%dma_wait3A_246 : memref<!tpu.dma_semaphore, #tpu.memory_space<semaphore_mem>>) src(%dma_wait3A_244 : memref<10000x128xf32, #tpu.memory_space<hbm>>) dst(%dma_wait3A_240 : memref<80x128xf32, #tpu.memory_space<vmem>>)
      %mul3A_247 = arith.constant 80 : i32
      %mul3A_248 = arith.muli %scan3A_229, %mul3A_247 : i32
      %dma_start3A_249 = arith.constant 0 : i32
      %dma_start3A_250 = arith.constant 0 : i32
      %dma_start3A_251 = tpu.memref_slice %arg9[%rem3A_230, %dma_start3A_249, %dma_start3A_250] : memref<3x80x128xf32, #tpu.memory_space<vmem>> -> memref<1x80x128xf32, #tpu.memory_space<vmem>>
      %dma_start3A_252 = tpu.memref_squeeze %dma_start3A_251 : memref<1x80x128xf32, #tpu.memory_space<vmem>> -> memref<80x128xf32, #tpu.memory_space<vmem>>
      %dma_start3A_253 = tpu.memref_slice %arg8[%mul3A_248] : memref<10000xi32, #tpu.memory_space<vmem>> -> memref<80xi32, #tpu.memory_space<vmem>>
      %dma_start3A_254 = arith.constant 0 : i32
      %dma_start3A_255 = arith.constant 0 : i32
      %dma_start3A_256 = tpu.memref_slice %arg10[%dma_start3A_254, %dma_start3A_255] : memref<10000x128xf32, #tpu.memory_space<vmem_shared>> -> memref<10000x128xf32, #tpu.memory_space<vmem_shared>>
      %dma_start3A_257 = tpu.memref_slice %arg12[%rem3A_230] : memref<3x!tpu.dma_semaphore, #tpu.memory_space<semaphore_mem>> -> memref<1x!tpu.dma_semaphore, #tpu.memory_space<semaphore_mem>>
      %dma_start3A_258 = tpu.memref_squeeze %dma_start3A_257 : memref<1x!tpu.dma_semaphore, #tpu.memory_space<semaphore_mem>> -> memref<!tpu.dma_semaphore, #tpu.memory_space<semaphore_mem>>
      tpu.enqueue_indirect_dma source(%dma_start3A_252 : memref<80x128xf32, #tpu.memory_space<vmem>>) target(%dma_start3A_256 : memref<10000x128xf32, #tpu.memory_space<vmem_shared>>) offsets(%dma_start3A_253 : memref<80xi32, #tpu.memory_space<vmem>>) semaphore(%dma_start3A_258 : memref<!tpu.dma_semaphore, #tpu.memory_space<semaphore_mem>>) {add = true}
      %sub3A = arith.constant 1 : i32
      %sub3A_259 = arith.subi %scan3A_229, %sub3A : i32
      %mul3A_260 = arith.constant 80 : i32
      %mul3A_261 = arith.muli %sub3A_259, %mul3A_260 : i32
      %dma_wait3A_262 = arith.constant 0 : i32
      %dma_wait3A_263 = arith.constant 0 : i32
      %dma_wait3A_264 = tpu.memref_slice %arg9[%rem3A_234, %dma_wait3A_262, %dma_wait3A_263] : memref<3x80x128xf32, #tpu.memory_space<vmem>> -> memref<1x80x128xf32, #tpu.memory_space<vmem>>
      %dma_wait3A_265 = tpu.memref_squeeze %dma_wait3A_264 : memref<1x80x128xf32, #tpu.memory_space<vmem>> -> memref<80x128xf32, #tpu.memory_space<vmem>>
      %dma_wait3A_266 = tpu.memref_slice %arg8[%mul3A_261] : memref<10000xi32, #tpu.memory_space<vmem>> -> memref<80xi32, #tpu.memory_space<vmem>>
      %dma_wait3A_267 = arith.constant 0 : i32
      %dma_wait3A_268 = arith.constant 0 : i32
      %dma_wait3A_269 = tpu.memref_slice %arg10[%dma_wait3A_267, %dma_wait3A_268] : memref<10000x128xf32, #tpu.memory_space<vmem_shared>> -> memref<10000x128xf32, #tpu.memory_space<vmem_shared>>
      %dma_wait3A_270 = tpu.memref_slice %arg12[%rem3A_234] : memref<3x!tpu.dma_semaphore, #tpu.memory_space<semaphore_mem>> -> memref<1x!tpu.dma_semaphore, #tpu.memory_space<semaphore_mem>>
      %dma_wait3A_271 = tpu.memref_squeeze %dma_wait3A_270 : memref<1x!tpu.dma_semaphore, #tpu.memory_space<semaphore_mem>> -> memref<!tpu.dma_semaphore, #tpu.memory_space<semaphore_mem>>
      tpu.wait_indirect_dma semaphore(%dma_wait3A_271 : memref<!tpu.dma_semaphore, #tpu.memory_space<semaphore_mem>>) src(%dma_wait3A_265 : memref<80x128xf32, #tpu.memory_space<vmem>>) dst(%dma_wait3A_269 : memref<10000x128xf32, #tpu.memory_space<vmem_shared>>)
      %add3A_272 = arith.constant 2 : i32
      %add3A_273 = arith.addi %scan3A_229, %add3A_272 : i32
      %mul3A_274 = arith.constant 80 : i32
      %mul3A_275 = arith.muli %add3A_273, %mul3A_274 : i32
      %dma_start3A_276 = arith.constant 0 : i32
      %dma_start3A_277 = arith.constant 0 : i32
      %dma_start3A_278 = tpu.memref_slice %arg9[%rem3A_234, %dma_start3A_276, %dma_start3A_277] : memref<3x80x128xf32, #tpu.memory_space<vmem>> -> memref<1x80x128xf32, #tpu.memory_space<vmem>>
      %dma_start3A_279 = tpu.memref_squeeze %dma_start3A_278 : memref<1x80x128xf32, #tpu.memory_space<vmem>> -> memref<80x128xf32, #tpu.memory_space<vmem>>
      %dma_start3A_280 = tpu.memref_slice %arg7[%mul3A_275] : memref<10000xi32, #tpu.memory_space<vmem>> -> memref<80xi32, #tpu.memory_space<vmem>>
      %dma_start3A_281 = arith.constant 0 : i32
      %dma_start3A_282 = arith.constant 0 : i32
      %dma_start3A_283 = tpu.memref_slice %arg2[%dma_start3A_281, %dma_start3A_282] : memref<10000x128xf32, #tpu.memory_space<hbm>> -> memref<10000x128xf32, #tpu.memory_space<hbm>>
      %dma_start3A_284 = tpu.memref_slice %arg11[%rem3A_234] : memref<3x!tpu.dma_semaphore, #tpu.memory_space<semaphore_mem>> -> memref<1x!tpu.dma_semaphore, #tpu.memory_space<semaphore_mem>>
      %dma_start3A_285 = tpu.memref_squeeze %dma_start3A_284 : memref<1x!tpu.dma_semaphore, #tpu.memory_space<semaphore_mem>> -> memref<!tpu.dma_semaphore, #tpu.memory_space<semaphore_mem>>
      tpu.enqueue_indirect_dma source(%dma_start3A_283 : memref<10000x128xf32, #tpu.memory_space<hbm>>) target(%dma_start3A_279 : memref<80x128xf32, #tpu.memory_space<vmem>>) offsets(%dma_start3A_280 : memref<80xi32, #tpu.memory_space<vmem>>) semaphore(%dma_start3A_285 : memref<!tpu.dma_semaphore, #tpu.memory_space<semaphore_mem>>)
    }
    %scan3A_126 = arith.constant 121 : i32
    %dma_wait3A_127 = arith.constant 0 : i32
    %dma_wait3A_128 = arith.constant 0 : i32
    %dma_wait3A_129 = arith.constant 0 : i32
    %dma_wait3A_130 = arith.constant 0 : i32
    %dma_wait3A_131 = tpu.memref_slice %arg9[%dma_wait3A_127, %dma_wait3A_129, %dma_wait3A_130] : memref<3x80x128xf32, #tpu.memory_space<vmem>> -> memref<1x80x128xf32, #tpu.memory_space<vmem>>
    %dma_wait3A_132 = tpu.memref_squeeze %dma_wait3A_131 : memref<1x80x128xf32, #tpu.memory_space<vmem>> -> memref<80x128xf32, #tpu.memory_space<vmem>>
    %dma_wait3A_133 = arith.constant 9840 : i32
    %dma_wait3A_134 = tpu.memref_slice %arg7[%dma_wait3A_133] : memref<10000xi32, #tpu.memory_space<vmem>> -> memref<80xi32, #tpu.memory_space<vmem>>
    %dma_wait3A_135 = arith.constant 0 : i32
    %dma_wait3A_136 = arith.constant 0 : i32
    %dma_wait3A_137 = tpu.memref_slice %arg2[%dma_wait3A_135, %dma_wait3A_136] : memref<10000x128xf32, #tpu.memory_space<hbm>> -> memref<10000x128xf32, #tpu.memory_space<hbm>>
    %dma_wait3A_138 = tpu.memref_slice %arg11[%dma_wait3A_128] : memref<3x!tpu.dma_semaphore, #tpu.memory_space<semaphore_mem>> -> memref<1x!tpu.dma_semaphore, #tpu.memory_space<semaphore_mem>>
    %dma_wait3A_139 = tpu.memref_squeeze %dma_wait3A_138 : memref<1x!tpu.dma_semaphore, #tpu.memory_space<semaphore_mem>> -> memref<!tpu.dma_semaphore, #tpu.memory_space<semaphore_mem>>
    tpu.wait_indirect_dma semaphore(%dma_wait3A_139 : memref<!tpu.dma_semaphore, #tpu.memory_space<semaphore_mem>>) src(%dma_wait3A_137 : memref<10000x128xf32, #tpu.memory_space<hbm>>) dst(%dma_wait3A_132 : memref<80x128xf32, #tpu.memory_space<vmem>>)
    %dma_start3A_140 = arith.constant 0 : i32
    %dma_start3A_141 = arith.constant 0 : i32
    %dma_start3A_142 = arith.constant 0 : i32
    %dma_start3A_143 = arith.constant 0 : i32
    %dma_start3A_144 = tpu.memref_slice %arg9[%dma_start3A_140, %dma_start3A_142, %dma_start3A_143] : memref<3x80x128xf32, #tpu.memory_space<vmem>> -> memref<1x80x128xf32, #tpu.memory_space<vmem>>
    %dma_start3A_145 = tpu.memref_squeeze %dma_start3A_144 : memref<1x80x128xf32, #tpu.memory_space<vmem>> -> memref<80x128xf32, #tpu.memory_space<vmem>>
    %dma_start3A_146 = arith.constant 9840 : i32
    %dma_start3A_147 = tpu.memref_slice %arg8[%dma_start3A_146] : memref<10000xi32, #tpu.memory_space<vmem>> -> memref<80xi32, #tpu.memory_space<vmem>>
    %dma_start3A_148 = arith.constant 0 : i32
    %dma_start3A_149 = arith.constant 0 : i32
    %dma_start3A_150 = tpu.memref_slice %arg10[%dma_start3A_148, %dma_start3A_149] : memref<10000x128xf32, #tpu.memory_space<vmem_shared>> -> memref<10000x128xf32, #tpu.memory_space<vmem_shared>>
    %dma_start3A_151 = tpu.memref_slice %arg12[%dma_start3A_141] : memref<3x!tpu.dma_semaphore, #tpu.memory_space<semaphore_mem>> -> memref<1x!tpu.dma_semaphore, #tpu.memory_space<semaphore_mem>>
    %dma_start3A_152 = tpu.memref_squeeze %dma_start3A_151 : memref<1x!tpu.dma_semaphore, #tpu.memory_space<semaphore_mem>> -> memref<!tpu.dma_semaphore, #tpu.memory_space<semaphore_mem>>
    tpu.enqueue_indirect_dma source(%dma_start3A_145 : memref<80x128xf32, #tpu.memory_space<vmem>>) target(%dma_start3A_150 : memref<10000x128xf32, #tpu.memory_space<vmem_shared>>) offsets(%dma_start3A_147 : memref<80xi32, #tpu.memory_space<vmem>>) semaphore(%dma_start3A_152 : memref<!tpu.dma_semaphore, #tpu.memory_space<semaphore_mem>>) {add = true}
    %dma_wait3A_153 = arith.constant 2 : i32
    %dma_wait3A_154 = arith.constant 2 : i32
    %dma_wait3A_155 = arith.constant 0 : i32
    %dma_wait3A_156 = arith.constant 0 : i32
    %dma_wait3A_157 = tpu.memref_slice %arg9[%dma_wait3A_153, %dma_wait3A_155, %dma_wait3A_156] : memref<3x80x128xf32, #tpu.memory_space<vmem>> -> memref<1x80x128xf32, #tpu.memory_space<vmem>>
    %dma_wait3A_158 = tpu.memref_squeeze %dma_wait3A_157 : memref<1x80x128xf32, #tpu.memory_space<vmem>> -> memref<80x128xf32, #tpu.memory_space<vmem>>
    %dma_wait3A_159 = arith.constant 9760 : i32
    %dma_wait3A_160 = tpu.memref_slice %arg8[%dma_wait3A_159] : memref<10000xi32, #tpu.memory_space<vmem>> -> memref<80xi32, #tpu.memory_space<vmem>>
    %dma_wait3A_161 = arith.constant 0 : i32
    %dma_wait3A_162 = arith.constant 0 : i32
    %dma_wait3A_163 = tpu.memref_slice %arg10[%dma_wait3A_161, %dma_wait3A_162] : memref<10000x128xf32, #tpu.memory_space<vmem_shared>> -> memref<10000x128xf32, #tpu.memory_space<vmem_shared>>
    %dma_wait3A_164 = tpu.memref_slice %arg12[%dma_wait3A_154] : memref<3x!tpu.dma_semaphore, #tpu.memory_space<semaphore_mem>> -> memref<1x!tpu.dma_semaphore, #tpu.memory_space<semaphore_mem>>
    %dma_wait3A_165 = tpu.memref_squeeze %dma_wait3A_164 : memref<1x!tpu.dma_semaphore, #tpu.memory_space<semaphore_mem>> -> memref<!tpu.dma_semaphore, #tpu.memory_space<semaphore_mem>>
    tpu.wait_indirect_dma semaphore(%dma_wait3A_165 : memref<!tpu.dma_semaphore, #tpu.memory_space<semaphore_mem>>) src(%dma_wait3A_158 : memref<80x128xf32, #tpu.memory_space<vmem>>) dst(%dma_wait3A_163 : memref<10000x128xf32, #tpu.memory_space<vmem_shared>>)
    %dma_wait3A_166 = arith.constant 1 : i32
    %dma_wait3A_167 = arith.constant 1 : i32
    %dma_wait3A_168 = arith.constant 0 : i32
    %dma_wait3A_169 = arith.constant 0 : i32
    %dma_wait3A_170 = tpu.memref_slice %arg9[%dma_wait3A_166, %dma_wait3A_168, %dma_wait3A_169] : memref<3x80x128xf32, #tpu.memory_space<vmem>> -> memref<1x80x128xf32, #tpu.memory_space<vmem>>
    %dma_wait3A_171 = tpu.memref_squeeze %dma_wait3A_170 : memref<1x80x128xf32, #tpu.memory_space<vmem>> -> memref<80x128xf32, #tpu.memory_space<vmem>>
    %dma_wait3A_172 = arith.constant 9920 : i32
    %dma_wait3A_173 = tpu.memref_slice %arg7[%dma_wait3A_172] : memref<10000xi32, #tpu.memory_space<vmem>> -> memref<80xi32, #tpu.memory_space<vmem>>
    %dma_wait3A_174 = arith.constant 0 : i32
    %dma_wait3A_175 = arith.constant 0 : i32
    %dma_wait3A_176 = tpu.memref_slice %arg2[%dma_wait3A_174, %dma_wait3A_175] : memref<10000x128xf32, #tpu.memory_space<hbm>> -> memref<10000x128xf32, #tpu.memory_space<hbm>>
    %dma_wait3A_177 = tpu.memref_slice %arg11[%dma_wait3A_167] : memref<3x!tpu.dma_semaphore, #tpu.memory_space<semaphore_mem>> -> memref<1x!tpu.dma_semaphore, #tpu.memory_space<semaphore_mem>>
    %dma_wait3A_178 = tpu.memref_squeeze %dma_wait3A_177 : memref<1x!tpu.dma_semaphore, #tpu.memory_space<semaphore_mem>> -> memref<!tpu.dma_semaphore, #tpu.memory_space<semaphore_mem>>
    tpu.wait_indirect_dma semaphore(%dma_wait3A_178 : memref<!tpu.dma_semaphore, #tpu.memory_space<semaphore_mem>>) src(%dma_wait3A_176 : memref<10000x128xf32, #tpu.memory_space<hbm>>) dst(%dma_wait3A_171 : memref<80x128xf32, #tpu.memory_space<vmem>>)
    %dma_start3A_179 = arith.constant 1 : i32
    %dma_start3A_180 = arith.constant 1 : i32
    %dma_start3A_181 = arith.constant 0 : i32
    %dma_start3A_182 = arith.constant 0 : i32
    %dma_start3A_183 = tpu.memref_slice %arg9[%dma_start3A_179, %dma_start3A_181, %dma_start3A_182] : memref<3x80x128xf32, #tpu.memory_space<vmem>> -> memref<1x80x128xf32, #tpu.memory_space<vmem>>
    %dma_start3A_184 = tpu.memref_squeeze %dma_start3A_183 : memref<1x80x128xf32, #tpu.memory_space<vmem>> -> memref<80x128xf32, #tpu.memory_space<vmem>>
    %dma_start3A_185 = arith.constant 9920 : i32
    %dma_start3A_186 = tpu.memref_slice %arg8[%dma_start3A_185] : memref<10000xi32, #tpu.memory_space<vmem>> -> memref<80xi32, #tpu.memory_space<vmem>>
    %dma_start3A_187 = arith.constant 0 : i32
    %dma_start3A_188 = arith.constant 0 : i32
    %dma_start3A_189 = tpu.memref_slice %arg10[%dma_start3A_187, %dma_start3A_188] : memref<10000x128xf32, #tpu.memory_space<vmem_shared>> -> memref<10000x128xf32, #tpu.memory_space<vmem_shared>>
    %dma_start3A_190 = tpu.memref_slice %arg12[%dma_start3A_180] : memref<3x!tpu.dma_semaphore, #tpu.memory_space<semaphore_mem>> -> memref<1x!tpu.dma_semaphore, #tpu.memory_space<semaphore_mem>>
    %dma_start3A_191 = tpu.memref_squeeze %dma_start3A_190 : memref<1x!tpu.dma_semaphore, #tpu.memory_space<semaphore_mem>> -> memref<!tpu.dma_semaphore, #tpu.memory_space<semaphore_mem>>
    tpu.enqueue_indirect_dma source(%dma_start3A_184 : memref<80x128xf32, #tpu.memory_space<vmem>>) target(%dma_start3A_189 : memref<10000x128xf32, #tpu.memory_space<vmem_shared>>) offsets(%dma_start3A_186 : memref<80xi32, #tpu.memory_space<vmem>>) semaphore(%dma_start3A_191 : memref<!tpu.dma_semaphore, #tpu.memory_space<semaphore_mem>>) {add = true}
    %dma_wait3A_192 = arith.constant 0 : i32
    %dma_wait3A_193 = arith.constant 0 : i32
    %dma_wait3A_194 = arith.constant 0 : i32
    %dma_wait3A_195 = arith.constant 0 : i32
    %dma_wait3A_196 = tpu.memref_slice %arg9[%dma_wait3A_192, %dma_wait3A_194, %dma_wait3A_195] : memref<3x80x128xf32, #tpu.memory_space<vmem>> -> memref<1x80x128xf32, #tpu.memory_space<vmem>>
    %dma_wait3A_197 = tpu.memref_squeeze %dma_wait3A_196 : memref<1x80x128xf32, #tpu.memory_space<vmem>> -> memref<80x128xf32, #tpu.memory_space<vmem>>
    %dma_wait3A_198 = arith.constant 9840 : i32
    %dma_wait3A_199 = tpu.memref_slice %arg8[%dma_wait3A_198] : memref<10000xi32, #tpu.memory_space<vmem>> -> memref<80xi32, #tpu.memory_space<vmem>>
    %dma_wait3A_200 = arith.constant 0 : i32
    %dma_wait3A_201 = arith.constant 0 : i32
    %dma_wait3A_202 = tpu.memref_slice %arg10[%dma_wait3A_200, %dma_wait3A_201] : memref<10000x128xf32, #tpu.memory_space<vmem_shared>> -> memref<10000x128xf32, #tpu.memory_space<vmem_shared>>
    %dma_wait3A_203 = tpu.memref_slice %arg12[%dma_wait3A_193] : memref<3x!tpu.dma_semaphore, #tpu.memory_space<semaphore_mem>> -> memref<1x!tpu.dma_semaphore, #tpu.memory_space<semaphore_mem>>
    %dma_wait3A_204 = tpu.memref_squeeze %dma_wait3A_203 : memref<1x!tpu.dma_semaphore, #tpu.memory_space<semaphore_mem>> -> memref<!tpu.dma_semaphore, #tpu.memory_space<semaphore_mem>>
    tpu.wait_indirect_dma semaphore(%dma_wait3A_204 : memref<!tpu.dma_semaphore, #tpu.memory_space<semaphore_mem>>) src(%dma_wait3A_197 : memref<80x128xf32, #tpu.memory_space<vmem>>) dst(%dma_wait3A_202 : memref<10000x128xf32, #tpu.memory_space<vmem_shared>>)
    %dma_wait3A_205 = arith.constant 1 : i32
    %dma_wait3A_206 = arith.constant 1 : i32
    %dma_wait3A_207 = arith.constant 0 : i32
    %dma_wait3A_208 = arith.constant 0 : i32
    %dma_wait3A_209 = tpu.memref_slice %arg9[%dma_wait3A_205, %dma_wait3A_207, %dma_wait3A_208] : memref<3x80x128xf32, #tpu.memory_space<vmem>> -> memref<1x80x128xf32, #tpu.memory_space<vmem>>
    %dma_wait3A_210 = tpu.memref_squeeze %dma_wait3A_209 : memref<1x80x128xf32, #tpu.memory_space<vmem>> -> memref<80x128xf32, #tpu.memory_space<vmem>>
    %dma_wait3A_211 = arith.constant 9920 : i32
    %dma_wait3A_212 = tpu.memref_slice %arg8[%dma_wait3A_211] : memref<10000xi32, #tpu.memory_space<vmem>> -> memref<80xi32, #tpu.memory_space<vmem>>
    %dma_wait3A_213 = arith.constant 0 : i32
    %dma_wait3A_214 = arith.constant 0 : i32
    %dma_wait3A_215 = tpu.memref_slice %arg10[%dma_wait3A_213, %dma_wait3A_214] : memref<10000x128xf32, #tpu.memory_space<vmem_shared>> -> memref<10000x128xf32, #tpu.memory_space<vmem_shared>>
    %dma_wait3A_216 = tpu.memref_slice %arg12[%dma_wait3A_206] : memref<3x!tpu.dma_semaphore, #tpu.memory_space<semaphore_mem>> -> memref<1x!tpu.dma_semaphore, #tpu.memory_space<semaphore_mem>>
    %dma_wait3A_217 = tpu.memref_squeeze %dma_wait3A_216 : memref<1x!tpu.dma_semaphore, #tpu.memory_space<semaphore_mem>> -> memref<!tpu.dma_semaphore, #tpu.memory_space<semaphore_mem>>
    tpu.wait_indirect_dma semaphore(%dma_wait3A_217 : memref<!tpu.dma_semaphore, #tpu.memory_space<semaphore_mem>>) src(%dma_wait3A_210 : memref<80x128xf32, #tpu.memory_space<vmem>>) dst(%dma_wait3A_215 : memref<10000x128xf32, #tpu.memory_space<vmem_shared>>)
    %barrier3A_218 = arith.constant 0 : index
    tpu.barrier barrier_id(%barrier3A_218)
    %lt3A_219 = arith.constant 15 : i32
    %lt3A_220 = arith.cmpi slt, %arg1, %lt3A_219 : i32
    %convert_element_type3A_221 = arith.extui %lt3A_220 : i1 to i32
    %cond3A_222 = arith.constant 0 : i32
    %cond3A_223 = arith.cmpi ne, %convert_element_type3A_221, %cond3A_222 : i32
    scf.if %cond3A_223 {
      %mul3A_229 = arith.constant 624 : i32
      %mul3A_230 = arith.muli %arg1, %mul3A_229 : i32
      %multiple_of3A = tpu.assume_multiple %mul3A_230, 8 : i32
      "tpu.region"() ({
        %run_scoped3A = tpu.sem_alloc : memref<!tpu.dma_semaphore, #tpu.memory_space<semaphore_mem>>
        %dma_start3A_231 = arith.constant 0 : i32
        %dma_start3A_232 = tpu.memref_slice %arg6[%arg0, %multiple_of3A, %dma_start3A_231] : memref<2x10000x128xf32, #tpu.memory_space<hbm>> -> memref<1x624x128xf32, #tpu.memory_space<hbm>>
        %dma_start3A_233 = tpu.memref_squeeze %dma_start3A_232 : memref<1x624x128xf32, #tpu.memory_space<hbm>> -> memref<624x128xf32, #tpu.memory_space<hbm>>
        %dma_start3A_234 = arith.constant 0 : i32
        %dma_start3A_235 = tpu.memref_slice %arg10[%multiple_of3A, %dma_start3A_234] : memref<10000x128xf32, #tpu.memory_space<vmem_shared>> -> memref<624x128xf32, #tpu.memory_space<vmem_shared>>
        tpu.enqueue_dma source(%dma_start3A_235 : memref<624x128xf32, #tpu.memory_space<vmem_shared>>) target(%dma_start3A_233 : memref<624x128xf32, #tpu.memory_space<hbm>>) target_semaphore(%run_scoped3A : memref<!tpu.dma_semaphore, #tpu.memory_space<semaphore_mem>>)
        %dma_wait3A_236 = arith.constant 0 : i32
        %dma_wait3A_237 = tpu.memref_slice %arg6[%arg0, %multiple_of3A, %dma_wait3A_236] : memref<2x10000x128xf32, #tpu.memory_space<hbm>> -> memref<1x624x128xf32, #tpu.memory_space<hbm>>
        %dma_wait3A_238 = tpu.memref_squeeze %dma_wait3A_237 : memref<1x624x128xf32, #tpu.memory_space<hbm>> -> memref<624x128xf32, #tpu.memory_space<hbm>>
        %dma_wait3A_239 = arith.constant 0 : i32
        %dma_wait3A_240 = tpu.memref_slice %arg10[%multiple_of3A, %dma_wait3A_239] : memref<10000x128xf32, #tpu.memory_space<vmem_shared>> -> memref<624x128xf32, #tpu.memory_space<vmem_shared>>
        tpu.wait_dma2 semaphore(%run_scoped3A : memref<!tpu.dma_semaphore, #tpu.memory_space<semaphore_mem>>) src(%dma_wait3A_240 : memref<624x128xf32, #tpu.memory_space<vmem_shared>>) dst(%dma_wait3A_238 : memref<624x128xf32, #tpu.memory_space<hbm>>)
        tpu.yield
      }) : () -> ()
    } else {
    }
    %eq3A_224 = arith.constant 15 : i32
    %eq3A_225 = arith.cmpi eq, %arg1, %eq3A_224 : i32
    %convert_element_type3A_226 = arith.extui %eq3A_225 : i1 to i32
    %cond3A_227 = arith.constant 0 : i32
    %cond3A_228 = arith.cmpi ne, %convert_element_type3A_226, %cond3A_227 : i32
    scf.if %cond3A_228 {
      "tpu.region"() ({
        %run_scoped3A = tpu.sem_alloc : memref<!tpu.dma_semaphore, #tpu.memory_space<semaphore_mem>>
        %dma_start3A_229 = arith.constant 9360 : i32
        %dma_start3A_230 = arith.constant 0 : i32
        %dma_start3A_231 = tpu.memref_slice %arg6[%arg0, %dma_start3A_229, %dma_start3A_230] : memref<2x10000x128xf32, #tpu.memory_space<hbm>> -> memref<1x640x128xf32, #tpu.memory_space<hbm>>
        %dma_start3A_232 = tpu.memref_squeeze %dma_start3A_231 : memref<1x640x128xf32, #tpu.memory_space<hbm>> -> memref<640x128xf32, #tpu.memory_space<hbm>>
        %dma_start3A_233 = arith.constant 9360 : i32
        %dma_start3A_234 = arith.constant 0 : i32
        %dma_start3A_235 = tpu.memref_slice %arg10[%dma_start3A_233, %dma_start3A_234] : memref<10000x128xf32, #tpu.memory_space<vmem_shared>> -> memref<640x128xf32, #tpu.memory_space<vmem_shared>>
        tpu.enqueue_dma source(%dma_start3A_235 : memref<640x128xf32, #tpu.memory_space<vmem_shared>>) target(%dma_start3A_232 : memref<640x128xf32, #tpu.memory_space<hbm>>) target_semaphore(%run_scoped3A : memref<!tpu.dma_semaphore, #tpu.memory_space<semaphore_mem>>)
        %dma_wait3A_236 = arith.constant 9360 : i32
        %dma_wait3A_237 = arith.constant 0 : i32
        %dma_wait3A_238 = tpu.memref_slice %arg6[%arg0, %dma_wait3A_236, %dma_wait3A_237] : memref<2x10000x128xf32, #tpu.memory_space<hbm>> -> memref<1x640x128xf32, #tpu.memory_space<hbm>>
        %dma_wait3A_239 = tpu.memref_squeeze %dma_wait3A_238 : memref<1x640x128xf32, #tpu.memory_space<hbm>> -> memref<640x128xf32, #tpu.memory_space<hbm>>
        %dma_wait3A_240 = arith.constant 9360 : i32
        %dma_wait3A_241 = arith.constant 0 : i32
        %dma_wait3A_242 = tpu.memref_slice %arg10[%dma_wait3A_240, %dma_wait3A_241] : memref<10000x128xf32, #tpu.memory_space<vmem_shared>> -> memref<640x128xf32, #tpu.memory_space<vmem_shared>>
        tpu.wait_dma2 semaphore(%run_scoped3A : memref<!tpu.dma_semaphore, #tpu.memory_space<semaphore_mem>>) src(%dma_wait3A_242 : memref<640x128xf32, #tpu.memory_space<vmem_shared>>) dst(%dma_wait3A_239 : memref<640x128xf32, #tpu.memory_space<hbm>>)
        tpu.yield
      }) : () -> ()
    } else {
    }
    return
  }
}

#map = affine_map<(d0, d1) -> (0, 0)>
module attributes {stable_mosaic.version = 14 : i64} {
  func.func @deg(%arg0: i32, %arg1: i32, %arg2: memref<32x10000xi32, #tpu.memory_space<hbm>>, %arg3: memref<32x10000xf32, #tpu.memory_space<hbm>>, %arg4: memref<10000xi32, #tpu.memory_space<vmem>>, %arg5: memref<10000xf32, #tpu.memory_space<vmem>>) attributes {dimension_semantics = [#tpu.dimension_semantics<core_parallel>, #tpu.dimension_semantics<subcore_parallel>], iteration_bounds = array<i64: 2, 16>, scalar_prefetch = 0 : i64, scratch_operands = 2 : i64, tpu.core_type = #tpu.core_type<sc_vector_subcore>, window_params = [{transform_indices = #map}, {transform_indices = #map}]} {
    %mul3A = arith.constant 16 : i32
    %mul3A_0 = arith.muli %arg0, %mul3A : i32
    %add3A = arith.addi %mul3A_0, %arg1 : i32
    %broadcast_in_dim3A = arith.constant 0.000000e+00 : f32
    %broadcast_in_dim3A_1 = vector.broadcast %broadcast_in_dim3A : f32 to vector<16xf32>
    %scan3A = arith.constant 0 : i32
    %scan3A_2 = arith.constant 0 : i32
    %scan3A_3 = arith.constant 625 : i32
    %scan3A_4 = arith.addi %scan3A_2, %scan3A_3 : i32
    %scan3A_5 = arith.constant 1 : i32
    scf.for %scan3A_15 = %scan3A_2 to %scan3A_4 step %scan3A_5  : i32 {
      %mul3A_16 = arith.constant 16 : i32
      %mul3A_17 = arith.muli %scan3A_15, %mul3A_16 : i32
      %swap3A = arith.index_cast %mul3A_17 : i32 to index
      %swap3A_18 = tpu.vector_load %arg5[%swap3A] {strides = array<i32>} : memref<10000xf32, #tpu.memory_space<vmem>>, vector<16xf32>,
      tpu.vector_store %arg5[%swap3A], %broadcast_in_dim3A_1 {strides = array<i32>} : memref<10000xf32, #tpu.memory_space<vmem>>, vector<16xf32>,
    }
    %scan3A_6 = arith.constant 625 : i32
    "tpu.region"() ({
      %run_scoped3A = tpu.sem_alloc : memref<!tpu.dma_semaphore, #tpu.memory_space<semaphore_mem>>
      %dma_start3A = arith.constant 0 : i32
      %dma_start3A_15 = tpu.memref_slice %arg2[%add3A, %dma_start3A] : memref<32x10000xi32, #tpu.memory_space<hbm>> -> memref<1x10000xi32, #tpu.memory_space<hbm>>
      %dma_start3A_16 = tpu.memref_squeeze %dma_start3A_15 : memref<1x10000xi32, #tpu.memory_space<hbm>> -> memref<10000xi32, #tpu.memory_space<hbm>>
      %dma_start3A_17 = arith.constant 0 : i32
      %dma_start3A_18 = tpu.memref_slice %arg2[%add3A, %dma_start3A_17] : memref<32x10000xi32, #tpu.memory_space<hbm>> -> memref<1x10000xi32, #tpu.memory_space<hbm>>
      %dma_start3A_19 = tpu.memref_squeeze %dma_start3A_18 : memref<1x10000xi32, #tpu.memory_space<hbm>> -> memref<10000xi32, #tpu.memory_space<hbm>>
      tpu.enqueue_dma source(%dma_start3A_19 : memref<10000xi32, #tpu.memory_space<hbm>>) target(%arg4 : memref<10000xi32, #tpu.memory_space<vmem>>) target_semaphore(%run_scoped3A : memref<!tpu.dma_semaphore, #tpu.memory_space<semaphore_mem>>)
      %dma_wait3A = arith.constant 0 : i32
      %dma_wait3A_20 = tpu.memref_slice %arg2[%add3A, %dma_wait3A] : memref<32x10000xi32, #tpu.memory_space<hbm>> -> memref<1x10000xi32, #tpu.memory_space<hbm>>
      %dma_wait3A_21 = tpu.memref_squeeze %dma_wait3A_20 : memref<1x10000xi32, #tpu.memory_space<hbm>> -> memref<10000xi32, #tpu.memory_space<hbm>>
      %dma_wait3A_22 = arith.constant 0 : i32
      %dma_wait3A_23 = tpu.memref_slice %arg2[%add3A, %dma_wait3A_22] : memref<32x10000xi32, #tpu.memory_space<hbm>> -> memref<1x10000xi32, #tpu.memory_space<hbm>>
      %dma_wait3A_24 = tpu.memref_squeeze %dma_wait3A_23 : memref<1x10000xi32, #tpu.memory_space<hbm>> -> memref<10000xi32, #tpu.memory_space<hbm>>
      tpu.wait_dma2 semaphore(%run_scoped3A : memref<!tpu.dma_semaphore, #tpu.memory_space<semaphore_mem>>) src(%dma_wait3A_24 : memref<10000xi32, #tpu.memory_space<hbm>>) dst(%arg4 : memref<10000xi32, #tpu.memory_space<vmem>>)
      tpu.yield
    }) : () -> ()
    %broadcast_in_dim3A_7 = arith.constant 1.000000e+00 : f32
    %broadcast_in_dim3A_8 = vector.broadcast %broadcast_in_dim3A_7 : f32 to vector<16xf32>
    %scan3A_9 = arith.constant 0 : i32
    %scan3A_10 = arith.constant 0 : i32
    %scan3A_11 = arith.constant 625 : i32
    %scan3A_12 = arith.addi %scan3A_10, %scan3A_11 : i32
    %scan3A_13 = arith.constant 1 : i32
    scf.for %scan3A_15 = %scan3A_10 to %scan3A_12 step %scan3A_13  : i32 {
      %mul3A_16 = arith.constant 16 : i32
      %mul3A_17 = arith.muli %scan3A_15, %mul3A_16 : i32
      %get3A = arith.index_cast %mul3A_17 : i32 to index
      %get3A_18 = tpu.vector_load %arg4[%get3A] {strides = array<i32>} : memref<10000xi32, #tpu.memory_space<vmem>>, vector<16xi32>,
      tpu.vector_store_idx %arg5[%get3A_18], %broadcast_in_dim3A_8 {add = true} : memref<10000xf32, #tpu.memory_space<vmem>>[vector<16xi32>], vector<16xf32>,
    }
    %scan3A_14 = arith.constant 625 : i32
    "tpu.region"() ({
      %run_scoped3A = tpu.sem_alloc : memref<!tpu.dma_semaphore, #tpu.memory_space<semaphore_mem>>
      %dma_start3A = arith.constant 0 : i32
      %dma_start3A_15 = tpu.memref_slice %arg3[%add3A, %dma_start3A] : memref<32x10000xf32, #tpu.memory_space<hbm>> -> memref<1x10000xf32, #tpu.memory_space<hbm>>
      %dma_start3A_16 = tpu.memref_squeeze %dma_start3A_15 : memref<1x10000xf32, #tpu.memory_space<hbm>> -> memref<10000xf32, #tpu.memory_space<hbm>>
      %dma_start3A_17 = arith.constant 0 : i32
      %dma_start3A_18 = tpu.memref_slice %arg3[%add3A, %dma_start3A_17] : memref<32x10000xf32, #tpu.memory_space<hbm>> -> memref<1x10000xf32, #tpu.memory_space<hbm>>
      %dma_start3A_19 = tpu.memref_squeeze %dma_start3A_18 : memref<1x10000xf32, #tpu.memory_space<hbm>> -> memref<10000xf32, #tpu.memory_space<hbm>>
      tpu.enqueue_dma source(%arg5 : memref<10000xf32, #tpu.memory_space<vmem>>) target(%dma_start3A_19 : memref<10000xf32, #tpu.memory_space<hbm>>) target_semaphore(%run_scoped3A : memref<!tpu.dma_semaphore, #tpu.memory_space<semaphore_mem>>)
      %dma_wait3A = arith.constant 0 : i32
      %dma_wait3A_20 = tpu.memref_slice %arg3[%add3A, %dma_wait3A] : memref<32x10000xf32, #tpu.memory_space<hbm>> -> memref<1x10000xf32, #tpu.memory_space<hbm>>
      %dma_wait3A_21 = tpu.memref_squeeze %dma_wait3A_20 : memref<1x10000xf32, #tpu.memory_space<hbm>> -> memref<10000xf32, #tpu.memory_space<hbm>>
      %dma_wait3A_22 = arith.constant 0 : i32
      %dma_wait3A_23 = tpu.memref_slice %arg3[%add3A, %dma_wait3A_22] : memref<32x10000xf32, #tpu.memory_space<hbm>> -> memref<1x10000xf32, #tpu.memory_space<hbm>>
      %dma_wait3A_24 = tpu.memref_squeeze %dma_wait3A_23 : memref<1x10000xf32, #tpu.memory_space<hbm>> -> memref<10000xf32, #tpu.memory_space<hbm>>
      tpu.wait_dma2 semaphore(%run_scoped3A : memref<!tpu.dma_semaphore, #tpu.memory_space<semaphore_mem>>) src(%arg5 : memref<10000xf32, #tpu.memory_space<vmem>>) dst(%dma_wait3A_24 : memref<10000xf32, #tpu.memory_space<hbm>>)
      tpu.yield
    }) : () -> ()
    return
  }
}

#map = affine_map<(d0, d1) -> (0, 0)>
#map1 = affine_map<(d0, d1) -> (0, 0, 0)>
module attributes {stable_mosaic.version = 14 : i64} {
  func.func @edge(%arg0: i32, %arg1: i32, %arg2: memref<10000x128xf32, #tpu.memory_space<hbm>>, %arg3: memref<10000x128xf32, #tpu.memory_space<hbm>>, %arg4: memref<32x10000xi32, #tpu.memory_space<hbm>>, %arg5: memref<32x10000xi32, #tpu.memory_space<hbm>>, %arg6: memref<2x10000x128xf32, #tpu.memory_space<hbm>>, %arg7: memref<10000xi32, #tpu.memory_space<vmem>>, %arg8: memref<10000xi32, #tpu.memory_space<vmem>>, %arg9: memref<3x80x128xf32, #tpu.memory_space<vmem>>, %arg10: memref<10000x128xf32, #tpu.memory_space<vmem_shared>>, %arg11: memref<3x!tpu.dma_semaphore, #tpu.memory_space<semaphore_mem>>, %arg12: memref<3x!tpu.dma_semaphore, #tpu.memory_space<semaphore_mem>>) attributes {dimension_semantics = [#tpu.dimension_semantics<core_parallel>, #tpu.dimension_semantics<subcore_parallel>], iteration_bounds = array<i64: 2, 16>, scalar_prefetch = 0 : i64, scratch_operands = 6 : i64, tpu.core_type = #tpu.core_type<sc_vector_subcore>, window_params = [{transform_indices = #map}, {transform_indices = #map}, {transform_indices = #map}, {transform_indices = #map}, {transform_indices = #map1}]} {
    %mul3A = arith.constant 16 : i32
    %mul3A_0 = arith.muli %arg0, %mul3A : i32
    %add3A = arith.addi %mul3A_0, %arg1 : i32
    %lt3A = arith.constant 15 : i32
    %lt3A_1 = arith.cmpi slt, %arg1, %lt3A : i32
    %convert_element_type3A = arith.extui %lt3A_1 : i1 to i32
    %cond3A = arith.constant 0 : i32
    %cond3A_2 = arith.cmpi ne, %convert_element_type3A, %cond3A : i32
    scf.if %cond3A_2 {
      %mul3A_229 = arith.constant 624 : i32
      %mul3A_230 = arith.muli %arg1, %mul3A_229 : i32
      %multiple_of3A = tpu.assume_multiple %mul3A_230, 8 : i32
      %eq3A_231 = arith.constant 0 : i32
      %eq3A_232 = arith.cmpi eq, %arg0, %eq3A_231 : i32
      %convert_element_type3A_233 = arith.extui %eq3A_232 : i1 to i32
      %cond3A_234 = arith.constant 0 : i32
      %cond3A_235 = arith.cmpi ne, %convert_element_type3A_233, %cond3A_234 : i32
      scf.if %cond3A_235 {
        "tpu.region"() ({
          %run_scoped3A = tpu.sem_alloc : memref<!tpu.dma_semaphore, #tpu.memory_space<semaphore_mem>>
          %dma_start3A_240 = arith.constant 0 : i32
          %dma_start3A_241 = tpu.memref_slice %arg10[%multiple_of3A, %dma_start3A_240] : memref<10000x128xf32, #tpu.memory_space<vmem_shared>> -> memref<624x128xf32, #tpu.memory_space<vmem_shared>>
          %dma_start3A_242 = arith.constant 0 : i32
          %dma_start3A_243 = tpu.memref_slice %arg2[%multiple_of3A, %dma_start3A_242] : memref<10000x128xf32, #tpu.memory_space<hbm>> -> memref<624x128xf32, #tpu.memory_space<hbm>>
          tpu.enqueue_dma source(%dma_start3A_243 : memref<624x128xf32, #tpu.memory_space<hbm>>) target(%dma_start3A_241 : memref<624x128xf32, #tpu.memory_space<vmem_shared>>) target_semaphore(%run_scoped3A : memref<!tpu.dma_semaphore, #tpu.memory_space<semaphore_mem>>)
          %dma_wait3A_244 = arith.constant 0 : i32
          %dma_wait3A_245 = tpu.memref_slice %arg10[%multiple_of3A, %dma_wait3A_244] : memref<10000x128xf32, #tpu.memory_space<vmem_shared>> -> memref<624x128xf32, #tpu.memory_space<vmem_shared>>
          %dma_wait3A_246 = arith.constant 0 : i32
          %dma_wait3A_247 = tpu.memref_slice %arg2[%multiple_of3A, %dma_wait3A_246] : memref<10000x128xf32, #tpu.memory_space<hbm>> -> memref<624x128xf32, #tpu.memory_space<hbm>>
          tpu.wait_dma2 semaphore(%run_scoped3A : memref<!tpu.dma_semaphore, #tpu.memory_space<semaphore_mem>>) src(%dma_wait3A_247 : memref<624x128xf32, #tpu.memory_space<hbm>>) dst(%dma_wait3A_245 : memref<624x128xf32, #tpu.memory_space<vmem_shared>>)
          tpu.yield
        }) : () -> ()
      } else {
      }
      %ne3A = arith.constant 0 : i32
      %ne3A_236 = arith.cmpi ne, %arg0, %ne3A : i32
      %convert_element_type3A_237 = arith.extui %ne3A_236 : i1 to i32
      %cond3A_238 = arith.constant 0 : i32
      %cond3A_239 = arith.cmpi ne, %convert_element_type3A_237, %cond3A_238 : i32
      scf.if %cond3A_239 {
        "tpu.region"() ({
          %run_scoped3A = tpu.sem_alloc : memref<!tpu.dma_semaphore, #tpu.memory_space<semaphore_mem>>
          %dma_start3A_240 = arith.constant 0 : i32
          %dma_start3A_241 = tpu.memref_slice %arg10[%multiple_of3A, %dma_start3A_240] : memref<10000x128xf32, #tpu.memory_space<vmem_shared>> -> memref<624x128xf32, #tpu.memory_space<vmem_shared>>
          %dma_start3A_242 = arith.constant 0 : i32
          %dma_start3A_243 = tpu.memref_slice %arg3[%multiple_of3A, %dma_start3A_242] : memref<10000x128xf32, #tpu.memory_space<hbm>> -> memref<624x128xf32, #tpu.memory_space<hbm>>
          tpu.enqueue_dma source(%dma_start3A_243 : memref<624x128xf32, #tpu.memory_space<hbm>>) target(%dma_start3A_241 : memref<624x128xf32, #tpu.memory_space<vmem_shared>>) target_semaphore(%run_scoped3A : memref<!tpu.dma_semaphore, #tpu.memory_space<semaphore_mem>>)
          %dma_wait3A_244 = arith.constant 0 : i32
          %dma_wait3A_245 = tpu.memref_slice %arg10[%multiple_of3A, %dma_wait3A_244] : memref<10000x128xf32, #tpu.memory_space<vmem_shared>> -> memref<624x128xf32, #tpu.memory_space<vmem_shared>>
          %dma_wait3A_246 = arith.constant 0 : i32
          %dma_wait3A_247 = tpu.memref_slice %arg3[%multiple_of3A, %dma_wait3A_246] : memref<10000x128xf32, #tpu.memory_space<hbm>> -> memref<624x128xf32, #tpu.memory_space<hbm>>
          tpu.wait_dma2 semaphore(%run_scoped3A : memref<!tpu.dma_semaphore, #tpu.memory_space<semaphore_mem>>) src(%dma_wait3A_247 : memref<624x128xf32, #tpu.memory_space<hbm>>) dst(%dma_wait3A_245 : memref<624x128xf32, #tpu.memory_space<vmem_shared>>)
          tpu.yield
        }) : () -> ()
      } else {
      }
    } else {
    }
    %eq3A = arith.constant 15 : i32
    %eq3A_3 = arith.cmpi eq, %arg1, %eq3A : i32
    %convert_element_type3A_4 = arith.extui %eq3A_3 : i1 to i32
    %cond3A_5 = arith.constant 0 : i32
    %cond3A_6 = arith.cmpi ne, %convert_element_type3A_4, %cond3A_5 : i32
    scf.if %cond3A_6 {
      %eq3A_229 = arith.constant 0 : i32
      %eq3A_230 = arith.cmpi eq, %arg0, %eq3A_229 : i32
      %convert_element_type3A_231 = arith.extui %eq3A_230 : i1 to i32
      %cond3A_232 = arith.constant 0 : i32
      %cond3A_233 = arith.cmpi ne, %convert_element_type3A_231, %cond3A_232 : i32
      scf.if %cond3A_233 {
        "tpu.region"() ({
          %run_scoped3A = tpu.sem_alloc : memref<!tpu.dma_semaphore, #tpu.memory_space<semaphore_mem>>
          %dma_start3A_238 = arith.constant 9360 : i32
          %dma_start3A_239 = arith.constant 0 : i32
          %dma_start3A_240 = tpu.memref_slice %arg10[%dma_start3A_238, %dma_start3A_239] : memref<10000x128xf32, #tpu.memory_space<vmem_shared>> -> memref<640x128xf32, #tpu.memory_space<vmem_shared>>
          %dma_start3A_241 = arith.constant 9360 : i32
          %dma_start3A_242 = arith.constant 0 : i32
          %dma_start3A_243 = tpu.memref_slice %arg2[%dma_start3A_241, %dma_start3A_242] : memref<10000x128xf32, #tpu.memory_space<hbm>> -> memref<640x128xf32, #tpu.memory_space<hbm>>
          tpu.enqueue_dma source(%dma_start3A_243 : memref<640x128xf32, #tpu.memory_space<hbm>>) target(%dma_start3A_240 : memref<640x128xf32, #tpu.memory_space<vmem_shared>>) target_semaphore(%run_scoped3A : memref<!tpu.dma_semaphore, #tpu.memory_space<semaphore_mem>>)
          %dma_wait3A_244 = arith.constant 9360 : i32
          %dma_wait3A_245 = arith.constant 0 : i32
          %dma_wait3A_246 = tpu.memref_slice %arg10[%dma_wait3A_244, %dma_wait3A_245] : memref<10000x128xf32, #tpu.memory_space<vmem_shared>> -> memref<640x128xf32, #tpu.memory_space<vmem_shared>>
          %dma_wait3A_247 = arith.constant 9360 : i32
          %dma_wait3A_248 = arith.constant 0 : i32
          %dma_wait3A_249 = tpu.memref_slice %arg2[%dma_wait3A_247, %dma_wait3A_248] : memref<10000x128xf32, #tpu.memory_space<hbm>> -> memref<640x128xf32, #tpu.memory_space<hbm>>
          tpu.wait_dma2 semaphore(%run_scoped3A : memref<!tpu.dma_semaphore, #tpu.memory_space<semaphore_mem>>) src(%dma_wait3A_249 : memref<640x128xf32, #tpu.memory_space<hbm>>) dst(%dma_wait3A_246 : memref<640x128xf32, #tpu.memory_space<vmem_shared>>)
          tpu.yield
        }) : () -> ()
      } else {
      }
      %ne3A = arith.constant 0 : i32
      %ne3A_234 = arith.cmpi ne, %arg0, %ne3A : i32
      %convert_element_type3A_235 = arith.extui %ne3A_234 : i1 to i32
      %cond3A_236 = arith.constant 0 : i32
      %cond3A_237 = arith.cmpi ne, %convert_element_type3A_235, %cond3A_236 : i32
      scf.if %cond3A_237 {
        "tpu.region"() ({
          %run_scoped3A = tpu.sem_alloc : memref<!tpu.dma_semaphore, #tpu.memory_space<semaphore_mem>>
          %dma_start3A_238 = arith.constant 9360 : i32
          %dma_start3A_239 = arith.constant 0 : i32
          %dma_start3A_240 = tpu.memref_slice %arg10[%dma_start3A_238, %dma_start3A_239] : memref<10000x128xf32, #tpu.memory_space<vmem_shared>> -> memref<640x128xf32, #tpu.memory_space<vmem_shared>>
          %dma_start3A_241 = arith.constant 9360 : i32
          %dma_start3A_242 = arith.constant 0 : i32
          %dma_start3A_243 = tpu.memref_slice %arg3[%dma_start3A_241, %dma_start3A_242] : memref<10000x128xf32, #tpu.memory_space<hbm>> -> memref<640x128xf32, #tpu.memory_space<hbm>>
          tpu.enqueue_dma source(%dma_start3A_243 : memref<640x128xf32, #tpu.memory_space<hbm>>) target(%dma_start3A_240 : memref<640x128xf32, #tpu.memory_space<vmem_shared>>) target_semaphore(%run_scoped3A : memref<!tpu.dma_semaphore, #tpu.memory_space<semaphore_mem>>)
          %dma_wait3A_244 = arith.constant 9360 : i32
          %dma_wait3A_245 = arith.constant 0 : i32
          %dma_wait3A_246 = tpu.memref_slice %arg10[%dma_wait3A_244, %dma_wait3A_245] : memref<10000x128xf32, #tpu.memory_space<vmem_shared>> -> memref<640x128xf32, #tpu.memory_space<vmem_shared>>
          %dma_wait3A_247 = arith.constant 9360 : i32
          %dma_wait3A_248 = arith.constant 0 : i32
          %dma_wait3A_249 = tpu.memref_slice %arg3[%dma_wait3A_247, %dma_wait3A_248] : memref<10000x128xf32, #tpu.memory_space<hbm>> -> memref<640x128xf32, #tpu.memory_space<hbm>>
          tpu.wait_dma2 semaphore(%run_scoped3A : memref<!tpu.dma_semaphore, #tpu.memory_space<semaphore_mem>>) src(%dma_wait3A_249 : memref<640x128xf32, #tpu.memory_space<hbm>>) dst(%dma_wait3A_246 : memref<640x128xf32, #tpu.memory_space<vmem_shared>>)
          tpu.yield
        }) : () -> ()
      } else {
      }
    } else {
    }
    "tpu.region"() ({
      %run_scoped3A = tpu.sem_alloc : memref<!tpu.dma_semaphore, #tpu.memory_space<semaphore_mem>>
      %dma_start3A_229 = arith.constant 0 : i32
      %dma_start3A_230 = tpu.memref_slice %arg4[%add3A, %dma_start3A_229] : memref<32x10000xi32, #tpu.memory_space<hbm>> -> memref<1x10000xi32, #tpu.memory_space<hbm>>
      %dma_start3A_231 = tpu.memref_squeeze %dma_start3A_230 : memref<1x10000xi32, #tpu.memory_space<hbm>> -> memref<10000xi32, #tpu.memory_space<hbm>>
      %dma_start3A_232 = arith.constant 0 : i32
      %dma_start3A_233 = tpu.memref_slice %arg4[%add3A, %dma_start3A_232] : memref<32x10000xi32, #tpu.memory_space<hbm>> -> memref<1x10000xi32, #tpu.memory_space<hbm>>
      %dma_start3A_234 = tpu.memref_squeeze %dma_start3A_233 : memref<1x10000xi32, #tpu.memory_space<hbm>> -> memref<10000xi32, #tpu.memory_space<hbm>>
      tpu.enqueue_dma source(%dma_start3A_234 : memref<10000xi32, #tpu.memory_space<hbm>>) target(%arg7 : memref<10000xi32, #tpu.memory_space<vmem>>) target_semaphore(%run_scoped3A : memref<!tpu.dma_semaphore, #tpu.memory_space<semaphore_mem>>)
      %dma_wait3A_235 = arith.constant 0 : i32
      %dma_wait3A_236 = tpu.memref_slice %arg4[%add3A, %dma_wait3A_235] : memref<32x10000xi32, #tpu.memory_space<hbm>> -> memref<1x10000xi32, #tpu.memory_space<hbm>>
      %dma_wait3A_237 = tpu.memref_squeeze %dma_wait3A_236 : memref<1x10000xi32, #tpu.memory_space<hbm>> -> memref<10000xi32, #tpu.memory_space<hbm>>
      %dma_wait3A_238 = arith.constant 0 : i32
      %dma_wait3A_239 = tpu.memref_slice %arg4[%add3A, %dma_wait3A_238] : memref<32x10000xi32, #tpu.memory_space<hbm>> -> memref<1x10000xi32, #tpu.memory_space<hbm>>
      %dma_wait3A_240 = tpu.memref_squeeze %dma_wait3A_239 : memref<1x10000xi32, #tpu.memory_space<hbm>> -> memref<10000xi32, #tpu.memory_space<hbm>>
      tpu.wait_dma2 semaphore(%run_scoped3A : memref<!tpu.dma_semaphore, #tpu.memory_space<semaphore_mem>>) src(%dma_wait3A_240 : memref<10000xi32, #tpu.memory_space<hbm>>) dst(%arg7 : memref<10000xi32, #tpu.memory_space<vmem>>)
      tpu.yield
    }) : () -> ()
    "tpu.region"() ({
      %run_scoped3A = tpu.sem_alloc : memref<!tpu.dma_semaphore, #tpu.memory_space<semaphore_mem>>
      %dma_start3A_229 = arith.constant 0 : i32
      %dma_start3A_230 = tpu.memref_slice %arg5[%add3A, %dma_start3A_229] : memref<32x10000xi32, #tpu.memory_space<hbm>> -> memref<1x10000xi32, #tpu.memory_space<hbm>>
      %dma_start3A_231 = tpu.memref_squeeze %dma_start3A_230 : memref<1x10000xi32, #tpu.memory_space<hbm>> -> memref<10000xi32, #tpu.memory_space<hbm>>
      %dma_start3A_232 = arith.constant 0 : i32
      %dma_start3A_233 = tpu.memref_slice %arg5[%add3A, %dma_start3A_232] : memref<32x10000xi32, #tpu.memory_space<hbm>> -> memref<1x10000xi32, #tpu.memory_space<hbm>>
      %dma_start3A_234 = tpu.memref_squeeze %dma_start3A_233 : memref<1x10000xi32, #tpu.memory_space<hbm>> -> memref<10000xi32, #tpu.memory_space<hbm>>
      tpu.enqueue_dma source(%dma_start3A_234 : memref<10000xi32, #tpu.memory_space<hbm>>) target(%arg8 : memref<10000xi32, #tpu.memory_space<vmem>>) target_semaphore(%run_scoped3A : memref<!tpu.dma_semaphore, #tpu.memory_space<semaphore_mem>>)
      %dma_wait3A_235 = arith.constant 0 : i32
      %dma_wait3A_236 = tpu.memref_slice %arg5[%add3A, %dma_wait3A_235] : memref<32x10000xi32, #tpu.memory_space<hbm>> -> memref<1x10000xi32, #tpu.memory_space<hbm>>
      %dma_wait3A_237 = tpu.memref_squeeze %dma_wait3A_236 : memref<1x10000xi32, #tpu.memory_space<hbm>> -> memref<10000xi32, #tpu.memory_space<hbm>>
      %dma_wait3A_238 = arith.constant 0 : i32
      %dma_wait3A_239 = tpu.memref_slice %arg5[%add3A, %dma_wait3A_238] : memref<32x10000xi32, #tpu.memory_space<hbm>> -> memref<1x10000xi32, #tpu.memory_space<hbm>>
      %dma_wait3A_240 = tpu.memref_squeeze %dma_wait3A_239 : memref<1x10000xi32, #tpu.memory_space<hbm>> -> memref<10000xi32, #tpu.memory_space<hbm>>
      tpu.wait_dma2 semaphore(%run_scoped3A : memref<!tpu.dma_semaphore, #tpu.memory_space<semaphore_mem>>) src(%dma_wait3A_240 : memref<10000xi32, #tpu.memory_space<hbm>>) dst(%arg8 : memref<10000xi32, #tpu.memory_space<vmem>>)
      tpu.yield
    }) : () -> ()
    %barrier3A = arith.constant 0 : index
    tpu.barrier barrier_id(%barrier3A)
    %dma_start3A = arith.constant 0 : i32
    %dma_start3A_7 = arith.constant 0 : i32
    %dma_start3A_8 = arith.constant 0 : i32
    %dma_start3A_9 = arith.constant 0 : i32
    %dma_start3A_10 = tpu.memref_slice %arg9[%dma_start3A, %dma_start3A_8, %dma_start3A_9] : memref<3x80x128xf32, #tpu.memory_space<vmem>> -> memref<1x80x128xf32, #tpu.memory_space<vmem>>
    %dma_start3A_11 = tpu.memref_squeeze %dma_start3A_10 : memref<1x80x128xf32, #tpu.memory_space<vmem>> -> memref<80x128xf32, #tpu.memory_space<vmem>>
    %dma_start3A_12 = arith.constant 0 : i32
    %dma_start3A_13 = tpu.memref_slice %arg7[%dma_start3A_12] : memref<10000xi32, #tpu.memory_space<vmem>> -> memref<80xi32, #tpu.memory_space<vmem>>
    %dma_start3A_14 = arith.constant 0 : i32
    %dma_start3A_15 = arith.constant 0 : i32
    %dma_start3A_16 = tpu.memref_slice %arg2[%dma_start3A_14, %dma_start3A_15] : memref<10000x128xf32, #tpu.memory_space<hbm>> -> memref<10000x128xf32, #tpu.memory_space<hbm>>
    %dma_start3A_17 = tpu.memref_slice %arg11[%dma_start3A_7] : memref<3x!tpu.dma_semaphore, #tpu.memory_space<semaphore_mem>> -> memref<1x!tpu.dma_semaphore, #tpu.memory_space<semaphore_mem>>
    %dma_start3A_18 = tpu.memref_squeeze %dma_start3A_17 : memref<1x!tpu.dma_semaphore, #tpu.memory_space<semaphore_mem>> -> memref<!tpu.dma_semaphore, #tpu.memory_space<semaphore_mem>>
    tpu.enqueue_indirect_dma source(%dma_start3A_16 : memref<10000x128xf32, #tpu.memory_space<hbm>>) target(%dma_start3A_11 : memref<80x128xf32, #tpu.memory_space<vmem>>) offsets(%dma_start3A_13 : memref<80xi32, #tpu.memory_space<vmem>>) semaphore(%dma_start3A_18 : memref<!tpu.dma_semaphore, #tpu.memory_space<semaphore_mem>>)
    %dma_start3A_19 = arith.constant 1 : i32
    %dma_start3A_20 = arith.constant 1 : i32
    %dma_start3A_21 = arith.constant 0 : i32
    %dma_start3A_22 = arith.constant 0 : i32
    %dma_start3A_23 = tpu.memref_slice %arg9[%dma_start3A_19, %dma_start3A_21, %dma_start3A_22] : memref<3x80x128xf32, #tpu.memory_space<vmem>> -> memref<1x80x128xf32, #tpu.memory_space<vmem>>
    %dma_start3A_24 = tpu.memref_squeeze %dma_start3A_23 : memref<1x80x128xf32, #tpu.memory_space<vmem>> -> memref<80x128xf32, #tpu.memory_space<vmem>>
    %dma_start3A_25 = arith.constant 80 : i32
    %dma_start3A_26 = tpu.memref_slice %arg7[%dma_start3A_25] : memref<10000xi32, #tpu.memory_space<vmem>> -> memref<80xi32, #tpu.memory_space<vmem>>
    %dma_start3A_27 = arith.constant 0 : i32
    %dma_start3A_28 = arith.constant 0 : i32
    %dma_start3A_29 = tpu.memref_slice %arg2[%dma_start3A_27, %dma_start3A_28] : memref<10000x128xf32, #tpu.memory_space<hbm>> -> memref<10000x128xf32, #tpu.memory_space<hbm>>
    %dma_start3A_30 = tpu.memref_slice %arg11[%dma_start3A_20] : memref<3x!tpu.dma_semaphore, #tpu.memory_space<semaphore_mem>> -> memref<1x!tpu.dma_semaphore, #tpu.memory_space<semaphore_mem>>
    %dma_start3A_31 = tpu.memref_squeeze %dma_start3A_30 : memref<1x!tpu.dma_semaphore, #tpu.memory_space<semaphore_mem>> -> memref<!tpu.dma_semaphore, #tpu.memory_space<semaphore_mem>>
    tpu.enqueue_indirect_dma source(%dma_start3A_29 : memref<10000x128xf32, #tpu.memory_space<hbm>>) target(%dma_start3A_24 : memref<80x128xf32, #tpu.memory_space<vmem>>) offsets(%dma_start3A_26 : memref<80xi32, #tpu.memory_space<vmem>>) semaphore(%dma_start3A_31 : memref<!tpu.dma_semaphore, #tpu.memory_space<semaphore_mem>>)
    %dma_wait3A = arith.constant 0 : i32
    %dma_wait3A_32 = arith.constant 0 : i32
    %dma_wait3A_33 = arith.constant 0 : i32
    %dma_wait3A_34 = arith.constant 0 : i32
    %dma_wait3A_35 = tpu.memref_slice %arg9[%dma_wait3A, %dma_wait3A_33, %dma_wait3A_34] : memref<3x80x128xf32, #tpu.memory_space<vmem>> -> memref<1x80x128xf32, #tpu.memory_space<vmem>>
    %dma_wait3A_36 = tpu.memref_squeeze %dma_wait3A_35 : memref<1x80x128xf32, #tpu.memory_space<vmem>> -> memref<80x128xf32, #tpu.memory_space<vmem>>
    %dma_wait3A_37 = arith.constant 0 : i32
    %dma_wait3A_38 = tpu.memref_slice %arg7[%dma_wait3A_37] : memref<10000xi32, #tpu.memory_space<vmem>> -> memref<80xi32, #tpu.memory_space<vmem>>
    %dma_wait3A_39 = arith.constant 0 : i32
    %dma_wait3A_40 = arith.constant 0 : i32
    %dma_wait3A_41 = tpu.memref_slice %arg2[%dma_wait3A_39, %dma_wait3A_40] : memref<10000x128xf32, #tpu.memory_space<hbm>> -> memref<10000x128xf32, #tpu.memory_space<hbm>>
    %dma_wait3A_42 = tpu.memref_slice %arg11[%dma_wait3A_32] : memref<3x!tpu.dma_semaphore, #tpu.memory_space<semaphore_mem>> -> memref<1x!tpu.dma_semaphore, #tpu.memory_space<semaphore_mem>>
    %dma_wait3A_43 = tpu.memref_squeeze %dma_wait3A_42 : memref<1x!tpu.dma_semaphore, #tpu.memory_space<semaphore_mem>> -> memref<!tpu.dma_semaphore, #tpu.memory_space<semaphore_mem>>
    tpu.wait_indirect_dma semaphore(%dma_wait3A_43 : memref<!tpu.dma_semaphore, #tpu.memory_space<semaphore_mem>>) src(%dma_wait3A_41 : memref<10000x128xf32, #tpu.memory_space<hbm>>) dst(%dma_wait3A_36 : memref<80x128xf32, #tpu.memory_space<vmem>>)
    %dma_start3A_44 = arith.constant 0 : i32
    %dma_start3A_45 = arith.constant 0 : i32
    %dma_start3A_46 = arith.constant 0 : i32
    %dma_start3A_47 = arith.constant 0 : i32
    %dma_start3A_48 = tpu.memref_slice %arg9[%dma_start3A_44, %dma_start3A_46, %dma_start3A_47] : memref<3x80x128xf32, #tpu.memory_space<vmem>> -> memref<1x80x128xf32, #tpu.memory_space<vmem>>
    %dma_start3A_49 = tpu.memref_squeeze %dma_start3A_48 : memref<1x80x128xf32, #tpu.memory_space<vmem>> -> memref<80x128xf32, #tpu.memory_space<vmem>>
    %dma_start3A_50 = arith.constant 0 : i32
    %dma_start3A_51 = tpu.memref_slice %arg8[%dma_start3A_50] : memref<10000xi32, #tpu.memory_space<vmem>> -> memref<80xi32, #tpu.memory_space<vmem>>
    %dma_start3A_52 = arith.constant 0 : i32
    %dma_start3A_53 = arith.constant 0 : i32
    %dma_start3A_54 = tpu.memref_slice %arg10[%dma_start3A_52, %dma_start3A_53] : memref<10000x128xf32, #tpu.memory_space<vmem_shared>> -> memref<10000x128xf32, #tpu.memory_space<vmem_shared>>
    %dma_start3A_55 = tpu.memref_slice %arg12[%dma_start3A_45] : memref<3x!tpu.dma_semaphore, #tpu.memory_space<semaphore_mem>> -> memref<1x!tpu.dma_semaphore, #tpu.memory_space<semaphore_mem>>
    %dma_start3A_56 = tpu.memref_squeeze %dma_start3A_55 : memref<1x!tpu.dma_semaphore, #tpu.memory_space<semaphore_mem>> -> memref<!tpu.dma_semaphore, #tpu.memory_space<semaphore_mem>>
    tpu.enqueue_indirect_dma source(%dma_start3A_49 : memref<80x128xf32, #tpu.memory_space<vmem>>) target(%dma_start3A_54 : memref<10000x128xf32, #tpu.memory_space<vmem_shared>>) offsets(%dma_start3A_51 : memref<80xi32, #tpu.memory_space<vmem>>) semaphore(%dma_start3A_56 : memref<!tpu.dma_semaphore, #tpu.memory_space<semaphore_mem>>) {add = true}
    %dma_start3A_57 = arith.constant 2 : i32
    %dma_start3A_58 = arith.constant 2 : i32
    %dma_start3A_59 = arith.constant 0 : i32
    %dma_start3A_60 = arith.constant 0 : i32
    %dma_start3A_61 = tpu.memref_slice %arg9[%dma_start3A_57, %dma_start3A_59, %dma_start3A_60] : memref<3x80x128xf32, #tpu.memory_space<vmem>> -> memref<1x80x128xf32, #tpu.memory_space<vmem>>
    %dma_start3A_62 = tpu.memref_squeeze %dma_start3A_61 : memref<1x80x128xf32, #tpu.memory_space<vmem>> -> memref<80x128xf32, #tpu.memory_space<vmem>>
    %dma_start3A_63 = arith.constant 160 : i32
    %dma_start3A_64 = tpu.memref_slice %arg7[%dma_start3A_63] : memref<10000xi32, #tpu.memory_space<vmem>> -> memref<80xi32, #tpu.memory_space<vmem>>
    %dma_start3A_65 = arith.constant 0 : i32
    %dma_start3A_66 = arith.constant 0 : i32
    %dma_start3A_67 = tpu.memref_slice %arg2[%dma_start3A_65, %dma_start3A_66] : memref<10000x128xf32, #tpu.memory_space<hbm>> -> memref<10000x128xf32, #tpu.memory_space<hbm>>
    %dma_start3A_68 = tpu.memref_slice %arg11[%dma_start3A_58] : memref<3x!tpu.dma_semaphore, #tpu.memory_space<semaphore_mem>> -> memref<1x!tpu.dma_semaphore, #tpu.memory_space<semaphore_mem>>
    %dma_start3A_69 = tpu.memref_squeeze %dma_start3A_68 : memref<1x!tpu.dma_semaphore, #tpu.memory_space<semaphore_mem>> -> memref<!tpu.dma_semaphore, #tpu.memory_space<semaphore_mem>>
    tpu.enqueue_indirect_dma source(%dma_start3A_67 : memref<10000x128xf32, #tpu.memory_space<hbm>>) target(%dma_start3A_62 : memref<80x128xf32, #tpu.memory_space<vmem>>) offsets(%dma_start3A_64 : memref<80xi32, #tpu.memory_space<vmem>>) semaphore(%dma_start3A_69 : memref<!tpu.dma_semaphore, #tpu.memory_space<semaphore_mem>>)
    %dma_wait3A_70 = arith.constant 1 : i32
    %dma_wait3A_71 = arith.constant 1 : i32
    %dma_wait3A_72 = arith.constant 0 : i32
    %dma_wait3A_73 = arith.constant 0 : i32
    %dma_wait3A_74 = tpu.memref_slice %arg9[%dma_wait3A_70, %dma_wait3A_72, %dma_wait3A_73] : memref<3x80x128xf32, #tpu.memory_space<vmem>> -> memref<1x80x128xf32, #tpu.memory_space<vmem>>
    %dma_wait3A_75 = tpu.memref_squeeze %dma_wait3A_74 : memref<1x80x128xf32, #tpu.memory_space<vmem>> -> memref<80x128xf32, #tpu.memory_space<vmem>>
    %dma_wait3A_76 = arith.constant 80 : i32
    %dma_wait3A_77 = tpu.memref_slice %arg7[%dma_wait3A_76] : memref<10000xi32, #tpu.memory_space<vmem>> -> memref<80xi32, #tpu.memory_space<vmem>>
    %dma_wait3A_78 = arith.constant 0 : i32
    %dma_wait3A_79 = arith.constant 0 : i32
    %dma_wait3A_80 = tpu.memref_slice %arg2[%dma_wait3A_78, %dma_wait3A_79] : memref<10000x128xf32, #tpu.memory_space<hbm>> -> memref<10000x128xf32, #tpu.memory_space<hbm>>
    %dma_wait3A_81 = tpu.memref_slice %arg11[%dma_wait3A_71] : memref<3x!tpu.dma_semaphore, #tpu.memory_space<semaphore_mem>> -> memref<1x!tpu.dma_semaphore, #tpu.memory_space<semaphore_mem>>
    %dma_wait3A_82 = tpu.memref_squeeze %dma_wait3A_81 : memref<1x!tpu.dma_semaphore, #tpu.memory_space<semaphore_mem>> -> memref<!tpu.dma_semaphore, #tpu.memory_space<semaphore_mem>>
    tpu.wait_indirect_dma semaphore(%dma_wait3A_82 : memref<!tpu.dma_semaphore, #tpu.memory_space<semaphore_mem>>) src(%dma_wait3A_80 : memref<10000x128xf32, #tpu.memory_space<hbm>>) dst(%dma_wait3A_75 : memref<80x128xf32, #tpu.memory_space<vmem>>)
    %dma_start3A_83 = arith.constant 1 : i32
    %dma_start3A_84 = arith.constant 1 : i32
    %dma_start3A_85 = arith.constant 0 : i32
    %dma_start3A_86 = arith.constant 0 : i32
    %dma_start3A_87 = tpu.memref_slice %arg9[%dma_start3A_83, %dma_start3A_85, %dma_start3A_86] : memref<3x80x128xf32, #tpu.memory_space<vmem>> -> memref<1x80x128xf32, #tpu.memory_space<vmem>>
    %dma_start3A_88 = tpu.memref_squeeze %dma_start3A_87 : memref<1x80x128xf32, #tpu.memory_space<vmem>> -> memref<80x128xf32, #tpu.memory_space<vmem>>
    %dma_start3A_89 = arith.constant 80 : i32
    %dma_start3A_90 = tpu.memref_slice %arg8[%dma_start3A_89] : memref<10000xi32, #tpu.memory_space<vmem>> -> memref<80xi32, #tpu.memory_space<vmem>>
    %dma_start3A_91 = arith.constant 0 : i32
    %dma_start3A_92 = arith.constant 0 : i32
    %dma_start3A_93 = tpu.memref_slice %arg10[%dma_start3A_91, %dma_start3A_92] : memref<10000x128xf32, #tpu.memory_space<vmem_shared>> -> memref<10000x128xf32, #tpu.memory_space<vmem_shared>>
    %dma_start3A_94 = tpu.memref_slice %arg12[%dma_start3A_84] : memref<3x!tpu.dma_semaphore, #tpu.memory_space<semaphore_mem>> -> memref<1x!tpu.dma_semaphore, #tpu.memory_space<semaphore_mem>>
    %dma_start3A_95 = tpu.memref_squeeze %dma_start3A_94 : memref<1x!tpu.dma_semaphore, #tpu.memory_space<semaphore_mem>> -> memref<!tpu.dma_semaphore, #tpu.memory_space<semaphore_mem>>
    tpu.enqueue_indirect_dma source(%dma_start3A_88 : memref<80x128xf32, #tpu.memory_space<vmem>>) target(%dma_start3A_93 : memref<10000x128xf32, #tpu.memory_space<vmem_shared>>) offsets(%dma_start3A_90 : memref<80xi32, #tpu.memory_space<vmem>>) semaphore(%dma_start3A_95 : memref<!tpu.dma_semaphore, #tpu.memory_space<semaphore_mem>>) {add = true}
    %dma_wait3A_96 = arith.constant 0 : i32
    %dma_wait3A_97 = arith.constant 0 : i32
    %dma_wait3A_98 = arith.constant 0 : i32
    %dma_wait3A_99 = arith.constant 0 : i32
    %dma_wait3A_100 = tpu.memref_slice %arg9[%dma_wait3A_96, %dma_wait3A_98, %dma_wait3A_99] : memref<3x80x128xf32, #tpu.memory_space<vmem>> -> memref<1x80x128xf32, #tpu.memory_space<vmem>>
    %dma_wait3A_101 = tpu.memref_squeeze %dma_wait3A_100 : memref<1x80x128xf32, #tpu.memory_space<vmem>> -> memref<80x128xf32, #tpu.memory_space<vmem>>
    %dma_wait3A_102 = arith.constant 0 : i32
    %dma_wait3A_103 = tpu.memref_slice %arg8[%dma_wait3A_102] : memref<10000xi32, #tpu.memory_space<vmem>> -> memref<80xi32, #tpu.memory_space<vmem>>
    %dma_wait3A_104 = arith.constant 0 : i32
    %dma_wait3A_105 = arith.constant 0 : i32
    %dma_wait3A_106 = tpu.memref_slice %arg10[%dma_wait3A_104, %dma_wait3A_105] : memref<10000x128xf32, #tpu.memory_space<vmem_shared>> -> memref<10000x128xf32, #tpu.memory_space<vmem_shared>>
    %dma_wait3A_107 = tpu.memref_slice %arg12[%dma_wait3A_97] : memref<3x!tpu.dma_semaphore, #tpu.memory_space<semaphore_mem>> -> memref<1x!tpu.dma_semaphore, #tpu.memory_space<semaphore_mem>>
    %dma_wait3A_108 = tpu.memref_squeeze %dma_wait3A_107 : memref<1x!tpu.dma_semaphore, #tpu.memory_space<semaphore_mem>> -> memref<!tpu.dma_semaphore, #tpu.memory_space<semaphore_mem>>
    tpu.wait_indirect_dma semaphore(%dma_wait3A_108 : memref<!tpu.dma_semaphore, #tpu.memory_space<semaphore_mem>>) src(%dma_wait3A_101 : memref<80x128xf32, #tpu.memory_space<vmem>>) dst(%dma_wait3A_106 : memref<10000x128xf32, #tpu.memory_space<vmem_shared>>)
    %dma_start3A_109 = arith.constant 0 : i32
    %dma_start3A_110 = arith.constant 0 : i32
    %dma_start3A_111 = arith.constant 0 : i32
    %dma_start3A_112 = arith.constant 0 : i32
    %dma_start3A_113 = tpu.memref_slice %arg9[%dma_start3A_109, %dma_start3A_111, %dma_start3A_112] : memref<3x80x128xf32, #tpu.memory_space<vmem>> -> memref<1x80x128xf32, #tpu.memory_space<vmem>>
    %dma_start3A_114 = tpu.memref_squeeze %dma_start3A_113 : memref<1x80x128xf32, #tpu.memory_space<vmem>> -> memref<80x128xf32, #tpu.memory_space<vmem>>
    %dma_start3A_115 = arith.constant 240 : i32
    %dma_start3A_116 = tpu.memref_slice %arg7[%dma_start3A_115] : memref<10000xi32, #tpu.memory_space<vmem>> -> memref<80xi32, #tpu.memory_space<vmem>>
    %dma_start3A_117 = arith.constant 0 : i32
    %dma_start3A_118 = arith.constant 0 : i32
    %dma_start3A_119 = tpu.memref_slice %arg2[%dma_start3A_117, %dma_start3A_118] : memref<10000x128xf32, #tpu.memory_space<hbm>> -> memref<10000x128xf32, #tpu.memory_space<hbm>>
    %dma_start3A_120 = tpu.memref_slice %arg11[%dma_start3A_110] : memref<3x!tpu.dma_semaphore, #tpu.memory_space<semaphore_mem>> -> memref<1x!tpu.dma_semaphore, #tpu.memory_space<semaphore_mem>>
    %dma_start3A_121 = tpu.memref_squeeze %dma_start3A_120 : memref<1x!tpu.dma_semaphore, #tpu.memory_space<semaphore_mem>> -> memref<!tpu.dma_semaphore, #tpu.memory_space<semaphore_mem>>
    tpu.enqueue_indirect_dma source(%dma_start3A_119 : memref<10000x128xf32, #tpu.memory_space<hbm>>) target(%dma_start3A_114 : memref<80x128xf32, #tpu.memory_space<vmem>>) offsets(%dma_start3A_116 : memref<80xi32, #tpu.memory_space<vmem>>) semaphore(%dma_start3A_121 : memref<!tpu.dma_semaphore, #tpu.memory_space<semaphore_mem>>)
    %scan3A = arith.constant 0 : i32
    %scan3A_122 = arith.constant 2 : i32
    %scan3A_123 = arith.constant 121 : i32
    %scan3A_124 = arith.addi %scan3A_122, %scan3A_123 : i32
    %scan3A_125 = arith.constant 1 : i32
    scf.for %scan3A_229 = %scan3A_122 to %scan3A_124 step %scan3A_125  : i32 {
      %rem3A = arith.constant 3 : i32
      %rem3A_230 = arith.remsi %scan3A_229, %rem3A : i32
      %add3A_231 = arith.constant 2 : i32
      %add3A_232 = arith.addi %scan3A_229, %add3A_231 : i32
      %rem3A_233 = arith.constant 3 : i32
      %rem3A_234 = arith.remsi %add3A_232, %rem3A_233 : i32
      %mul3A_235 = arith.constant 80 : i32
      %mul3A_236 = arith.muli %scan3A_229, %mul3A_235 : i32
      %dma_wait3A_237 = arith.constant 0 : i32
      %dma_wait3A_238 = arith.constant 0 : i32
      %dma_wait3A_239 = tpu.memref_slice %arg9[%rem3A_230, %dma_wait3A_237, %dma_wait3A_238] : memref<3x80x128xf32, #tpu.memory_space<vmem>> -> memref<1x80x128xf32, #tpu.memory_space<vmem>>
      %dma_wait3A_240 = tpu.memref_squeeze %dma_wait3A_239 : memref<1x80x128xf32, #tpu.memory_space<vmem>> -> memref<80x128xf32, #tpu.memory_space<vmem>>
      %dma_wait3A_241 = tpu.memref_slice %arg7[%mul3A_236] : memref<10000xi32, #tpu.memory_space<vmem>> -> memref<80xi32, #tpu.memory_space<vmem>>
      %dma_wait3A_242 = arith.constant 0 : i32
      %dma_wait3A_243 = arith.constant 0 : i32
      %dma_wait3A_244 = tpu.memref_slice %arg2[%dma_wait3A_242, %dma_wait3A_243] : memref<10000x128xf32, #tpu.memory_space<hbm>> -> memref<10000x128xf32, #tpu.memory_space<hbm>>
      %dma_wait3A_245 = tpu.memref_slice %arg11[%rem3A_230] : memref<3x!tpu.dma_semaphore, #tpu.memory_space<semaphore_mem>> -> memref<1x!tpu.dma_semaphore, #tpu.memory_space<semaphore_mem>>
      %dma_wait3A_246 = tpu.memref_squeeze %dma_wait3A_245 : memref<1x!tpu.dma_semaphore, #tpu.memory_space<semaphore_mem>> -> memref<!tpu.dma_semaphore, #tpu.memory_space<semaphore_mem>>
      tpu.wait_indirect_dma semaphore(%dma_wait3A_246 : memref<!tpu.dma_semaphore, #tpu.memory_space<semaphore_mem>>) src(%dma_wait3A_244 : memref<10000x128xf32, #tpu.memory_space<hbm>>) dst(%dma_wait3A_240 : memref<80x128xf32, #tpu.memory_space<vmem>>)
      %mul3A_247 = arith.constant 80 : i32
      %mul3A_248 = arith.muli %scan3A_229, %mul3A_247 : i32
      %dma_start3A_249 = arith.constant 0 : i32
      %dma_start3A_250 = arith.constant 0 : i32
      %dma_start3A_251 = tpu.memref_slice %arg9[%rem3A_230, %dma_start3A_249, %dma_start3A_250] : memref<3x80x128xf32, #tpu.memory_space<vmem>> -> memref<1x80x128xf32, #tpu.memory_space<vmem>>
      %dma_start3A_252 = tpu.memref_squeeze %dma_start3A_251 : memref<1x80x128xf32, #tpu.memory_space<vmem>> -> memref<80x128xf32, #tpu.memory_space<vmem>>
      %dma_start3A_253 = tpu.memref_slice %arg8[%mul3A_248] : memref<10000xi32, #tpu.memory_space<vmem>> -> memref<80xi32, #tpu.memory_space<vmem>>
      %dma_start3A_254 = arith.constant 0 : i32
      %dma_start3A_255 = arith.constant 0 : i32
      %dma_start3A_256 = tpu.memref_slice %arg10[%dma_start3A_254, %dma_start3A_255] : memref<10000x128xf32, #tpu.memory_space<vmem_shared>> -> memref<10000x128xf32, #tpu.memory_space<vmem_shared>>
      %dma_start3A_257 = tpu.memref_slice %arg12[%rem3A_230] : memref<3x!tpu.dma_semaphore, #tpu.memory_space<semaphore_mem>> -> memref<1x!tpu.dma_semaphore, #tpu.memory_space<semaphore_mem>>
      %dma_start3A_258 = tpu.memref_squeeze %dma_start3A_257 : memref<1x!tpu.dma_semaphore, #tpu.memory_space<semaphore_mem>> -> memref<!tpu.dma_semaphore, #tpu.memory_space<semaphore_mem>>
      tpu.enqueue_indirect_dma source(%dma_start3A_252 : memref<80x128xf32, #tpu.memory_space<vmem>>) target(%dma_start3A_256 : memref<10000x128xf32, #tpu.memory_space<vmem_shared>>) offsets(%dma_start3A_253 : memref<80xi32, #tpu.memory_space<vmem>>) semaphore(%dma_start3A_258 : memref<!tpu.dma_semaphore, #tpu.memory_space<semaphore_mem>>) {add = true}
      %sub3A = arith.constant 1 : i32
      %sub3A_259 = arith.subi %scan3A_229, %sub3A : i32
      %mul3A_260 = arith.constant 80 : i32
      %mul3A_261 = arith.muli %sub3A_259, %mul3A_260 : i32
      %dma_wait3A_262 = arith.constant 0 : i32
      %dma_wait3A_263 = arith.constant 0 : i32
      %dma_wait3A_264 = tpu.memref_slice %arg9[%rem3A_234, %dma_wait3A_262, %dma_wait3A_263] : memref<3x80x128xf32, #tpu.memory_space<vmem>> -> memref<1x80x128xf32, #tpu.memory_space<vmem>>
      %dma_wait3A_265 = tpu.memref_squeeze %dma_wait3A_264 : memref<1x80x128xf32, #tpu.memory_space<vmem>> -> memref<80x128xf32, #tpu.memory_space<vmem>>
      %dma_wait3A_266 = tpu.memref_slice %arg8[%mul3A_261] : memref<10000xi32, #tpu.memory_space<vmem>> -> memref<80xi32, #tpu.memory_space<vmem>>
      %dma_wait3A_267 = arith.constant 0 : i32
      %dma_wait3A_268 = arith.constant 0 : i32
      %dma_wait3A_269 = tpu.memref_slice %arg10[%dma_wait3A_267, %dma_wait3A_268] : memref<10000x128xf32, #tpu.memory_space<vmem_shared>> -> memref<10000x128xf32, #tpu.memory_space<vmem_shared>>
      %dma_wait3A_270 = tpu.memref_slice %arg12[%rem3A_234] : memref<3x!tpu.dma_semaphore, #tpu.memory_space<semaphore_mem>> -> memref<1x!tpu.dma_semaphore, #tpu.memory_space<semaphore_mem>>
      %dma_wait3A_271 = tpu.memref_squeeze %dma_wait3A_270 : memref<1x!tpu.dma_semaphore, #tpu.memory_space<semaphore_mem>> -> memref<!tpu.dma_semaphore, #tpu.memory_space<semaphore_mem>>
      tpu.wait_indirect_dma semaphore(%dma_wait3A_271 : memref<!tpu.dma_semaphore, #tpu.memory_space<semaphore_mem>>) src(%dma_wait3A_265 : memref<80x128xf32, #tpu.memory_space<vmem>>) dst(%dma_wait3A_269 : memref<10000x128xf32, #tpu.memory_space<vmem_shared>>)
      %add3A_272 = arith.constant 2 : i32
      %add3A_273 = arith.addi %scan3A_229, %add3A_272 : i32
      %mul3A_274 = arith.constant 80 : i32
      %mul3A_275 = arith.muli %add3A_273, %mul3A_274 : i32
      %dma_start3A_276 = arith.constant 0 : i32
      %dma_start3A_277 = arith.constant 0 : i32
      %dma_start3A_278 = tpu.memref_slice %arg9[%rem3A_234, %dma_start3A_276, %dma_start3A_277] : memref<3x80x128xf32, #tpu.memory_space<vmem>> -> memref<1x80x128xf32, #tpu.memory_space<vmem>>
      %dma_start3A_279 = tpu.memref_squeeze %dma_start3A_278 : memref<1x80x128xf32, #tpu.memory_space<vmem>> -> memref<80x128xf32, #tpu.memory_space<vmem>>
      %dma_start3A_280 = tpu.memref_slice %arg7[%mul3A_275] : memref<10000xi32, #tpu.memory_space<vmem>> -> memref<80xi32, #tpu.memory_space<vmem>>
      %dma_start3A_281 = arith.constant 0 : i32
      %dma_start3A_282 = arith.constant 0 : i32
      %dma_start3A_283 = tpu.memref_slice %arg2[%dma_start3A_281, %dma_start3A_282] : memref<10000x128xf32, #tpu.memory_space<hbm>> -> memref<10000x128xf32, #tpu.memory_space<hbm>>
      %dma_start3A_284 = tpu.memref_slice %arg11[%rem3A_234] : memref<3x!tpu.dma_semaphore, #tpu.memory_space<semaphore_mem>> -> memref<1x!tpu.dma_semaphore, #tpu.memory_space<semaphore_mem>>
      %dma_start3A_285 = tpu.memref_squeeze %dma_start3A_284 : memref<1x!tpu.dma_semaphore, #tpu.memory_space<semaphore_mem>> -> memref<!tpu.dma_semaphore, #tpu.memory_space<semaphore_mem>>
      tpu.enqueue_indirect_dma source(%dma_start3A_283 : memref<10000x128xf32, #tpu.memory_space<hbm>>) target(%dma_start3A_279 : memref<80x128xf32, #tpu.memory_space<vmem>>) offsets(%dma_start3A_280 : memref<80xi32, #tpu.memory_space<vmem>>) semaphore(%dma_start3A_285 : memref<!tpu.dma_semaphore, #tpu.memory_space<semaphore_mem>>)
    }
    %scan3A_126 = arith.constant 121 : i32
    %dma_wait3A_127 = arith.constant 0 : i32
    %dma_wait3A_128 = arith.constant 0 : i32
    %dma_wait3A_129 = arith.constant 0 : i32
    %dma_wait3A_130 = arith.constant 0 : i32
    %dma_wait3A_131 = tpu.memref_slice %arg9[%dma_wait3A_127, %dma_wait3A_129, %dma_wait3A_130] : memref<3x80x128xf32, #tpu.memory_space<vmem>> -> memref<1x80x128xf32, #tpu.memory_space<vmem>>
    %dma_wait3A_132 = tpu.memref_squeeze %dma_wait3A_131 : memref<1x80x128xf32, #tpu.memory_space<vmem>> -> memref<80x128xf32, #tpu.memory_space<vmem>>
    %dma_wait3A_133 = arith.constant 9840 : i32
    %dma_wait3A_134 = tpu.memref_slice %arg7[%dma_wait3A_133] : memref<10000xi32, #tpu.memory_space<vmem>> -> memref<80xi32, #tpu.memory_space<vmem>>
    %dma_wait3A_135 = arith.constant 0 : i32
    %dma_wait3A_136 = arith.constant 0 : i32
    %dma_wait3A_137 = tpu.memref_slice %arg2[%dma_wait3A_135, %dma_wait3A_136] : memref<10000x128xf32, #tpu.memory_space<hbm>> -> memref<10000x128xf32, #tpu.memory_space<hbm>>
    %dma_wait3A_138 = tpu.memref_slice %arg11[%dma_wait3A_128] : memref<3x!tpu.dma_semaphore, #tpu.memory_space<semaphore_mem>> -> memref<1x!tpu.dma_semaphore, #tpu.memory_space<semaphore_mem>>
    %dma_wait3A_139 = tpu.memref_squeeze %dma_wait3A_138 : memref<1x!tpu.dma_semaphore, #tpu.memory_space<semaphore_mem>> -> memref<!tpu.dma_semaphore, #tpu.memory_space<semaphore_mem>>
    tpu.wait_indirect_dma semaphore(%dma_wait3A_139 : memref<!tpu.dma_semaphore, #tpu.memory_space<semaphore_mem>>) src(%dma_wait3A_137 : memref<10000x128xf32, #tpu.memory_space<hbm>>) dst(%dma_wait3A_132 : memref<80x128xf32, #tpu.memory_space<vmem>>)
    %dma_start3A_140 = arith.constant 0 : i32
    %dma_start3A_141 = arith.constant 0 : i32
    %dma_start3A_142 = arith.constant 0 : i32
    %dma_start3A_143 = arith.constant 0 : i32
    %dma_start3A_144 = tpu.memref_slice %arg9[%dma_start3A_140, %dma_start3A_142, %dma_start3A_143] : memref<3x80x128xf32, #tpu.memory_space<vmem>> -> memref<1x80x128xf32, #tpu.memory_space<vmem>>
    %dma_start3A_145 = tpu.memref_squeeze %dma_start3A_144 : memref<1x80x128xf32, #tpu.memory_space<vmem>> -> memref<80x128xf32, #tpu.memory_space<vmem>>
    %dma_start3A_146 = arith.constant 9840 : i32
    %dma_start3A_147 = tpu.memref_slice %arg8[%dma_start3A_146] : memref<10000xi32, #tpu.memory_space<vmem>> -> memref<80xi32, #tpu.memory_space<vmem>>
    %dma_start3A_148 = arith.constant 0 : i32
    %dma_start3A_149 = arith.constant 0 : i32
    %dma_start3A_150 = tpu.memref_slice %arg10[%dma_start3A_148, %dma_start3A_149] : memref<10000x128xf32, #tpu.memory_space<vmem_shared>> -> memref<10000x128xf32, #tpu.memory_space<vmem_shared>>
    %dma_start3A_151 = tpu.memref_slice %arg12[%dma_start3A_141] : memref<3x!tpu.dma_semaphore, #tpu.memory_space<semaphore_mem>> -> memref<1x!tpu.dma_semaphore, #tpu.memory_space<semaphore_mem>>
    %dma_start3A_152 = tpu.memref_squeeze %dma_start3A_151 : memref<1x!tpu.dma_semaphore, #tpu.memory_space<semaphore_mem>> -> memref<!tpu.dma_semaphore, #tpu.memory_space<semaphore_mem>>
    tpu.enqueue_indirect_dma source(%dma_start3A_145 : memref<80x128xf32, #tpu.memory_space<vmem>>) target(%dma_start3A_150 : memref<10000x128xf32, #tpu.memory_space<vmem_shared>>) offsets(%dma_start3A_147 : memref<80xi32, #tpu.memory_space<vmem>>) semaphore(%dma_start3A_152 : memref<!tpu.dma_semaphore, #tpu.memory_space<semaphore_mem>>) {add = true}
    %dma_wait3A_153 = arith.constant 2 : i32
    %dma_wait3A_154 = arith.constant 2 : i32
    %dma_wait3A_155 = arith.constant 0 : i32
    %dma_wait3A_156 = arith.constant 0 : i32
    %dma_wait3A_157 = tpu.memref_slice %arg9[%dma_wait3A_153, %dma_wait3A_155, %dma_wait3A_156] : memref<3x80x128xf32, #tpu.memory_space<vmem>> -> memref<1x80x128xf32, #tpu.memory_space<vmem>>
    %dma_wait3A_158 = tpu.memref_squeeze %dma_wait3A_157 : memref<1x80x128xf32, #tpu.memory_space<vmem>> -> memref<80x128xf32, #tpu.memory_space<vmem>>
    %dma_wait3A_159 = arith.constant 9760 : i32
    %dma_wait3A_160 = tpu.memref_slice %arg8[%dma_wait3A_159] : memref<10000xi32, #tpu.memory_space<vmem>> -> memref<80xi32, #tpu.memory_space<vmem>>
    %dma_wait3A_161 = arith.constant 0 : i32
    %dma_wait3A_162 = arith.constant 0 : i32
    %dma_wait3A_163 = tpu.memref_slice %arg10[%dma_wait3A_161, %dma_wait3A_162] : memref<10000x128xf32, #tpu.memory_space<vmem_shared>> -> memref<10000x128xf32, #tpu.memory_space<vmem_shared>>
    %dma_wait3A_164 = tpu.memref_slice %arg12[%dma_wait3A_154] : memref<3x!tpu.dma_semaphore, #tpu.memory_space<semaphore_mem>> -> memref<1x!tpu.dma_semaphore, #tpu.memory_space<semaphore_mem>>
    %dma_wait3A_165 = tpu.memref_squeeze %dma_wait3A_164 : memref<1x!tpu.dma_semaphore, #tpu.memory_space<semaphore_mem>> -> memref<!tpu.dma_semaphore, #tpu.memory_space<semaphore_mem>>
    tpu.wait_indirect_dma semaphore(%dma_wait3A_165 : memref<!tpu.dma_semaphore, #tpu.memory_space<semaphore_mem>>) src(%dma_wait3A_158 : memref<80x128xf32, #tpu.memory_space<vmem>>) dst(%dma_wait3A_163 : memref<10000x128xf32, #tpu.memory_space<vmem_shared>>)
    %dma_wait3A_166 = arith.constant 1 : i32
    %dma_wait3A_167 = arith.constant 1 : i32
    %dma_wait3A_168 = arith.constant 0 : i32
    %dma_wait3A_169 = arith.constant 0 : i32
    %dma_wait3A_170 = tpu.memref_slice %arg9[%dma_wait3A_166, %dma_wait3A_168, %dma_wait3A_169] : memref<3x80x128xf32, #tpu.memory_space<vmem>> -> memref<1x80x128xf32, #tpu.memory_space<vmem>>
    %dma_wait3A_171 = tpu.memref_squeeze %dma_wait3A_170 : memref<1x80x128xf32, #tpu.memory_space<vmem>> -> memref<80x128xf32, #tpu.memory_space<vmem>>
    %dma_wait3A_172 = arith.constant 9920 : i32
    %dma_wait3A_173 = tpu.memref_slice %arg7[%dma_wait3A_172] : memref<10000xi32, #tpu.memory_space<vmem>> -> memref<80xi32, #tpu.memory_space<vmem>>
    %dma_wait3A_174 = arith.constant 0 : i32
    %dma_wait3A_175 = arith.constant 0 : i32
    %dma_wait3A_176 = tpu.memref_slice %arg2[%dma_wait3A_174, %dma_wait3A_175] : memref<10000x128xf32, #tpu.memory_space<hbm>> -> memref<10000x128xf32, #tpu.memory_space<hbm>>
    %dma_wait3A_177 = tpu.memref_slice %arg11[%dma_wait3A_167] : memref<3x!tpu.dma_semaphore, #tpu.memory_space<semaphore_mem>> -> memref<1x!tpu.dma_semaphore, #tpu.memory_space<semaphore_mem>>
    %dma_wait3A_178 = tpu.memref_squeeze %dma_wait3A_177 : memref<1x!tpu.dma_semaphore, #tpu.memory_space<semaphore_mem>> -> memref<!tpu.dma_semaphore, #tpu.memory_space<semaphore_mem>>
    tpu.wait_indirect_dma semaphore(%dma_wait3A_178 : memref<!tpu.dma_semaphore, #tpu.memory_space<semaphore_mem>>) src(%dma_wait3A_176 : memref<10000x128xf32, #tpu.memory_space<hbm>>) dst(%dma_wait3A_171 : memref<80x128xf32, #tpu.memory_space<vmem>>)
    %dma_start3A_179 = arith.constant 1 : i32
    %dma_start3A_180 = arith.constant 1 : i32
    %dma_start3A_181 = arith.constant 0 : i32
    %dma_start3A_182 = arith.constant 0 : i32
    %dma_start3A_183 = tpu.memref_slice %arg9[%dma_start3A_179, %dma_start3A_181, %dma_start3A_182] : memref<3x80x128xf32, #tpu.memory_space<vmem>> -> memref<1x80x128xf32, #tpu.memory_space<vmem>>
    %dma_start3A_184 = tpu.memref_squeeze %dma_start3A_183 : memref<1x80x128xf32, #tpu.memory_space<vmem>> -> memref<80x128xf32, #tpu.memory_space<vmem>>
    %dma_start3A_185 = arith.constant 9920 : i32
    %dma_start3A_186 = tpu.memref_slice %arg8[%dma_start3A_185] : memref<10000xi32, #tpu.memory_space<vmem>> -> memref<80xi32, #tpu.memory_space<vmem>>
    %dma_start3A_187 = arith.constant 0 : i32
    %dma_start3A_188 = arith.constant 0 : i32
    %dma_start3A_189 = tpu.memref_slice %arg10[%dma_start3A_187, %dma_start3A_188] : memref<10000x128xf32, #tpu.memory_space<vmem_shared>> -> memref<10000x128xf32, #tpu.memory_space<vmem_shared>>
    %dma_start3A_190 = tpu.memref_slice %arg12[%dma_start3A_180] : memref<3x!tpu.dma_semaphore, #tpu.memory_space<semaphore_mem>> -> memref<1x!tpu.dma_semaphore, #tpu.memory_space<semaphore_mem>>
    %dma_start3A_191 = tpu.memref_squeeze %dma_start3A_190 : memref<1x!tpu.dma_semaphore, #tpu.memory_space<semaphore_mem>> -> memref<!tpu.dma_semaphore, #tpu.memory_space<semaphore_mem>>
    tpu.enqueue_indirect_dma source(%dma_start3A_184 : memref<80x128xf32, #tpu.memory_space<vmem>>) target(%dma_start3A_189 : memref<10000x128xf32, #tpu.memory_space<vmem_shared>>) offsets(%dma_start3A_186 : memref<80xi32, #tpu.memory_space<vmem>>) semaphore(%dma_start3A_191 : memref<!tpu.dma_semaphore, #tpu.memory_space<semaphore_mem>>) {add = true}
    %dma_wait3A_192 = arith.constant 0 : i32
    %dma_wait3A_193 = arith.constant 0 : i32
    %dma_wait3A_194 = arith.constant 0 : i32
    %dma_wait3A_195 = arith.constant 0 : i32
    %dma_wait3A_196 = tpu.memref_slice %arg9[%dma_wait3A_192, %dma_wait3A_194, %dma_wait3A_195] : memref<3x80x128xf32, #tpu.memory_space<vmem>> -> memref<1x80x128xf32, #tpu.memory_space<vmem>>
    %dma_wait3A_197 = tpu.memref_squeeze %dma_wait3A_196 : memref<1x80x128xf32, #tpu.memory_space<vmem>> -> memref<80x128xf32, #tpu.memory_space<vmem>>
    %dma_wait3A_198 = arith.constant 9840 : i32
    %dma_wait3A_199 = tpu.memref_slice %arg8[%dma_wait3A_198] : memref<10000xi32, #tpu.memory_space<vmem>> -> memref<80xi32, #tpu.memory_space<vmem>>
    %dma_wait3A_200 = arith.constant 0 : i32
    %dma_wait3A_201 = arith.constant 0 : i32
    %dma_wait3A_202 = tpu.memref_slice %arg10[%dma_wait3A_200, %dma_wait3A_201] : memref<10000x128xf32, #tpu.memory_space<vmem_shared>> -> memref<10000x128xf32, #tpu.memory_space<vmem_shared>>
    %dma_wait3A_203 = tpu.memref_slice %arg12[%dma_wait3A_193] : memref<3x!tpu.dma_semaphore, #tpu.memory_space<semaphore_mem>> -> memref<1x!tpu.dma_semaphore, #tpu.memory_space<semaphore_mem>>
    %dma_wait3A_204 = tpu.memref_squeeze %dma_wait3A_203 : memref<1x!tpu.dma_semaphore, #tpu.memory_space<semaphore_mem>> -> memref<!tpu.dma_semaphore, #tpu.memory_space<semaphore_mem>>
    tpu.wait_indirect_dma semaphore(%dma_wait3A_204 : memref<!tpu.dma_semaphore, #tpu.memory_space<semaphore_mem>>) src(%dma_wait3A_197 : memref<80x128xf32, #tpu.memory_space<vmem>>) dst(%dma_wait3A_202 : memref<10000x128xf32, #tpu.memory_space<vmem_shared>>)
    %dma_wait3A_205 = arith.constant 1 : i32
    %dma_wait3A_206 = arith.constant 1 : i32
    %dma_wait3A_207 = arith.constant 0 : i32
    %dma_wait3A_208 = arith.constant 0 : i32
    %dma_wait3A_209 = tpu.memref_slice %arg9[%dma_wait3A_205, %dma_wait3A_207, %dma_wait3A_208] : memref<3x80x128xf32, #tpu.memory_space<vmem>> -> memref<1x80x128xf32, #tpu.memory_space<vmem>>
    %dma_wait3A_210 = tpu.memref_squeeze %dma_wait3A_209 : memref<1x80x128xf32, #tpu.memory_space<vmem>> -> memref<80x128xf32, #tpu.memory_space<vmem>>
    %dma_wait3A_211 = arith.constant 9920 : i32
    %dma_wait3A_212 = tpu.memref_slice %arg8[%dma_wait3A_211] : memref<10000xi32, #tpu.memory_space<vmem>> -> memref<80xi32, #tpu.memory_space<vmem>>
    %dma_wait3A_213 = arith.constant 0 : i32
    %dma_wait3A_214 = arith.constant 0 : i32
    %dma_wait3A_215 = tpu.memref_slice %arg10[%dma_wait3A_213, %dma_wait3A_214] : memref<10000x128xf32, #tpu.memory_space<vmem_shared>> -> memref<10000x128xf32, #tpu.memory_space<vmem_shared>>
    %dma_wait3A_216 = tpu.memref_slice %arg12[%dma_wait3A_206] : memref<3x!tpu.dma_semaphore, #tpu.memory_space<semaphore_mem>> -> memref<1x!tpu.dma_semaphore, #tpu.memory_space<semaphore_mem>>
    %dma_wait3A_217 = tpu.memref_squeeze %dma_wait3A_216 : memref<1x!tpu.dma_semaphore, #tpu.memory_space<semaphore_mem>> -> memref<!tpu.dma_semaphore, #tpu.memory_space<semaphore_mem>>
    tpu.wait_indirect_dma semaphore(%dma_wait3A_217 : memref<!tpu.dma_semaphore, #tpu.memory_space<semaphore_mem>>) src(%dma_wait3A_210 : memref<80x128xf32, #tpu.memory_space<vmem>>) dst(%dma_wait3A_215 : memref<10000x128xf32, #tpu.memory_space<vmem_shared>>)
    %barrier3A_218 = arith.constant 0 : index
    tpu.barrier barrier_id(%barrier3A_218)
    %lt3A_219 = arith.constant 15 : i32
    %lt3A_220 = arith.cmpi slt, %arg1, %lt3A_219 : i32
    %convert_element_type3A_221 = arith.extui %lt3A_220 : i1 to i32
    %cond3A_222 = arith.constant 0 : i32
    %cond3A_223 = arith.cmpi ne, %convert_element_type3A_221, %cond3A_222 : i32
    scf.if %cond3A_223 {
      %mul3A_229 = arith.constant 624 : i32
      %mul3A_230 = arith.muli %arg1, %mul3A_229 : i32
      %multiple_of3A = tpu.assume_multiple %mul3A_230, 8 : i32
      "tpu.region"() ({
        %run_scoped3A = tpu.sem_alloc : memref<!tpu.dma_semaphore, #tpu.memory_space<semaphore_mem>>
        %dma_start3A_231 = arith.constant 0 : i32
        %dma_start3A_232 = tpu.memref_slice %arg6[%arg0, %multiple_of3A, %dma_start3A_231] : memref<2x10000x128xf32, #tpu.memory_space<hbm>> -> memref<1x624x128xf32, #tpu.memory_space<hbm>>
        %dma_start3A_233 = tpu.memref_squeeze %dma_start3A_232 : memref<1x624x128xf32, #tpu.memory_space<hbm>> -> memref<624x128xf32, #tpu.memory_space<hbm>>
        %dma_start3A_234 = arith.constant 0 : i32
        %dma_start3A_235 = tpu.memref_slice %arg10[%multiple_of3A, %dma_start3A_234] : memref<10000x128xf32, #tpu.memory_space<vmem_shared>> -> memref<624x128xf32, #tpu.memory_space<vmem_shared>>
        tpu.enqueue_dma source(%dma_start3A_235 : memref<624x128xf32, #tpu.memory_space<vmem_shared>>) target(%dma_start3A_233 : memref<624x128xf32, #tpu.memory_space<hbm>>) target_semaphore(%run_scoped3A : memref<!tpu.dma_semaphore, #tpu.memory_space<semaphore_mem>>)
        %dma_wait3A_236 = arith.constant 0 : i32
        %dma_wait3A_237 = tpu.memref_slice %arg6[%arg0, %multiple_of3A, %dma_wait3A_236] : memref<2x10000x128xf32, #tpu.memory_space<hbm>> -> memref<1x624x128xf32, #tpu.memory_space<hbm>>
        %dma_wait3A_238 = tpu.memref_squeeze %dma_wait3A_237 : memref<1x624x128xf32, #tpu.memory_space<hbm>> -> memref<624x128xf32, #tpu.memory_space<hbm>>
        %dma_wait3A_239 = arith.constant 0 : i32
        %dma_wait3A_240 = tpu.memref_slice %arg10[%multiple_of3A, %dma_wait3A_239] : memref<10000x128xf32, #tpu.memory_space<vmem_shared>> -> memref<624x128xf32, #tpu.memory_space<vmem_shared>>
        tpu.wait_dma2 semaphore(%run_scoped3A : memref<!tpu.dma_semaphore, #tpu.memory_space<semaphore_mem>>) src(%dma_wait3A_240 : memref<624x128xf32, #tpu.memory_space<vmem_shared>>) dst(%dma_wait3A_238 : memref<624x128xf32, #tpu.memory_space<hbm>>)
        tpu.yield
      }) : () -> ()
    } else {
    }
    %eq3A_224 = arith.constant 15 : i32
    %eq3A_225 = arith.cmpi eq, %arg1, %eq3A_224 : i32
    %convert_element_type3A_226 = arith.extui %eq3A_225 : i1 to i32
    %cond3A_227 = arith.constant 0 : i32
    %cond3A_228 = arith.cmpi ne, %convert_element_type3A_226, %cond3A_227 : i32
    scf.if %cond3A_228 {
      "tpu.region"() ({
        %run_scoped3A = tpu.sem_alloc : memref<!tpu.dma_semaphore, #tpu.memory_space<semaphore_mem>>
        %dma_start3A_229 = arith.constant 9360 : i32
        %dma_start3A_230 = arith.constant 0 : i32
        %dma_start3A_231 = tpu.memref_slice %arg6[%arg0, %dma_start3A_229, %dma_start3A_230] : memref<2x10000x128xf32, #tpu.memory_space<hbm>> -> memref<1x640x128xf32, #tpu.memory_space<hbm>>
        %dma_start3A_232 = tpu.memref_squeeze %dma_start3A_231 : memref<1x640x128xf32, #tpu.memory_space<hbm>> -> memref<640x128xf32, #tpu.memory_space<hbm>>
        %dma_start3A_233 = arith.constant 9360 : i32
        %dma_start3A_234 = arith.constant 0 : i32
        %dma_start3A_235 = tpu.memref_slice %arg10[%dma_start3A_233, %dma_start3A_234] : memref<10000x128xf32, #tpu.memory_space<vmem_shared>> -> memref<640x128xf32, #tpu.memory_space<vmem_shared>>
        tpu.enqueue_dma source(%dma_start3A_235 : memref<640x128xf32, #tpu.memory_space<vmem_shared>>) target(%dma_start3A_232 : memref<640x128xf32, #tpu.memory_space<hbm>>) target_semaphore(%run_scoped3A : memref<!tpu.dma_semaphore, #tpu.memory_space<semaphore_mem>>)
        %dma_wait3A_236 = arith.constant 9360 : i32
        %dma_wait3A_237 = arith.constant 0 : i32
        %dma_wait3A_238 = tpu.memref_slice %arg6[%arg0, %dma_wait3A_236, %dma_wait3A_237] : memref<2x10000x128xf32, #tpu.memory_space<hbm>> -> memref<1x640x128xf32, #tpu.memory_space<hbm>>
        %dma_wait3A_239 = tpu.memref_squeeze %dma_wait3A_238 : memref<1x640x128xf32, #tpu.memory_space<hbm>> -> memref<640x128xf32, #tpu.memory_space<hbm>>
        %dma_wait3A_240 = arith.constant 9360 : i32
        %dma_wait3A_241 = arith.constant 0 : i32
        %dma_wait3A_242 = tpu.memref_slice %arg10[%dma_wait3A_240, %dma_wait3A_241] : memref<10000x128xf32, #tpu.memory_space<vmem_shared>> -> memref<640x128xf32, #tpu.memory_space<vmem_shared>>
        tpu.wait_dma2 semaphore(%run_scoped3A : memref<!tpu.dma_semaphore, #tpu.memory_space<semaphore_mem>>) src(%dma_wait3A_242 : memref<640x128xf32, #tpu.memory_space<vmem_shared>>) dst(%dma_wait3A_239 : memref<640x128xf32, #tpu.memory_space<hbm>>)
        tpu.yield
      }) : () -> ()
    } else {
    }
    return
  }
}

#map = affine_map<(d0, d1) -> (0, 0)>
#map1 = affine_map<(d0, d1) -> (0, 0, 0)>
module attributes {stable_mosaic.version = 14 : i64} {
  func.func @edge(%arg0: i32, %arg1: i32, %arg2: memref<10000x128xf32, #tpu.memory_space<hbm>>, %arg3: memref<10000x128xf32, #tpu.memory_space<hbm>>, %arg4: memref<32x10000xi32, #tpu.memory_space<hbm>>, %arg5: memref<32x10000xi32, #tpu.memory_space<hbm>>, %arg6: memref<2x10000x128xf32, #tpu.memory_space<hbm>>, %arg7: memref<10000xi32, #tpu.memory_space<vmem>>, %arg8: memref<10000xi32, #tpu.memory_space<vmem>>, %arg9: memref<3x80x128xf32, #tpu.memory_space<vmem>>, %arg10: memref<10000x128xf32, #tpu.memory_space<vmem_shared>>, %arg11: memref<3x!tpu.dma_semaphore, #tpu.memory_space<semaphore_mem>>, %arg12: memref<3x!tpu.dma_semaphore, #tpu.memory_space<semaphore_mem>>) attributes {dimension_semantics = [#tpu.dimension_semantics<core_parallel>, #tpu.dimension_semantics<subcore_parallel>], iteration_bounds = array<i64: 2, 16>, scalar_prefetch = 0 : i64, scratch_operands = 6 : i64, tpu.core_type = #tpu.core_type<sc_vector_subcore>, window_params = [{transform_indices = #map}, {transform_indices = #map}, {transform_indices = #map}, {transform_indices = #map}, {transform_indices = #map1}]} {
    %mul3A = arith.constant 16 : i32
    %mul3A_0 = arith.muli %arg0, %mul3A : i32
    %add3A = arith.addi %mul3A_0, %arg1 : i32
    %lt3A = arith.constant 15 : i32
    %lt3A_1 = arith.cmpi slt, %arg1, %lt3A : i32
    %convert_element_type3A = arith.extui %lt3A_1 : i1 to i32
    %cond3A = arith.constant 0 : i32
    %cond3A_2 = arith.cmpi ne, %convert_element_type3A, %cond3A : i32
    scf.if %cond3A_2 {
      %mul3A_229 = arith.constant 624 : i32
      %mul3A_230 = arith.muli %arg1, %mul3A_229 : i32
      %multiple_of3A = tpu.assume_multiple %mul3A_230, 8 : i32
      %eq3A_231 = arith.constant 0 : i32
      %eq3A_232 = arith.cmpi eq, %arg0, %eq3A_231 : i32
      %convert_element_type3A_233 = arith.extui %eq3A_232 : i1 to i32
      %cond3A_234 = arith.constant 0 : i32
      %cond3A_235 = arith.cmpi ne, %convert_element_type3A_233, %cond3A_234 : i32
      scf.if %cond3A_235 {
        "tpu.region"() ({
          %run_scoped3A = tpu.sem_alloc : memref<!tpu.dma_semaphore, #tpu.memory_space<semaphore_mem>>
          %dma_start3A_240 = arith.constant 0 : i32
          %dma_start3A_241 = tpu.memref_slice %arg10[%multiple_of3A, %dma_start3A_240] : memref<10000x128xf32, #tpu.memory_space<vmem_shared>> -> memref<624x128xf32, #tpu.memory_space<vmem_shared>>
          %dma_start3A_242 = arith.constant 0 : i32
          %dma_start3A_243 = tpu.memref_slice %arg2[%multiple_of3A, %dma_start3A_242] : memref<10000x128xf32, #tpu.memory_space<hbm>> -> memref<624x128xf32, #tpu.memory_space<hbm>>
          tpu.enqueue_dma source(%dma_start3A_243 : memref<624x128xf32, #tpu.memory_space<hbm>>) target(%dma_start3A_241 : memref<624x128xf32, #tpu.memory_space<vmem_shared>>) target_semaphore(%run_scoped3A : memref<!tpu.dma_semaphore, #tpu.memory_space<semaphore_mem>>)
          %dma_wait3A_244 = arith.constant 0 : i32
          %dma_wait3A_245 = tpu.memref_slice %arg10[%multiple_of3A, %dma_wait3A_244] : memref<10000x128xf32, #tpu.memory_space<vmem_shared>> -> memref<624x128xf32, #tpu.memory_space<vmem_shared>>
          %dma_wait3A_246 = arith.constant 0 : i32
          %dma_wait3A_247 = tpu.memref_slice %arg2[%multiple_of3A, %dma_wait3A_246] : memref<10000x128xf32, #tpu.memory_space<hbm>> -> memref<624x128xf32, #tpu.memory_space<hbm>>
          tpu.wait_dma2 semaphore(%run_scoped3A : memref<!tpu.dma_semaphore, #tpu.memory_space<semaphore_mem>>) src(%dma_wait3A_247 : memref<624x128xf32, #tpu.memory_space<hbm>>) dst(%dma_wait3A_245 : memref<624x128xf32, #tpu.memory_space<vmem_shared>>)
          tpu.yield
        }) : () -> ()
      } else {
      }
      %ne3A = arith.constant 0 : i32
      %ne3A_236 = arith.cmpi ne, %arg0, %ne3A : i32
      %convert_element_type3A_237 = arith.extui %ne3A_236 : i1 to i32
      %cond3A_238 = arith.constant 0 : i32
      %cond3A_239 = arith.cmpi ne, %convert_element_type3A_237, %cond3A_238 : i32
      scf.if %cond3A_239 {
        "tpu.region"() ({
          %run_scoped3A = tpu.sem_alloc : memref<!tpu.dma_semaphore, #tpu.memory_space<semaphore_mem>>
          %dma_start3A_240 = arith.constant 0 : i32
          %dma_start3A_241 = tpu.memref_slice %arg10[%multiple_of3A, %dma_start3A_240] : memref<10000x128xf32, #tpu.memory_space<vmem_shared>> -> memref<624x128xf32, #tpu.memory_space<vmem_shared>>
          %dma_start3A_242 = arith.constant 0 : i32
          %dma_start3A_243 = tpu.memref_slice %arg3[%multiple_of3A, %dma_start3A_242] : memref<10000x128xf32, #tpu.memory_space<hbm>> -> memref<624x128xf32, #tpu.memory_space<hbm>>
          tpu.enqueue_dma source(%dma_start3A_243 : memref<624x128xf32, #tpu.memory_space<hbm>>) target(%dma_start3A_241 : memref<624x128xf32, #tpu.memory_space<vmem_shared>>) target_semaphore(%run_scoped3A : memref<!tpu.dma_semaphore, #tpu.memory_space<semaphore_mem>>)
          %dma_wait3A_244 = arith.constant 0 : i32
          %dma_wait3A_245 = tpu.memref_slice %arg10[%multiple_of3A, %dma_wait3A_244] : memref<10000x128xf32, #tpu.memory_space<vmem_shared>> -> memref<624x128xf32, #tpu.memory_space<vmem_shared>>
          %dma_wait3A_246 = arith.constant 0 : i32
          %dma_wait3A_247 = tpu.memref_slice %arg3[%multiple_of3A, %dma_wait3A_246] : memref<10000x128xf32, #tpu.memory_space<hbm>> -> memref<624x128xf32, #tpu.memory_space<hbm>>
          tpu.wait_dma2 semaphore(%run_scoped3A : memref<!tpu.dma_semaphore, #tpu.memory_space<semaphore_mem>>) src(%dma_wait3A_247 : memref<624x128xf32, #tpu.memory_space<hbm>>) dst(%dma_wait3A_245 : memref<624x128xf32, #tpu.memory_space<vmem_shared>>)
          tpu.yield
        }) : () -> ()
      } else {
      }
    } else {
    }
    %eq3A = arith.constant 15 : i32
    %eq3A_3 = arith.cmpi eq, %arg1, %eq3A : i32
    %convert_element_type3A_4 = arith.extui %eq3A_3 : i1 to i32
    %cond3A_5 = arith.constant 0 : i32
    %cond3A_6 = arith.cmpi ne, %convert_element_type3A_4, %cond3A_5 : i32
    scf.if %cond3A_6 {
      %eq3A_229 = arith.constant 0 : i32
      %eq3A_230 = arith.cmpi eq, %arg0, %eq3A_229 : i32
      %convert_element_type3A_231 = arith.extui %eq3A_230 : i1 to i32
      %cond3A_232 = arith.constant 0 : i32
      %cond3A_233 = arith.cmpi ne, %convert_element_type3A_231, %cond3A_232 : i32
      scf.if %cond3A_233 {
        "tpu.region"() ({
          %run_scoped3A = tpu.sem_alloc : memref<!tpu.dma_semaphore, #tpu.memory_space<semaphore_mem>>
          %dma_start3A_238 = arith.constant 9360 : i32
          %dma_start3A_239 = arith.constant 0 : i32
          %dma_start3A_240 = tpu.memref_slice %arg10[%dma_start3A_238, %dma_start3A_239] : memref<10000x128xf32, #tpu.memory_space<vmem_shared>> -> memref<640x128xf32, #tpu.memory_space<vmem_shared>>
          %dma_start3A_241 = arith.constant 9360 : i32
          %dma_start3A_242 = arith.constant 0 : i32
          %dma_start3A_243 = tpu.memref_slice %arg2[%dma_start3A_241, %dma_start3A_242] : memref<10000x128xf32, #tpu.memory_space<hbm>> -> memref<640x128xf32, #tpu.memory_space<hbm>>
          tpu.enqueue_dma source(%dma_start3A_243 : memref<640x128xf32, #tpu.memory_space<hbm>>) target(%dma_start3A_240 : memref<640x128xf32, #tpu.memory_space<vmem_shared>>) target_semaphore(%run_scoped3A : memref<!tpu.dma_semaphore, #tpu.memory_space<semaphore_mem>>)
          %dma_wait3A_244 = arith.constant 9360 : i32
          %dma_wait3A_245 = arith.constant 0 : i32
          %dma_wait3A_246 = tpu.memref_slice %arg10[%dma_wait3A_244, %dma_wait3A_245] : memref<10000x128xf32, #tpu.memory_space<vmem_shared>> -> memref<640x128xf32, #tpu.memory_space<vmem_shared>>
          %dma_wait3A_247 = arith.constant 9360 : i32
          %dma_wait3A_248 = arith.constant 0 : i32
          %dma_wait3A_249 = tpu.memref_slice %arg2[%dma_wait3A_247, %dma_wait3A_248] : memref<10000x128xf32, #tpu.memory_space<hbm>> -> memref<640x128xf32, #tpu.memory_space<hbm>>
          tpu.wait_dma2 semaphore(%run_scoped3A : memref<!tpu.dma_semaphore, #tpu.memory_space<semaphore_mem>>) src(%dma_wait3A_249 : memref<640x128xf32, #tpu.memory_space<hbm>>) dst(%dma_wait3A_246 : memref<640x128xf32, #tpu.memory_space<vmem_shared>>)
          tpu.yield
        }) : () -> ()
      } else {
      }
      %ne3A = arith.constant 0 : i32
      %ne3A_234 = arith.cmpi ne, %arg0, %ne3A : i32
      %convert_element_type3A_235 = arith.extui %ne3A_234 : i1 to i32
      %cond3A_236 = arith.constant 0 : i32
      %cond3A_237 = arith.cmpi ne, %convert_element_type3A_235, %cond3A_236 : i32
      scf.if %cond3A_237 {
        "tpu.region"() ({
          %run_scoped3A = tpu.sem_alloc : memref<!tpu.dma_semaphore, #tpu.memory_space<semaphore_mem>>
          %dma_start3A_238 = arith.constant 9360 : i32
          %dma_start3A_239 = arith.constant 0 : i32
          %dma_start3A_240 = tpu.memref_slice %arg10[%dma_start3A_238, %dma_start3A_239] : memref<10000x128xf32, #tpu.memory_space<vmem_shared>> -> memref<640x128xf32, #tpu.memory_space<vmem_shared>>
          %dma_start3A_241 = arith.constant 9360 : i32
          %dma_start3A_242 = arith.constant 0 : i32
          %dma_start3A_243 = tpu.memref_slice %arg3[%dma_start3A_241, %dma_start3A_242] : memref<10000x128xf32, #tpu.memory_space<hbm>> -> memref<640x128xf32, #tpu.memory_space<hbm>>
          tpu.enqueue_dma source(%dma_start3A_243 : memref<640x128xf32, #tpu.memory_space<hbm>>) target(%dma_start3A_240 : memref<640x128xf32, #tpu.memory_space<vmem_shared>>) target_semaphore(%run_scoped3A : memref<!tpu.dma_semaphore, #tpu.memory_space<semaphore_mem>>)
          %dma_wait3A_244 = arith.constant 9360 : i32
          %dma_wait3A_245 = arith.constant 0 : i32
          %dma_wait3A_246 = tpu.memref_slice %arg10[%dma_wait3A_244, %dma_wait3A_245] : memref<10000x128xf32, #tpu.memory_space<vmem_shared>> -> memref<640x128xf32, #tpu.memory_space<vmem_shared>>
          %dma_wait3A_247 = arith.constant 9360 : i32
          %dma_wait3A_248 = arith.constant 0 : i32
          %dma_wait3A_249 = tpu.memref_slice %arg3[%dma_wait3A_247, %dma_wait3A_248] : memref<10000x128xf32, #tpu.memory_space<hbm>> -> memref<640x128xf32, #tpu.memory_space<hbm>>
          tpu.wait_dma2 semaphore(%run_scoped3A : memref<!tpu.dma_semaphore, #tpu.memory_space<semaphore_mem>>) src(%dma_wait3A_249 : memref<640x128xf32, #tpu.memory_space<hbm>>) dst(%dma_wait3A_246 : memref<640x128xf32, #tpu.memory_space<vmem_shared>>)
          tpu.yield
        }) : () -> ()
      } else {
      }
    } else {
    }
    "tpu.region"() ({
      %run_scoped3A = tpu.sem_alloc : memref<!tpu.dma_semaphore, #tpu.memory_space<semaphore_mem>>
      %dma_start3A_229 = arith.constant 0 : i32
      %dma_start3A_230 = tpu.memref_slice %arg4[%add3A, %dma_start3A_229] : memref<32x10000xi32, #tpu.memory_space<hbm>> -> memref<1x10000xi32, #tpu.memory_space<hbm>>
      %dma_start3A_231 = tpu.memref_squeeze %dma_start3A_230 : memref<1x10000xi32, #tpu.memory_space<hbm>> -> memref<10000xi32, #tpu.memory_space<hbm>>
      %dma_start3A_232 = arith.constant 0 : i32
      %dma_start3A_233 = tpu.memref_slice %arg4[%add3A, %dma_start3A_232] : memref<32x10000xi32, #tpu.memory_space<hbm>> -> memref<1x10000xi32, #tpu.memory_space<hbm>>
      %dma_start3A_234 = tpu.memref_squeeze %dma_start3A_233 : memref<1x10000xi32, #tpu.memory_space<hbm>> -> memref<10000xi32, #tpu.memory_space<hbm>>
      tpu.enqueue_dma source(%dma_start3A_234 : memref<10000xi32, #tpu.memory_space<hbm>>) target(%arg7 : memref<10000xi32, #tpu.memory_space<vmem>>) target_semaphore(%run_scoped3A : memref<!tpu.dma_semaphore, #tpu.memory_space<semaphore_mem>>)
      %dma_wait3A_235 = arith.constant 0 : i32
      %dma_wait3A_236 = tpu.memref_slice %arg4[%add3A, %dma_wait3A_235] : memref<32x10000xi32, #tpu.memory_space<hbm>> -> memref<1x10000xi32, #tpu.memory_space<hbm>>
      %dma_wait3A_237 = tpu.memref_squeeze %dma_wait3A_236 : memref<1x10000xi32, #tpu.memory_space<hbm>> -> memref<10000xi32, #tpu.memory_space<hbm>>
      %dma_wait3A_238 = arith.constant 0 : i32
      %dma_wait3A_239 = tpu.memref_slice %arg4[%add3A, %dma_wait3A_238] : memref<32x10000xi32, #tpu.memory_space<hbm>> -> memref<1x10000xi32, #tpu.memory_space<hbm>>
      %dma_wait3A_240 = tpu.memref_squeeze %dma_wait3A_239 : memref<1x10000xi32, #tpu.memory_space<hbm>> -> memref<10000xi32, #tpu.memory_space<hbm>>
      tpu.wait_dma2 semaphore(%run_scoped3A : memref<!tpu.dma_semaphore, #tpu.memory_space<semaphore_mem>>) src(%dma_wait3A_240 : memref<10000xi32, #tpu.memory_space<hbm>>) dst(%arg7 : memref<10000xi32, #tpu.memory_space<vmem>>)
      tpu.yield
    }) : () -> ()
    "tpu.region"() ({
      %run_scoped3A = tpu.sem_alloc : memref<!tpu.dma_semaphore, #tpu.memory_space<semaphore_mem>>
      %dma_start3A_229 = arith.constant 0 : i32
      %dma_start3A_230 = tpu.memref_slice %arg5[%add3A, %dma_start3A_229] : memref<32x10000xi32, #tpu.memory_space<hbm>> -> memref<1x10000xi32, #tpu.memory_space<hbm>>
      %dma_start3A_231 = tpu.memref_squeeze %dma_start3A_230 : memref<1x10000xi32, #tpu.memory_space<hbm>> -> memref<10000xi32, #tpu.memory_space<hbm>>
      %dma_start3A_232 = arith.constant 0 : i32
      %dma_start3A_233 = tpu.memref_slice %arg5[%add3A, %dma_start3A_232] : memref<32x10000xi32, #tpu.memory_space<hbm>> -> memref<1x10000xi32, #tpu.memory_space<hbm>>
      %dma_start3A_234 = tpu.memref_squeeze %dma_start3A_233 : memref<1x10000xi32, #tpu.memory_space<hbm>> -> memref<10000xi32, #tpu.memory_space<hbm>>
      tpu.enqueue_dma source(%dma_start3A_234 : memref<10000xi32, #tpu.memory_space<hbm>>) target(%arg8 : memref<10000xi32, #tpu.memory_space<vmem>>) target_semaphore(%run_scoped3A : memref<!tpu.dma_semaphore, #tpu.memory_space<semaphore_mem>>)
      %dma_wait3A_235 = arith.constant 0 : i32
      %dma_wait3A_236 = tpu.memref_slice %arg5[%add3A, %dma_wait3A_235] : memref<32x10000xi32, #tpu.memory_space<hbm>> -> memref<1x10000xi32, #tpu.memory_space<hbm>>
      %dma_wait3A_237 = tpu.memref_squeeze %dma_wait3A_236 : memref<1x10000xi32, #tpu.memory_space<hbm>> -> memref<10000xi32, #tpu.memory_space<hbm>>
      %dma_wait3A_238 = arith.constant 0 : i32
      %dma_wait3A_239 = tpu.memref_slice %arg5[%add3A, %dma_wait3A_238] : memref<32x10000xi32, #tpu.memory_space<hbm>> -> memref<1x10000xi32, #tpu.memory_space<hbm>>
      %dma_wait3A_240 = tpu.memref_squeeze %dma_wait3A_239 : memref<1x10000xi32, #tpu.memory_space<hbm>> -> memref<10000xi32, #tpu.memory_space<hbm>>
      tpu.wait_dma2 semaphore(%run_scoped3A : memref<!tpu.dma_semaphore, #tpu.memory_space<semaphore_mem>>) src(%dma_wait3A_240 : memref<10000xi32, #tpu.memory_space<hbm>>) dst(%arg8 : memref<10000xi32, #tpu.memory_space<vmem>>)
      tpu.yield
    }) : () -> ()
    %barrier3A = arith.constant 0 : index
    tpu.barrier barrier_id(%barrier3A)
    %dma_start3A = arith.constant 0 : i32
    %dma_start3A_7 = arith.constant 0 : i32
    %dma_start3A_8 = arith.constant 0 : i32
    %dma_start3A_9 = arith.constant 0 : i32
    %dma_start3A_10 = tpu.memref_slice %arg9[%dma_start3A, %dma_start3A_8, %dma_start3A_9] : memref<3x80x128xf32, #tpu.memory_space<vmem>> -> memref<1x80x128xf32, #tpu.memory_space<vmem>>
    %dma_start3A_11 = tpu.memref_squeeze %dma_start3A_10 : memref<1x80x128xf32, #tpu.memory_space<vmem>> -> memref<80x128xf32, #tpu.memory_space<vmem>>
    %dma_start3A_12 = arith.constant 0 : i32
    %dma_start3A_13 = tpu.memref_slice %arg7[%dma_start3A_12] : memref<10000xi32, #tpu.memory_space<vmem>> -> memref<80xi32, #tpu.memory_space<vmem>>
    %dma_start3A_14 = arith.constant 0 : i32
    %dma_start3A_15 = arith.constant 0 : i32
    %dma_start3A_16 = tpu.memref_slice %arg2[%dma_start3A_14, %dma_start3A_15] : memref<10000x128xf32, #tpu.memory_space<hbm>> -> memref<10000x128xf32, #tpu.memory_space<hbm>>
    %dma_start3A_17 = tpu.memref_slice %arg11[%dma_start3A_7] : memref<3x!tpu.dma_semaphore, #tpu.memory_space<semaphore_mem>> -> memref<1x!tpu.dma_semaphore, #tpu.memory_space<semaphore_mem>>
    %dma_start3A_18 = tpu.memref_squeeze %dma_start3A_17 : memref<1x!tpu.dma_semaphore, #tpu.memory_space<semaphore_mem>> -> memref<!tpu.dma_semaphore, #tpu.memory_space<semaphore_mem>>
    tpu.enqueue_indirect_dma source(%dma_start3A_16 : memref<10000x128xf32, #tpu.memory_space<hbm>>) target(%dma_start3A_11 : memref<80x128xf32, #tpu.memory_space<vmem>>) offsets(%dma_start3A_13 : memref<80xi32, #tpu.memory_space<vmem>>) semaphore(%dma_start3A_18 : memref<!tpu.dma_semaphore, #tpu.memory_space<semaphore_mem>>)
    %dma_start3A_19 = arith.constant 1 : i32
    %dma_start3A_20 = arith.constant 1 : i32
    %dma_start3A_21 = arith.constant 0 : i32
    %dma_start3A_22 = arith.constant 0 : i32
    %dma_start3A_23 = tpu.memref_slice %arg9[%dma_start3A_19, %dma_start3A_21, %dma_start3A_22] : memref<3x80x128xf32, #tpu.memory_space<vmem>> -> memref<1x80x128xf32, #tpu.memory_space<vmem>>
    %dma_start3A_24 = tpu.memref_squeeze %dma_start3A_23 : memref<1x80x128xf32, #tpu.memory_space<vmem>> -> memref<80x128xf32, #tpu.memory_space<vmem>>
    %dma_start3A_25 = arith.constant 80 : i32
    %dma_start3A_26 = tpu.memref_slice %arg7[%dma_start3A_25] : memref<10000xi32, #tpu.memory_space<vmem>> -> memref<80xi32, #tpu.memory_space<vmem>>
    %dma_start3A_27 = arith.constant 0 : i32
    %dma_start3A_28 = arith.constant 0 : i32
    %dma_start3A_29 = tpu.memref_slice %arg2[%dma_start3A_27, %dma_start3A_28] : memref<10000x128xf32, #tpu.memory_space<hbm>> -> memref<10000x128xf32, #tpu.memory_space<hbm>>
    %dma_start3A_30 = tpu.memref_slice %arg11[%dma_start3A_20] : memref<3x!tpu.dma_semaphore, #tpu.memory_space<semaphore_mem>> -> memref<1x!tpu.dma_semaphore, #tpu.memory_space<semaphore_mem>>
    %dma_start3A_31 = tpu.memref_squeeze %dma_start3A_30 : memref<1x!tpu.dma_semaphore, #tpu.memory_space<semaphore_mem>> -> memref<!tpu.dma_semaphore, #tpu.memory_space<semaphore_mem>>
    tpu.enqueue_indirect_dma source(%dma_start3A_29 : memref<10000x128xf32, #tpu.memory_space<hbm>>) target(%dma_start3A_24 : memref<80x128xf32, #tpu.memory_space<vmem>>) offsets(%dma_start3A_26 : memref<80xi32, #tpu.memory_space<vmem>>) semaphore(%dma_start3A_31 : memref<!tpu.dma_semaphore, #tpu.memory_space<semaphore_mem>>)
    %dma_wait3A = arith.constant 0 : i32
    %dma_wait3A_32 = arith.constant 0 : i32
    %dma_wait3A_33 = arith.constant 0 : i32
    %dma_wait3A_34 = arith.constant 0 : i32
    %dma_wait3A_35 = tpu.memref_slice %arg9[%dma_wait3A, %dma_wait3A_33, %dma_wait3A_34] : memref<3x80x128xf32, #tpu.memory_space<vmem>> -> memref<1x80x128xf32, #tpu.memory_space<vmem>>
    %dma_wait3A_36 = tpu.memref_squeeze %dma_wait3A_35 : memref<1x80x128xf32, #tpu.memory_space<vmem>> -> memref<80x128xf32, #tpu.memory_space<vmem>>
    %dma_wait3A_37 = arith.constant 0 : i32
    %dma_wait3A_38 = tpu.memref_slice %arg7[%dma_wait3A_37] : memref<10000xi32, #tpu.memory_space<vmem>> -> memref<80xi32, #tpu.memory_space<vmem>>
    %dma_wait3A_39 = arith.constant 0 : i32
    %dma_wait3A_40 = arith.constant 0 : i32
    %dma_wait3A_41 = tpu.memref_slice %arg2[%dma_wait3A_39, %dma_wait3A_40] : memref<10000x128xf32, #tpu.memory_space<hbm>> -> memref<10000x128xf32, #tpu.memory_space<hbm>>
    %dma_wait3A_42 = tpu.memref_slice %arg11[%dma_wait3A_32] : memref<3x!tpu.dma_semaphore, #tpu.memory_space<semaphore_mem>> -> memref<1x!tpu.dma_semaphore, #tpu.memory_space<semaphore_mem>>
    %dma_wait3A_43 = tpu.memref_squeeze %dma_wait3A_42 : memref<1x!tpu.dma_semaphore, #tpu.memory_space<semaphore_mem>> -> memref<!tpu.dma_semaphore, #tpu.memory_space<semaphore_mem>>
    tpu.wait_indirect_dma semaphore(%dma_wait3A_43 : memref<!tpu.dma_semaphore, #tpu.memory_space<semaphore_mem>>) src(%dma_wait3A_41 : memref<10000x128xf32, #tpu.memory_space<hbm>>) dst(%dma_wait3A_36 : memref<80x128xf32, #tpu.memory_space<vmem>>)
    %dma_start3A_44 = arith.constant 0 : i32
    %dma_start3A_45 = arith.constant 0 : i32
    %dma_start3A_46 = arith.constant 0 : i32
    %dma_start3A_47 = arith.constant 0 : i32
    %dma_start3A_48 = tpu.memref_slice %arg9[%dma_start3A_44, %dma_start3A_46, %dma_start3A_47] : memref<3x80x128xf32, #tpu.memory_space<vmem>> -> memref<1x80x128xf32, #tpu.memory_space<vmem>>
    %dma_start3A_49 = tpu.memref_squeeze %dma_start3A_48 : memref<1x80x128xf32, #tpu.memory_space<vmem>> -> memref<80x128xf32, #tpu.memory_space<vmem>>
    %dma_start3A_50 = arith.constant 0 : i32
    %dma_start3A_51 = tpu.memref_slice %arg8[%dma_start3A_50] : memref<10000xi32, #tpu.memory_space<vmem>> -> memref<80xi32, #tpu.memory_space<vmem>>
    %dma_start3A_52 = arith.constant 0 : i32
    %dma_start3A_53 = arith.constant 0 : i32
    %dma_start3A_54 = tpu.memref_slice %arg10[%dma_start3A_52, %dma_start3A_53] : memref<10000x128xf32, #tpu.memory_space<vmem_shared>> -> memref<10000x128xf32, #tpu.memory_space<vmem_shared>>
    %dma_start3A_55 = tpu.memref_slice %arg12[%dma_start3A_45] : memref<3x!tpu.dma_semaphore, #tpu.memory_space<semaphore_mem>> -> memref<1x!tpu.dma_semaphore, #tpu.memory_space<semaphore_mem>>
    %dma_start3A_56 = tpu.memref_squeeze %dma_start3A_55 : memref<1x!tpu.dma_semaphore, #tpu.memory_space<semaphore_mem>> -> memref<!tpu.dma_semaphore, #tpu.memory_space<semaphore_mem>>
    tpu.enqueue_indirect_dma source(%dma_start3A_49 : memref<80x128xf32, #tpu.memory_space<vmem>>) target(%dma_start3A_54 : memref<10000x128xf32, #tpu.memory_space<vmem_shared>>) offsets(%dma_start3A_51 : memref<80xi32, #tpu.memory_space<vmem>>) semaphore(%dma_start3A_56 : memref<!tpu.dma_semaphore, #tpu.memory_space<semaphore_mem>>) {add = true}
    %dma_start3A_57 = arith.constant 2 : i32
    %dma_start3A_58 = arith.constant 2 : i32
    %dma_start3A_59 = arith.constant 0 : i32
    %dma_start3A_60 = arith.constant 0 : i32
    %dma_start3A_61 = tpu.memref_slice %arg9[%dma_start3A_57, %dma_start3A_59, %dma_start3A_60] : memref<3x80x128xf32, #tpu.memory_space<vmem>> -> memref<1x80x128xf32, #tpu.memory_space<vmem>>
    %dma_start3A_62 = tpu.memref_squeeze %dma_start3A_61 : memref<1x80x128xf32, #tpu.memory_space<vmem>> -> memref<80x128xf32, #tpu.memory_space<vmem>>
    %dma_start3A_63 = arith.constant 160 : i32
    %dma_start3A_64 = tpu.memref_slice %arg7[%dma_start3A_63] : memref<10000xi32, #tpu.memory_space<vmem>> -> memref<80xi32, #tpu.memory_space<vmem>>
    %dma_start3A_65 = arith.constant 0 : i32
    %dma_start3A_66 = arith.constant 0 : i32
    %dma_start3A_67 = tpu.memref_slice %arg2[%dma_start3A_65, %dma_start3A_66] : memref<10000x128xf32, #tpu.memory_space<hbm>> -> memref<10000x128xf32, #tpu.memory_space<hbm>>
    %dma_start3A_68 = tpu.memref_slice %arg11[%dma_start3A_58] : memref<3x!tpu.dma_semaphore, #tpu.memory_space<semaphore_mem>> -> memref<1x!tpu.dma_semaphore, #tpu.memory_space<semaphore_mem>>
    %dma_start3A_69 = tpu.memref_squeeze %dma_start3A_68 : memref<1x!tpu.dma_semaphore, #tpu.memory_space<semaphore_mem>> -> memref<!tpu.dma_semaphore, #tpu.memory_space<semaphore_mem>>
    tpu.enqueue_indirect_dma source(%dma_start3A_67 : memref<10000x128xf32, #tpu.memory_space<hbm>>) target(%dma_start3A_62 : memref<80x128xf32, #tpu.memory_space<vmem>>) offsets(%dma_start3A_64 : memref<80xi32, #tpu.memory_space<vmem>>) semaphore(%dma_start3A_69 : memref<!tpu.dma_semaphore, #tpu.memory_space<semaphore_mem>>)
    %dma_wait3A_70 = arith.constant 1 : i32
    %dma_wait3A_71 = arith.constant 1 : i32
    %dma_wait3A_72 = arith.constant 0 : i32
    %dma_wait3A_73 = arith.constant 0 : i32
    %dma_wait3A_74 = tpu.memref_slice %arg9[%dma_wait3A_70, %dma_wait3A_72, %dma_wait3A_73] : memref<3x80x128xf32, #tpu.memory_space<vmem>> -> memref<1x80x128xf32, #tpu.memory_space<vmem>>
    %dma_wait3A_75 = tpu.memref_squeeze %dma_wait3A_74 : memref<1x80x128xf32, #tpu.memory_space<vmem>> -> memref<80x128xf32, #tpu.memory_space<vmem>>
    %dma_wait3A_76 = arith.constant 80 : i32
    %dma_wait3A_77 = tpu.memref_slice %arg7[%dma_wait3A_76] : memref<10000xi32, #tpu.memory_space<vmem>> -> memref<80xi32, #tpu.memory_space<vmem>>
    %dma_wait3A_78 = arith.constant 0 : i32
    %dma_wait3A_79 = arith.constant 0 : i32
    %dma_wait3A_80 = tpu.memref_slice %arg2[%dma_wait3A_78, %dma_wait3A_79] : memref<10000x128xf32, #tpu.memory_space<hbm>> -> memref<10000x128xf32, #tpu.memory_space<hbm>>
    %dma_wait3A_81 = tpu.memref_slice %arg11[%dma_wait3A_71] : memref<3x!tpu.dma_semaphore, #tpu.memory_space<semaphore_mem>> -> memref<1x!tpu.dma_semaphore, #tpu.memory_space<semaphore_mem>>
    %dma_wait3A_82 = tpu.memref_squeeze %dma_wait3A_81 : memref<1x!tpu.dma_semaphore, #tpu.memory_space<semaphore_mem>> -> memref<!tpu.dma_semaphore, #tpu.memory_space<semaphore_mem>>
    tpu.wait_indirect_dma semaphore(%dma_wait3A_82 : memref<!tpu.dma_semaphore, #tpu.memory_space<semaphore_mem>>) src(%dma_wait3A_80 : memref<10000x128xf32, #tpu.memory_space<hbm>>) dst(%dma_wait3A_75 : memref<80x128xf32, #tpu.memory_space<vmem>>)
    %dma_start3A_83 = arith.constant 1 : i32
    %dma_start3A_84 = arith.constant 1 : i32
    %dma_start3A_85 = arith.constant 0 : i32
    %dma_start3A_86 = arith.constant 0 : i32
    %dma_start3A_87 = tpu.memref_slice %arg9[%dma_start3A_83, %dma_start3A_85, %dma_start3A_86] : memref<3x80x128xf32, #tpu.memory_space<vmem>> -> memref<1x80x128xf32, #tpu.memory_space<vmem>>
    %dma_start3A_88 = tpu.memref_squeeze %dma_start3A_87 : memref<1x80x128xf32, #tpu.memory_space<vmem>> -> memref<80x128xf32, #tpu.memory_space<vmem>>
    %dma_start3A_89 = arith.constant 80 : i32
    %dma_start3A_90 = tpu.memref_slice %arg8[%dma_start3A_89] : memref<10000xi32, #tpu.memory_space<vmem>> -> memref<80xi32, #tpu.memory_space<vmem>>
    %dma_start3A_91 = arith.constant 0 : i32
    %dma_start3A_92 = arith.constant 0 : i32
    %dma_start3A_93 = tpu.memref_slice %arg10[%dma_start3A_91, %dma_start3A_92] : memref<10000x128xf32, #tpu.memory_space<vmem_shared>> -> memref<10000x128xf32, #tpu.memory_space<vmem_shared>>
    %dma_start3A_94 = tpu.memref_slice %arg12[%dma_start3A_84] : memref<3x!tpu.dma_semaphore, #tpu.memory_space<semaphore_mem>> -> memref<1x!tpu.dma_semaphore, #tpu.memory_space<semaphore_mem>>
    %dma_start3A_95 = tpu.memref_squeeze %dma_start3A_94 : memref<1x!tpu.dma_semaphore, #tpu.memory_space<semaphore_mem>> -> memref<!tpu.dma_semaphore, #tpu.memory_space<semaphore_mem>>
    tpu.enqueue_indirect_dma source(%dma_start3A_88 : memref<80x128xf32, #tpu.memory_space<vmem>>) target(%dma_start3A_93 : memref<10000x128xf32, #tpu.memory_space<vmem_shared>>) offsets(%dma_start3A_90 : memref<80xi32, #tpu.memory_space<vmem>>) semaphore(%dma_start3A_95 : memref<!tpu.dma_semaphore, #tpu.memory_space<semaphore_mem>>) {add = true}
    %dma_wait3A_96 = arith.constant 0 : i32
    %dma_wait3A_97 = arith.constant 0 : i32
    %dma_wait3A_98 = arith.constant 0 : i32
    %dma_wait3A_99 = arith.constant 0 : i32
    %dma_wait3A_100 = tpu.memref_slice %arg9[%dma_wait3A_96, %dma_wait3A_98, %dma_wait3A_99] : memref<3x80x128xf32, #tpu.memory_space<vmem>> -> memref<1x80x128xf32, #tpu.memory_space<vmem>>
    %dma_wait3A_101 = tpu.memref_squeeze %dma_wait3A_100 : memref<1x80x128xf32, #tpu.memory_space<vmem>> -> memref<80x128xf32, #tpu.memory_space<vmem>>
    %dma_wait3A_102 = arith.constant 0 : i32
    %dma_wait3A_103 = tpu.memref_slice %arg8[%dma_wait3A_102] : memref<10000xi32, #tpu.memory_space<vmem>> -> memref<80xi32, #tpu.memory_space<vmem>>
    %dma_wait3A_104 = arith.constant 0 : i32
    %dma_wait3A_105 = arith.constant 0 : i32
    %dma_wait3A_106 = tpu.memref_slice %arg10[%dma_wait3A_104, %dma_wait3A_105] : memref<10000x128xf32, #tpu.memory_space<vmem_shared>> -> memref<10000x128xf32, #tpu.memory_space<vmem_shared>>
    %dma_wait3A_107 = tpu.memref_slice %arg12[%dma_wait3A_97] : memref<3x!tpu.dma_semaphore, #tpu.memory_space<semaphore_mem>> -> memref<1x!tpu.dma_semaphore, #tpu.memory_space<semaphore_mem>>
    %dma_wait3A_108 = tpu.memref_squeeze %dma_wait3A_107 : memref<1x!tpu.dma_semaphore, #tpu.memory_space<semaphore_mem>> -> memref<!tpu.dma_semaphore, #tpu.memory_space<semaphore_mem>>
    tpu.wait_indirect_dma semaphore(%dma_wait3A_108 : memref<!tpu.dma_semaphore, #tpu.memory_space<semaphore_mem>>) src(%dma_wait3A_101 : memref<80x128xf32, #tpu.memory_space<vmem>>) dst(%dma_wait3A_106 : memref<10000x128xf32, #tpu.memory_space<vmem_shared>>)
    %dma_start3A_109 = arith.constant 0 : i32
    %dma_start3A_110 = arith.constant 0 : i32
    %dma_start3A_111 = arith.constant 0 : i32
    %dma_start3A_112 = arith.constant 0 : i32
    %dma_start3A_113 = tpu.memref_slice %arg9[%dma_start3A_109, %dma_start3A_111, %dma_start3A_112] : memref<3x80x128xf32, #tpu.memory_space<vmem>> -> memref<1x80x128xf32, #tpu.memory_space<vmem>>
    %dma_start3A_114 = tpu.memref_squeeze %dma_start3A_113 : memref<1x80x128xf32, #tpu.memory_space<vmem>> -> memref<80x128xf32, #tpu.memory_space<vmem>>
    %dma_start3A_115 = arith.constant 240 : i32
    %dma_start3A_116 = tpu.memref_slice %arg7[%dma_start3A_115] : memref<10000xi32, #tpu.memory_space<vmem>> -> memref<80xi32, #tpu.memory_space<vmem>>
    %dma_start3A_117 = arith.constant 0 : i32
    %dma_start3A_118 = arith.constant 0 : i32
    %dma_start3A_119 = tpu.memref_slice %arg2[%dma_start3A_117, %dma_start3A_118] : memref<10000x128xf32, #tpu.memory_space<hbm>> -> memref<10000x128xf32, #tpu.memory_space<hbm>>
    %dma_start3A_120 = tpu.memref_slice %arg11[%dma_start3A_110] : memref<3x!tpu.dma_semaphore, #tpu.memory_space<semaphore_mem>> -> memref<1x!tpu.dma_semaphore, #tpu.memory_space<semaphore_mem>>
    %dma_start3A_121 = tpu.memref_squeeze %dma_start3A_120 : memref<1x!tpu.dma_semaphore, #tpu.memory_space<semaphore_mem>> -> memref<!tpu.dma_semaphore, #tpu.memory_space<semaphore_mem>>
    tpu.enqueue_indirect_dma source(%dma_start3A_119 : memref<10000x128xf32, #tpu.memory_space<hbm>>) target(%dma_start3A_114 : memref<80x128xf32, #tpu.memory_space<vmem>>) offsets(%dma_start3A_116 : memref<80xi32, #tpu.memory_space<vmem>>) semaphore(%dma_start3A_121 : memref<!tpu.dma_semaphore, #tpu.memory_space<semaphore_mem>>)
    %scan3A = arith.constant 0 : i32
    %scan3A_122 = arith.constant 2 : i32
    %scan3A_123 = arith.constant 121 : i32
    %scan3A_124 = arith.addi %scan3A_122, %scan3A_123 : i32
    %scan3A_125 = arith.constant 1 : i32
    scf.for %scan3A_229 = %scan3A_122 to %scan3A_124 step %scan3A_125  : i32 {
      %rem3A = arith.constant 3 : i32
      %rem3A_230 = arith.remsi %scan3A_229, %rem3A : i32
      %add3A_231 = arith.constant 2 : i32
      %add3A_232 = arith.addi %scan3A_229, %add3A_231 : i32
      %rem3A_233 = arith.constant 3 : i32
      %rem3A_234 = arith.remsi %add3A_232, %rem3A_233 : i32
      %mul3A_235 = arith.constant 80 : i32
      %mul3A_236 = arith.muli %scan3A_229, %mul3A_235 : i32
      %dma_wait3A_237 = arith.constant 0 : i32
      %dma_wait3A_238 = arith.constant 0 : i32
      %dma_wait3A_239 = tpu.memref_slice %arg9[%rem3A_230, %dma_wait3A_237, %dma_wait3A_238] : memref<3x80x128xf32, #tpu.memory_space<vmem>> -> memref<1x80x128xf32, #tpu.memory_space<vmem>>
      %dma_wait3A_240 = tpu.memref_squeeze %dma_wait3A_239 : memref<1x80x128xf32, #tpu.memory_space<vmem>> -> memref<80x128xf32, #tpu.memory_space<vmem>>
      %dma_wait3A_241 = tpu.memref_slice %arg7[%mul3A_236] : memref<10000xi32, #tpu.memory_space<vmem>> -> memref<80xi32, #tpu.memory_space<vmem>>
      %dma_wait3A_242 = arith.constant 0 : i32
      %dma_wait3A_243 = arith.constant 0 : i32
      %dma_wait3A_244 = tpu.memref_slice %arg2[%dma_wait3A_242, %dma_wait3A_243] : memref<10000x128xf32, #tpu.memory_space<hbm>> -> memref<10000x128xf32, #tpu.memory_space<hbm>>
      %dma_wait3A_245 = tpu.memref_slice %arg11[%rem3A_230] : memref<3x!tpu.dma_semaphore, #tpu.memory_space<semaphore_mem>> -> memref<1x!tpu.dma_semaphore, #tpu.memory_space<semaphore_mem>>
      %dma_wait3A_246 = tpu.memref_squeeze %dma_wait3A_245 : memref<1x!tpu.dma_semaphore, #tpu.memory_space<semaphore_mem>> -> memref<!tpu.dma_semaphore, #tpu.memory_space<semaphore_mem>>
      tpu.wait_indirect_dma semaphore(%dma_wait3A_246 : memref<!tpu.dma_semaphore, #tpu.memory_space<semaphore_mem>>) src(%dma_wait3A_244 : memref<10000x128xf32, #tpu.memory_space<hbm>>) dst(%dma_wait3A_240 : memref<80x128xf32, #tpu.memory_space<vmem>>)
      %mul3A_247 = arith.constant 80 : i32
      %mul3A_248 = arith.muli %scan3A_229, %mul3A_247 : i32
      %dma_start3A_249 = arith.constant 0 : i32
      %dma_start3A_250 = arith.constant 0 : i32
      %dma_start3A_251 = tpu.memref_slice %arg9[%rem3A_230, %dma_start3A_249, %dma_start3A_250] : memref<3x80x128xf32, #tpu.memory_space<vmem>> -> memref<1x80x128xf32, #tpu.memory_space<vmem>>
      %dma_start3A_252 = tpu.memref_squeeze %dma_start3A_251 : memref<1x80x128xf32, #tpu.memory_space<vmem>> -> memref<80x128xf32, #tpu.memory_space<vmem>>
      %dma_start3A_253 = tpu.memref_slice %arg8[%mul3A_248] : memref<10000xi32, #tpu.memory_space<vmem>> -> memref<80xi32, #tpu.memory_space<vmem>>
      %dma_start3A_254 = arith.constant 0 : i32
      %dma_start3A_255 = arith.constant 0 : i32
      %dma_start3A_256 = tpu.memref_slice %arg10[%dma_start3A_254, %dma_start3A_255] : memref<10000x128xf32, #tpu.memory_space<vmem_shared>> -> memref<10000x128xf32, #tpu.memory_space<vmem_shared>>
      %dma_start3A_257 = tpu.memref_slice %arg12[%rem3A_230] : memref<3x!tpu.dma_semaphore, #tpu.memory_space<semaphore_mem>> -> memref<1x!tpu.dma_semaphore, #tpu.memory_space<semaphore_mem>>
      %dma_start3A_258 = tpu.memref_squeeze %dma_start3A_257 : memref<1x!tpu.dma_semaphore, #tpu.memory_space<semaphore_mem>> -> memref<!tpu.dma_semaphore, #tpu.memory_space<semaphore_mem>>
      tpu.enqueue_indirect_dma source(%dma_start3A_252 : memref<80x128xf32, #tpu.memory_space<vmem>>) target(%dma_start3A_256 : memref<10000x128xf32, #tpu.memory_space<vmem_shared>>) offsets(%dma_start3A_253 : memref<80xi32, #tpu.memory_space<vmem>>) semaphore(%dma_start3A_258 : memref<!tpu.dma_semaphore, #tpu.memory_space<semaphore_mem>>) {add = true}
      %sub3A = arith.constant 1 : i32
      %sub3A_259 = arith.subi %scan3A_229, %sub3A : i32
      %mul3A_260 = arith.constant 80 : i32
      %mul3A_261 = arith.muli %sub3A_259, %mul3A_260 : i32
      %dma_wait3A_262 = arith.constant 0 : i32
      %dma_wait3A_263 = arith.constant 0 : i32
      %dma_wait3A_264 = tpu.memref_slice %arg9[%rem3A_234, %dma_wait3A_262, %dma_wait3A_263] : memref<3x80x128xf32, #tpu.memory_space<vmem>> -> memref<1x80x128xf32, #tpu.memory_space<vmem>>
      %dma_wait3A_265 = tpu.memref_squeeze %dma_wait3A_264 : memref<1x80x128xf32, #tpu.memory_space<vmem>> -> memref<80x128xf32, #tpu.memory_space<vmem>>
      %dma_wait3A_266 = tpu.memref_slice %arg8[%mul3A_261] : memref<10000xi32, #tpu.memory_space<vmem>> -> memref<80xi32, #tpu.memory_space<vmem>>
      %dma_wait3A_267 = arith.constant 0 : i32
      %dma_wait3A_268 = arith.constant 0 : i32
      %dma_wait3A_269 = tpu.memref_slice %arg10[%dma_wait3A_267, %dma_wait3A_268] : memref<10000x128xf32, #tpu.memory_space<vmem_shared>> -> memref<10000x128xf32, #tpu.memory_space<vmem_shared>>
      %dma_wait3A_270 = tpu.memref_slice %arg12[%rem3A_234] : memref<3x!tpu.dma_semaphore, #tpu.memory_space<semaphore_mem>> -> memref<1x!tpu.dma_semaphore, #tpu.memory_space<semaphore_mem>>
      %dma_wait3A_271 = tpu.memref_squeeze %dma_wait3A_270 : memref<1x!tpu.dma_semaphore, #tpu.memory_space<semaphore_mem>> -> memref<!tpu.dma_semaphore, #tpu.memory_space<semaphore_mem>>
      tpu.wait_indirect_dma semaphore(%dma_wait3A_271 : memref<!tpu.dma_semaphore, #tpu.memory_space<semaphore_mem>>) src(%dma_wait3A_265 : memref<80x128xf32, #tpu.memory_space<vmem>>) dst(%dma_wait3A_269 : memref<10000x128xf32, #tpu.memory_space<vmem_shared>>)
      %add3A_272 = arith.constant 2 : i32
      %add3A_273 = arith.addi %scan3A_229, %add3A_272 : i32
      %mul3A_274 = arith.constant 80 : i32
      %mul3A_275 = arith.muli %add3A_273, %mul3A_274 : i32
      %dma_start3A_276 = arith.constant 0 : i32
      %dma_start3A_277 = arith.constant 0 : i32
      %dma_start3A_278 = tpu.memref_slice %arg9[%rem3A_234, %dma_start3A_276, %dma_start3A_277] : memref<3x80x128xf32, #tpu.memory_space<vmem>> -> memref<1x80x128xf32, #tpu.memory_space<vmem>>
      %dma_start3A_279 = tpu.memref_squeeze %dma_start3A_278 : memref<1x80x128xf32, #tpu.memory_space<vmem>> -> memref<80x128xf32, #tpu.memory_space<vmem>>
      %dma_start3A_280 = tpu.memref_slice %arg7[%mul3A_275] : memref<10000xi32, #tpu.memory_space<vmem>> -> memref<80xi32, #tpu.memory_space<vmem>>
      %dma_start3A_281 = arith.constant 0 : i32
      %dma_start3A_282 = arith.constant 0 : i32
      %dma_start3A_283 = tpu.memref_slice %arg2[%dma_start3A_281, %dma_start3A_282] : memref<10000x128xf32, #tpu.memory_space<hbm>> -> memref<10000x128xf32, #tpu.memory_space<hbm>>
      %dma_start3A_284 = tpu.memref_slice %arg11[%rem3A_234] : memref<3x!tpu.dma_semaphore, #tpu.memory_space<semaphore_mem>> -> memref<1x!tpu.dma_semaphore, #tpu.memory_space<semaphore_mem>>
      %dma_start3A_285 = tpu.memref_squeeze %dma_start3A_284 : memref<1x!tpu.dma_semaphore, #tpu.memory_space<semaphore_mem>> -> memref<!tpu.dma_semaphore, #tpu.memory_space<semaphore_mem>>
      tpu.enqueue_indirect_dma source(%dma_start3A_283 : memref<10000x128xf32, #tpu.memory_space<hbm>>) target(%dma_start3A_279 : memref<80x128xf32, #tpu.memory_space<vmem>>) offsets(%dma_start3A_280 : memref<80xi32, #tpu.memory_space<vmem>>) semaphore(%dma_start3A_285 : memref<!tpu.dma_semaphore, #tpu.memory_space<semaphore_mem>>)
    }
    %scan3A_126 = arith.constant 121 : i32
    %dma_wait3A_127 = arith.constant 0 : i32
    %dma_wait3A_128 = arith.constant 0 : i32
    %dma_wait3A_129 = arith.constant 0 : i32
    %dma_wait3A_130 = arith.constant 0 : i32
    %dma_wait3A_131 = tpu.memref_slice %arg9[%dma_wait3A_127, %dma_wait3A_129, %dma_wait3A_130] : memref<3x80x128xf32, #tpu.memory_space<vmem>> -> memref<1x80x128xf32, #tpu.memory_space<vmem>>
    %dma_wait3A_132 = tpu.memref_squeeze %dma_wait3A_131 : memref<1x80x128xf32, #tpu.memory_space<vmem>> -> memref<80x128xf32, #tpu.memory_space<vmem>>
    %dma_wait3A_133 = arith.constant 9840 : i32
    %dma_wait3A_134 = tpu.memref_slice %arg7[%dma_wait3A_133] : memref<10000xi32, #tpu.memory_space<vmem>> -> memref<80xi32, #tpu.memory_space<vmem>>
    %dma_wait3A_135 = arith.constant 0 : i32
    %dma_wait3A_136 = arith.constant 0 : i32
    %dma_wait3A_137 = tpu.memref_slice %arg2[%dma_wait3A_135, %dma_wait3A_136] : memref<10000x128xf32, #tpu.memory_space<hbm>> -> memref<10000x128xf32, #tpu.memory_space<hbm>>
    %dma_wait3A_138 = tpu.memref_slice %arg11[%dma_wait3A_128] : memref<3x!tpu.dma_semaphore, #tpu.memory_space<semaphore_mem>> -> memref<1x!tpu.dma_semaphore, #tpu.memory_space<semaphore_mem>>
    %dma_wait3A_139 = tpu.memref_squeeze %dma_wait3A_138 : memref<1x!tpu.dma_semaphore, #tpu.memory_space<semaphore_mem>> -> memref<!tpu.dma_semaphore, #tpu.memory_space<semaphore_mem>>
    tpu.wait_indirect_dma semaphore(%dma_wait3A_139 : memref<!tpu.dma_semaphore, #tpu.memory_space<semaphore_mem>>) src(%dma_wait3A_137 : memref<10000x128xf32, #tpu.memory_space<hbm>>) dst(%dma_wait3A_132 : memref<80x128xf32, #tpu.memory_space<vmem>>)
    %dma_start3A_140 = arith.constant 0 : i32
    %dma_start3A_141 = arith.constant 0 : i32
    %dma_start3A_142 = arith.constant 0 : i32
    %dma_start3A_143 = arith.constant 0 : i32
    %dma_start3A_144 = tpu.memref_slice %arg9[%dma_start3A_140, %dma_start3A_142, %dma_start3A_143] : memref<3x80x128xf32, #tpu.memory_space<vmem>> -> memref<1x80x128xf32, #tpu.memory_space<vmem>>
    %dma_start3A_145 = tpu.memref_squeeze %dma_start3A_144 : memref<1x80x128xf32, #tpu.memory_space<vmem>> -> memref<80x128xf32, #tpu.memory_space<vmem>>
    %dma_start3A_146 = arith.constant 9840 : i32
    %dma_start3A_147 = tpu.memref_slice %arg8[%dma_start3A_146] : memref<10000xi32, #tpu.memory_space<vmem>> -> memref<80xi32, #tpu.memory_space<vmem>>
    %dma_start3A_148 = arith.constant 0 : i32
    %dma_start3A_149 = arith.constant 0 : i32
    %dma_start3A_150 = tpu.memref_slice %arg10[%dma_start3A_148, %dma_start3A_149] : memref<10000x128xf32, #tpu.memory_space<vmem_shared>> -> memref<10000x128xf32, #tpu.memory_space<vmem_shared>>
    %dma_start3A_151 = tpu.memref_slice %arg12[%dma_start3A_141] : memref<3x!tpu.dma_semaphore, #tpu.memory_space<semaphore_mem>> -> memref<1x!tpu.dma_semaphore, #tpu.memory_space<semaphore_mem>>
    %dma_start3A_152 = tpu.memref_squeeze %dma_start3A_151 : memref<1x!tpu.dma_semaphore, #tpu.memory_space<semaphore_mem>> -> memref<!tpu.dma_semaphore, #tpu.memory_space<semaphore_mem>>
    tpu.enqueue_indirect_dma source(%dma_start3A_145 : memref<80x128xf32, #tpu.memory_space<vmem>>) target(%dma_start3A_150 : memref<10000x128xf32, #tpu.memory_space<vmem_shared>>) offsets(%dma_start3A_147 : memref<80xi32, #tpu.memory_space<vmem>>) semaphore(%dma_start3A_152 : memref<!tpu.dma_semaphore, #tpu.memory_space<semaphore_mem>>) {add = true}
    %dma_wait3A_153 = arith.constant 2 : i32
    %dma_wait3A_154 = arith.constant 2 : i32
    %dma_wait3A_155 = arith.constant 0 : i32
    %dma_wait3A_156 = arith.constant 0 : i32
    %dma_wait3A_157 = tpu.memref_slice %arg9[%dma_wait3A_153, %dma_wait3A_155, %dma_wait3A_156] : memref<3x80x128xf32, #tpu.memory_space<vmem>> -> memref<1x80x128xf32, #tpu.memory_space<vmem>>
    %dma_wait3A_158 = tpu.memref_squeeze %dma_wait3A_157 : memref<1x80x128xf32, #tpu.memory_space<vmem>> -> memref<80x128xf32, #tpu.memory_space<vmem>>
    %dma_wait3A_159 = arith.constant 9760 : i32
    %dma_wait3A_160 = tpu.memref_slice %arg8[%dma_wait3A_159] : memref<10000xi32, #tpu.memory_space<vmem>> -> memref<80xi32, #tpu.memory_space<vmem>>
    %dma_wait3A_161 = arith.constant 0 : i32
    %dma_wait3A_162 = arith.constant 0 : i32
    %dma_wait3A_163 = tpu.memref_slice %arg10[%dma_wait3A_161, %dma_wait3A_162] : memref<10000x128xf32, #tpu.memory_space<vmem_shared>> -> memref<10000x128xf32, #tpu.memory_space<vmem_shared>>
    %dma_wait3A_164 = tpu.memref_slice %arg12[%dma_wait3A_154] : memref<3x!tpu.dma_semaphore, #tpu.memory_space<semaphore_mem>> -> memref<1x!tpu.dma_semaphore, #tpu.memory_space<semaphore_mem>>
    %dma_wait3A_165 = tpu.memref_squeeze %dma_wait3A_164 : memref<1x!tpu.dma_semaphore, #tpu.memory_space<semaphore_mem>> -> memref<!tpu.dma_semaphore, #tpu.memory_space<semaphore_mem>>
    tpu.wait_indirect_dma semaphore(%dma_wait3A_165 : memref<!tpu.dma_semaphore, #tpu.memory_space<semaphore_mem>>) src(%dma_wait3A_158 : memref<80x128xf32, #tpu.memory_space<vmem>>) dst(%dma_wait3A_163 : memref<10000x128xf32, #tpu.memory_space<vmem_shared>>)
    %dma_wait3A_166 = arith.constant 1 : i32
    %dma_wait3A_167 = arith.constant 1 : i32
    %dma_wait3A_168 = arith.constant 0 : i32
    %dma_wait3A_169 = arith.constant 0 : i32
    %dma_wait3A_170 = tpu.memref_slice %arg9[%dma_wait3A_166, %dma_wait3A_168, %dma_wait3A_169] : memref<3x80x128xf32, #tpu.memory_space<vmem>> -> memref<1x80x128xf32, #tpu.memory_space<vmem>>
    %dma_wait3A_171 = tpu.memref_squeeze %dma_wait3A_170 : memref<1x80x128xf32, #tpu.memory_space<vmem>> -> memref<80x128xf32, #tpu.memory_space<vmem>>
    %dma_wait3A_172 = arith.constant 9920 : i32
    %dma_wait3A_173 = tpu.memref_slice %arg7[%dma_wait3A_172] : memref<10000xi32, #tpu.memory_space<vmem>> -> memref<80xi32, #tpu.memory_space<vmem>>
    %dma_wait3A_174 = arith.constant 0 : i32
    %dma_wait3A_175 = arith.constant 0 : i32
    %dma_wait3A_176 = tpu.memref_slice %arg2[%dma_wait3A_174, %dma_wait3A_175] : memref<10000x128xf32, #tpu.memory_space<hbm>> -> memref<10000x128xf32, #tpu.memory_space<hbm>>
    %dma_wait3A_177 = tpu.memref_slice %arg11[%dma_wait3A_167] : memref<3x!tpu.dma_semaphore, #tpu.memory_space<semaphore_mem>> -> memref<1x!tpu.dma_semaphore, #tpu.memory_space<semaphore_mem>>
    %dma_wait3A_178 = tpu.memref_squeeze %dma_wait3A_177 : memref<1x!tpu.dma_semaphore, #tpu.memory_space<semaphore_mem>> -> memref<!tpu.dma_semaphore, #tpu.memory_space<semaphore_mem>>
    tpu.wait_indirect_dma semaphore(%dma_wait3A_178 : memref<!tpu.dma_semaphore, #tpu.memory_space<semaphore_mem>>) src(%dma_wait3A_176 : memref<10000x128xf32, #tpu.memory_space<hbm>>) dst(%dma_wait3A_171 : memref<80x128xf32, #tpu.memory_space<vmem>>)
    %dma_start3A_179 = arith.constant 1 : i32
    %dma_start3A_180 = arith.constant 1 : i32
    %dma_start3A_181 = arith.constant 0 : i32
    %dma_start3A_182 = arith.constant 0 : i32
    %dma_start3A_183 = tpu.memref_slice %arg9[%dma_start3A_179, %dma_start3A_181, %dma_start3A_182] : memref<3x80x128xf32, #tpu.memory_space<vmem>> -> memref<1x80x128xf32, #tpu.memory_space<vmem>>
    %dma_start3A_184 = tpu.memref_squeeze %dma_start3A_183 : memref<1x80x128xf32, #tpu.memory_space<vmem>> -> memref<80x128xf32, #tpu.memory_space<vmem>>
    %dma_start3A_185 = arith.constant 9920 : i32
    %dma_start3A_186 = tpu.memref_slice %arg8[%dma_start3A_185] : memref<10000xi32, #tpu.memory_space<vmem>> -> memref<80xi32, #tpu.memory_space<vmem>>
    %dma_start3A_187 = arith.constant 0 : i32
    %dma_start3A_188 = arith.constant 0 : i32
    %dma_start3A_189 = tpu.memref_slice %arg10[%dma_start3A_187, %dma_start3A_188] : memref<10000x128xf32, #tpu.memory_space<vmem_shared>> -> memref<10000x128xf32, #tpu.memory_space<vmem_shared>>
    %dma_start3A_190 = tpu.memref_slice %arg12[%dma_start3A_180] : memref<3x!tpu.dma_semaphore, #tpu.memory_space<semaphore_mem>> -> memref<1x!tpu.dma_semaphore, #tpu.memory_space<semaphore_mem>>
    %dma_start3A_191 = tpu.memref_squeeze %dma_start3A_190 : memref<1x!tpu.dma_semaphore, #tpu.memory_space<semaphore_mem>> -> memref<!tpu.dma_semaphore, #tpu.memory_space<semaphore_mem>>
    tpu.enqueue_indirect_dma source(%dma_start3A_184 : memref<80x128xf32, #tpu.memory_space<vmem>>) target(%dma_start3A_189 : memref<10000x128xf32, #tpu.memory_space<vmem_shared>>) offsets(%dma_start3A_186 : memref<80xi32, #tpu.memory_space<vmem>>) semaphore(%dma_start3A_191 : memref<!tpu.dma_semaphore, #tpu.memory_space<semaphore_mem>>) {add = true}
    %dma_wait3A_192 = arith.constant 0 : i32
    %dma_wait3A_193 = arith.constant 0 : i32
    %dma_wait3A_194 = arith.constant 0 : i32
    %dma_wait3A_195 = arith.constant 0 : i32
    %dma_wait3A_196 = tpu.memref_slice %arg9[%dma_wait3A_192, %dma_wait3A_194, %dma_wait3A_195] : memref<3x80x128xf32, #tpu.memory_space<vmem>> -> memref<1x80x128xf32, #tpu.memory_space<vmem>>
    %dma_wait3A_197 = tpu.memref_squeeze %dma_wait3A_196 : memref<1x80x128xf32, #tpu.memory_space<vmem>> -> memref<80x128xf32, #tpu.memory_space<vmem>>
    %dma_wait3A_198 = arith.constant 9840 : i32
    %dma_wait3A_199 = tpu.memref_slice %arg8[%dma_wait3A_198] : memref<10000xi32, #tpu.memory_space<vmem>> -> memref<80xi32, #tpu.memory_space<vmem>>
    %dma_wait3A_200 = arith.constant 0 : i32
    %dma_wait3A_201 = arith.constant 0 : i32
    %dma_wait3A_202 = tpu.memref_slice %arg10[%dma_wait3A_200, %dma_wait3A_201] : memref<10000x128xf32, #tpu.memory_space<vmem_shared>> -> memref<10000x128xf32, #tpu.memory_space<vmem_shared>>
    %dma_wait3A_203 = tpu.memref_slice %arg12[%dma_wait3A_193] : memref<3x!tpu.dma_semaphore, #tpu.memory_space<semaphore_mem>> -> memref<1x!tpu.dma_semaphore, #tpu.memory_space<semaphore_mem>>
    %dma_wait3A_204 = tpu.memref_squeeze %dma_wait3A_203 : memref<1x!tpu.dma_semaphore, #tpu.memory_space<semaphore_mem>> -> memref<!tpu.dma_semaphore, #tpu.memory_space<semaphore_mem>>
    tpu.wait_indirect_dma semaphore(%dma_wait3A_204 : memref<!tpu.dma_semaphore, #tpu.memory_space<semaphore_mem>>) src(%dma_wait3A_197 : memref<80x128xf32, #tpu.memory_space<vmem>>) dst(%dma_wait3A_202 : memref<10000x128xf32, #tpu.memory_space<vmem_shared>>)
    %dma_wait3A_205 = arith.constant 1 : i32
    %dma_wait3A_206 = arith.constant 1 : i32
    %dma_wait3A_207 = arith.constant 0 : i32
    %dma_wait3A_208 = arith.constant 0 : i32
    %dma_wait3A_209 = tpu.memref_slice %arg9[%dma_wait3A_205, %dma_wait3A_207, %dma_wait3A_208] : memref<3x80x128xf32, #tpu.memory_space<vmem>> -> memref<1x80x128xf32, #tpu.memory_space<vmem>>
    %dma_wait3A_210 = tpu.memref_squeeze %dma_wait3A_209 : memref<1x80x128xf32, #tpu.memory_space<vmem>> -> memref<80x128xf32, #tpu.memory_space<vmem>>
    %dma_wait3A_211 = arith.constant 9920 : i32
    %dma_wait3A_212 = tpu.memref_slice %arg8[%dma_wait3A_211] : memref<10000xi32, #tpu.memory_space<vmem>> -> memref<80xi32, #tpu.memory_space<vmem>>
    %dma_wait3A_213 = arith.constant 0 : i32
    %dma_wait3A_214 = arith.constant 0 : i32
    %dma_wait3A_215 = tpu.memref_slice %arg10[%dma_wait3A_213, %dma_wait3A_214] : memref<10000x128xf32, #tpu.memory_space<vmem_shared>> -> memref<10000x128xf32, #tpu.memory_space<vmem_shared>>
    %dma_wait3A_216 = tpu.memref_slice %arg12[%dma_wait3A_206] : memref<3x!tpu.dma_semaphore, #tpu.memory_space<semaphore_mem>> -> memref<1x!tpu.dma_semaphore, #tpu.memory_space<semaphore_mem>>
    %dma_wait3A_217 = tpu.memref_squeeze %dma_wait3A_216 : memref<1x!tpu.dma_semaphore, #tpu.memory_space<semaphore_mem>> -> memref<!tpu.dma_semaphore, #tpu.memory_space<semaphore_mem>>
    tpu.wait_indirect_dma semaphore(%dma_wait3A_217 : memref<!tpu.dma_semaphore, #tpu.memory_space<semaphore_mem>>) src(%dma_wait3A_210 : memref<80x128xf32, #tpu.memory_space<vmem>>) dst(%dma_wait3A_215 : memref<10000x128xf32, #tpu.memory_space<vmem_shared>>)
    %barrier3A_218 = arith.constant 0 : index
    tpu.barrier barrier_id(%barrier3A_218)
    %lt3A_219 = arith.constant 15 : i32
    %lt3A_220 = arith.cmpi slt, %arg1, %lt3A_219 : i32
    %convert_element_type3A_221 = arith.extui %lt3A_220 : i1 to i32
    %cond3A_222 = arith.constant 0 : i32
    %cond3A_223 = arith.cmpi ne, %convert_element_type3A_221, %cond3A_222 : i32
    scf.if %cond3A_223 {
      %mul3A_229 = arith.constant 624 : i32
      %mul3A_230 = arith.muli %arg1, %mul3A_229 : i32
      %multiple_of3A = tpu.assume_multiple %mul3A_230, 8 : i32
      "tpu.region"() ({
        %run_scoped3A = tpu.sem_alloc : memref<!tpu.dma_semaphore, #tpu.memory_space<semaphore_mem>>
        %dma_start3A_231 = arith.constant 0 : i32
        %dma_start3A_232 = tpu.memref_slice %arg6[%arg0, %multiple_of3A, %dma_start3A_231] : memref<2x10000x128xf32, #tpu.memory_space<hbm>> -> memref<1x624x128xf32, #tpu.memory_space<hbm>>
        %dma_start3A_233 = tpu.memref_squeeze %dma_start3A_232 : memref<1x624x128xf32, #tpu.memory_space<hbm>> -> memref<624x128xf32, #tpu.memory_space<hbm>>
        %dma_start3A_234 = arith.constant 0 : i32
        %dma_start3A_235 = tpu.memref_slice %arg10[%multiple_of3A, %dma_start3A_234] : memref<10000x128xf32, #tpu.memory_space<vmem_shared>> -> memref<624x128xf32, #tpu.memory_space<vmem_shared>>
        tpu.enqueue_dma source(%dma_start3A_235 : memref<624x128xf32, #tpu.memory_space<vmem_shared>>) target(%dma_start3A_233 : memref<624x128xf32, #tpu.memory_space<hbm>>) target_semaphore(%run_scoped3A : memref<!tpu.dma_semaphore, #tpu.memory_space<semaphore_mem>>)
        %dma_wait3A_236 = arith.constant 0 : i32
        %dma_wait3A_237 = tpu.memref_slice %arg6[%arg0, %multiple_of3A, %dma_wait3A_236] : memref<2x10000x128xf32, #tpu.memory_space<hbm>> -> memref<1x624x128xf32, #tpu.memory_space<hbm>>
        %dma_wait3A_238 = tpu.memref_squeeze %dma_wait3A_237 : memref<1x624x128xf32, #tpu.memory_space<hbm>> -> memref<624x128xf32, #tpu.memory_space<hbm>>
        %dma_wait3A_239 = arith.constant 0 : i32
        %dma_wait3A_240 = tpu.memref_slice %arg10[%multiple_of3A, %dma_wait3A_239] : memref<10000x128xf32, #tpu.memory_space<vmem_shared>> -> memref<624x128xf32, #tpu.memory_space<vmem_shared>>
        tpu.wait_dma2 semaphore(%run_scoped3A : memref<!tpu.dma_semaphore, #tpu.memory_space<semaphore_mem>>) src(%dma_wait3A_240 : memref<624x128xf32, #tpu.memory_space<vmem_shared>>) dst(%dma_wait3A_238 : memref<624x128xf32, #tpu.memory_space<hbm>>)
        tpu.yield
      }) : () -> ()
    } else {
    }
    %eq3A_224 = arith.constant 15 : i32
    %eq3A_225 = arith.cmpi eq, %arg1, %eq3A_224 : i32
    %convert_element_type3A_226 = arith.extui %eq3A_225 : i1 to i32
    %cond3A_227 = arith.constant 0 : i32
    %cond3A_228 = arith.cmpi ne, %convert_element_type3A_226, %cond3A_227 : i32
    scf.if %cond3A_228 {
      "tpu.region"() ({
        %run_scoped3A = tpu.sem_alloc : memref<!tpu.dma_semaphore, #tpu.memory_space<semaphore_mem>>
        %dma_start3A_229 = arith.constant 9360 : i32
        %dma_start3A_230 = arith.constant 0 : i32
        %dma_start3A_231 = tpu.memref_slice %arg6[%arg0, %dma_start3A_229, %dma_start3A_230] : memref<2x10000x128xf32, #tpu.memory_space<hbm>> -> memref<1x640x128xf32, #tpu.memory_space<hbm>>
        %dma_start3A_232 = tpu.memref_squeeze %dma_start3A_231 : memref<1x640x128xf32, #tpu.memory_space<hbm>> -> memref<640x128xf32, #tpu.memory_space<hbm>>
        %dma_start3A_233 = arith.constant 9360 : i32
        %dma_start3A_234 = arith.constant 0 : i32
        %dma_start3A_235 = tpu.memref_slice %arg10[%dma_start3A_233, %dma_start3A_234] : memref<10000x128xf32, #tpu.memory_space<vmem_shared>> -> memref<640x128xf32, #tpu.memory_space<vmem_shared>>
        tpu.enqueue_dma source(%dma_start3A_235 : memref<640x128xf32, #tpu.memory_space<vmem_shared>>) target(%dma_start3A_232 : memref<640x128xf32, #tpu.memory_space<hbm>>) target_semaphore(%run_scoped3A : memref<!tpu.dma_semaphore, #tpu.memory_space<semaphore_mem>>)
        %dma_wait3A_236 = arith.constant 9360 : i32
        %dma_wait3A_237 = arith.constant 0 : i32
        %dma_wait3A_238 = tpu.memref_slice %arg6[%arg0, %dma_wait3A_236, %dma_wait3A_237] : memref<2x10000x128xf32, #tpu.memory_space<hbm>> -> memref<1x640x128xf32, #tpu.memory_space<hbm>>
        %dma_wait3A_239 = tpu.memref_squeeze %dma_wait3A_238 : memref<1x640x128xf32, #tpu.memory_space<hbm>> -> memref<640x128xf32, #tpu.memory_space<hbm>>
        %dma_wait3A_240 = arith.constant 9360 : i32
        %dma_wait3A_241 = arith.constant 0 : i32
        %dma_wait3A_242 = tpu.memref_slice %arg10[%dma_wait3A_240, %dma_wait3A_241] : memref<10000x128xf32, #tpu.memory_space<vmem_shared>> -> memref<640x128xf32, #tpu.memory_space<vmem_shared>>
        tpu.wait_dma2 semaphore(%run_scoped3A : memref<!tpu.dma_semaphore, #tpu.memory_space<semaphore_mem>>) src(%dma_wait3A_242 : memref<640x128xf32, #tpu.memory_space<vmem_shared>>) dst(%dma_wait3A_239 : memref<640x128xf32, #tpu.memory_space<hbm>>)
        tpu.yield
      }) : () -> ()
    } else {
    }
    return
  }
}

module attributes {stable_mosaic.version = 14 : i64} {
  func.func @body(%arg0: memref<32x10000xf32, #tpu.memory_space<vmem>>, %arg1: memref<10000x128xf32, #tpu.memory_space<vmem>>, %arg2: memref<128x128xf32, #tpu.memory_space<vmem>>, %arg3: memref<10000x1xf32, #tpu.memory_space<vmem>>, %arg4: memref<10000x128xf32, #tpu.memory_space<vmem>>) attributes {dimension_semantics = [], scalar_prefetch = 0 : i64, scratch_operands = 0 : i64, tpu.core_type = #tpu.core_type<tc>} {
    %get3A = arith.constant 0 : index
    %get3A_0 = arith.constant 0 : index
    %get3A_1 = vector.load %arg0[%get3A, %get3A_0] : memref<32x10000xf32, #tpu.memory_space<vmem>>, vector<32x10000xf32>
    %broadcast_in_dim3A = arith.constant 1.000000e+00 : f32
    %broadcast_in_dim3A_2 = vector.broadcast %broadcast_in_dim3A : f32 to vector<32x1xf32>
    %dot_general3A = arith.constant dense<0.000000e+00> : vector<10000x1xf32>
    %dot_general3A_3 = tpu.matmul %get3A_1, %broadcast_in_dim3A_2, %dot_general3A {dimension_numbers = #tpu.dot_dimension_numbers<[0], [0], [1], [1], [0, 1, 1, 1], [], []>, transpose_lhs_hint = false} : vector<32x10000xf32>, vector<32x1xf32>, vector<10000x1xf32> -> vector<10000x1xf32>
    %add3A = arith.constant 1.000000e+00 : f32
    %add3A_4 = vector.broadcast %add3A : f32 to vector<10000x1xf32>
    %add3A_5 = arith.addf %add3A_4, %dot_general3A_3 : vector<10000x1xf32>
    %rsqrt3A = math.rsqrt %add3A_5 : vector<10000x1xf32>
    %swap3A = arith.constant 0 : index
    %swap3A_6 = arith.constant 0 : index
    %swap3A_7 = vector.load %arg3[%swap3A, %swap3A_6] : memref<10000x1xf32, #tpu.memory_space<vmem>>, vector<10000x1xf32>
    tpu.vector_store %arg3[%swap3A, %swap3A_6], %rsqrt3A {strides = array<i32>} : memref<10000x1xf32, #tpu.memory_space<vmem>>, vector<10000x1xf32>,
    %get3A_8 = arith.constant 0 : index
    %get3A_9 = arith.constant 0 : index
    %get3A_10 = vector.load %arg1[%get3A_8, %get3A_9] : memref<10000x128xf32, #tpu.memory_space<vmem>>, vector<10000x128xf32>
    %get3A_11 = arith.constant 0 : index
    %get3A_12 = arith.constant 0 : index
    %get3A_13 = vector.load %arg2[%get3A_11, %get3A_12] : memref<128x128xf32, #tpu.memory_space<vmem>>, vector<128x128xf32>
    %dot_general3A_14 = arith.constant dense<0.000000e+00> : vector<10000x128xf32>
    %dot_general3A_15 = tpu.matmul %get3A_10, %get3A_13, %dot_general3A_14 {dimension_numbers = #tpu.dot_dimension_numbers<[1], [1], [0], [0], [0, 0, 1, 0], [], []>, transpose_lhs_hint = false} : vector<10000x128xf32>, vector<128x128xf32>, vector<10000x128xf32> -> vector<10000x128xf32>
    %mul3A = vector.broadcast %rsqrt3A : vector<10000x1xf32> to vector<10000x128xf32>
    %mul3A_16 = arith.mulf %dot_general3A_15, %mul3A : vector<10000x128xf32>
    %swap3A_17 = arith.constant 0 : index
    %swap3A_18 = arith.constant 0 : index
    %swap3A_19 = vector.load %arg4[%swap3A_17, %swap3A_18] : memref<10000x128xf32, #tpu.memory_space<vmem>>, vector<10000x128xf32>
    tpu.vector_store %arg4[%swap3A_17, %swap3A_18], %mul3A_16 {strides = array<i32>} : memref<10000x128xf32, #tpu.memory_space<vmem>>, vector<10000x128xf32>,
    return
  }
}

module attributes {stable_mosaic.version = 14 : i64} {
  func.func @body(%arg0: memref<2x10000x128xf32, #tpu.memory_space<vmem>>, %arg1: memref<10000x1xf32, #tpu.memory_space<vmem>>, %arg2: memref<1x128xf32, #tpu.memory_space<vmem>>, %arg3: memref<1x128xf32, #tpu.memory_space<vmem>>, %arg4: memref<1x128xf32, #tpu.memory_space<vmem>>, %arg5: memref<128x128xf32, #tpu.memory_space<vmem>>, %arg6: memref<10000x128xf32, #tpu.memory_space<vmem>>) attributes {dimension_semantics = [], scalar_prefetch = 0 : i64, scratch_operands = 0 : i64, tpu.core_type = #tpu.core_type<tc>} {
    %get3A = arith.constant 0 : index
    %get3A_0 = arith.constant 0 : index
    %get3A_1 = vector.load %arg1[%get3A, %get3A_0] : memref<10000x1xf32, #tpu.memory_space<vmem>>, vector<10000x1xf32>
    %get3A_2 = arith.constant 0 : index
    %get3A_3 = arith.constant 0 : index
    %get3A_4 = arith.constant 0 : index
    %get3A_5 = vector.load %arg0[%get3A_2, %get3A_3, %get3A_4] : memref<2x10000x128xf32, #tpu.memory_space<vmem>>, vector<1x10000x128xf32>
    %get3A_6 = vector.shape_cast %get3A_5 : vector<1x10000x128xf32> to vector<10000x128xf32>
    %get3A_7 = arith.constant 1 : index
    %get3A_8 = arith.constant 0 : index
    %get3A_9 = arith.constant 0 : index
    %get3A_10 = vector.load %arg0[%get3A_7, %get3A_8, %get3A_9] : memref<2x10000x128xf32, #tpu.memory_space<vmem>>, vector<1x10000x128xf32>
    %get3A_11 = vector.shape_cast %get3A_10 : vector<1x10000x128xf32> to vector<10000x128xf32>
    %add3A = arith.addf %get3A_6, %get3A_11 : vector<10000x128xf32>
    %mul3A = vector.broadcast %get3A_1 : vector<10000x1xf32> to vector<10000x128xf32>
    %mul3A_12 = arith.mulf %add3A, %mul3A : vector<10000x128xf32>
    %get3A_13 = arith.constant 0 : index
    %get3A_14 = arith.constant 0 : index
    %get3A_15 = vector.load %arg2[%get3A_13, %get3A_14] : memref<1x128xf32, #tpu.memory_space<vmem>>, vector<1x128xf32>
    %add3A_16 = vector.broadcast %get3A_15 : vector<1x128xf32> to vector<10000x128xf32>
    %add3A_17 = arith.addf %mul3A_12, %add3A_16 : vector<10000x128xf32>
    %reduce_sum3A = arith.constant dense<0.000000e+00> : vector<128xf32>
    %reduce_sum3A_18 = vector.multi_reduction <add>, %add3A_17, %reduce_sum3A [0] : vector<10000x128xf32> to vector<128xf32>
    %broadcast_in_dim3A = vector.shape_cast %reduce_sum3A_18 : vector<128xf32> to vector<1x128xf32>
    %div3A = arith.constant 1.000000e+04 : f32
    %div3A_19 = vector.broadcast %div3A : f32 to vector<1x128xf32>
    %div3A_20 = arith.divf %broadcast_in_dim3A, %div3A_19 : vector<1x128xf32>
    %sub3A = vector.broadcast %div3A_20 : vector<1x128xf32> to vector<10000x128xf32>
    %sub3A_21 = arith.subf %add3A_17, %sub3A : vector<10000x128xf32>
    %mul3A_22 = arith.mulf %sub3A_21, %sub3A_21 : vector<10000x128xf32>
    %reduce_sum3A_23 = arith.constant dense<0.000000e+00> : vector<128xf32>
    %reduce_sum3A_24 = vector.multi_reduction <add>, %mul3A_22, %reduce_sum3A_23 [0] : vector<10000x128xf32> to vector<128xf32>
    %broadcast_in_dim3A_25 = vector.shape_cast %reduce_sum3A_24 : vector<128xf32> to vector<1x128xf32>
    %div3A_26 = arith.constant 1.000000e+04 : f32
    %div3A_27 = vector.broadcast %div3A_26 : f32 to vector<1x128xf32>
    %div3A_28 = arith.divf %broadcast_in_dim3A_25, %div3A_27 : vector<1x128xf32>
    %add3A_29 = arith.constant 9.99999974E-6 : f32
    %add3A_30 = vector.broadcast %add3A_29 : f32 to vector<1x128xf32>
    %add3A_31 = arith.addf %div3A_28, %add3A_30 : vector<1x128xf32>
    %rsqrt3A = math.rsqrt %add3A_31 : vector<1x128xf32>
    %mul3A_32 = vector.broadcast %rsqrt3A : vector<1x128xf32> to vector<10000x128xf32>
    %mul3A_33 = arith.mulf %sub3A_21, %mul3A_32 : vector<10000x128xf32>
    %get3A_34 = arith.constant 0 : index
    %get3A_35 = arith.constant 0 : index
    %get3A_36 = vector.load %arg3[%get3A_34, %get3A_35] : memref<1x128xf32, #tpu.memory_space<vmem>>, vector<1x128xf32>
    %mul3A_37 = vector.broadcast %get3A_36 : vector<1x128xf32> to vector<10000x128xf32>
    %mul3A_38 = arith.mulf %mul3A_33, %mul3A_37 : vector<10000x128xf32>
    %get3A_39 = arith.constant 0 : index
    %get3A_40 = arith.constant 0 : index
    %get3A_41 = vector.load %arg4[%get3A_39, %get3A_40] : memref<1x128xf32, #tpu.memory_space<vmem>>, vector<1x128xf32>
    %add3A_42 = vector.broadcast %get3A_41 : vector<1x128xf32> to vector<10000x128xf32>
    %add3A_43 = arith.addf %mul3A_38, %add3A_42 : vector<10000x128xf32>
    %ge3A = arith.constant 0.000000e+00 : f32
    %ge3A_44 = vector.broadcast %ge3A : f32 to vector<10000x128xf32>
    %ge3A_45 = arith.cmpf oge, %add3A_43, %ge3A_44 : vector<10000x128xf32>
    %mul3A_46 = arith.constant 0.00999999977 : f32
    %mul3A_47 = vector.broadcast %mul3A_46 : f32 to vector<10000x128xf32>
    %mul3A_48 = arith.mulf %mul3A_47, %add3A_43 : vector<10000x128xf32>
    %select_n3A = arith.select %ge3A_45, %add3A_43, %mul3A_48 : vector<10000x128xi1>, vector<10000x128xf32>
    %get3A_49 = arith.constant 0 : index
    %get3A_50 = arith.constant 0 : index
    %get3A_51 = vector.load %arg5[%get3A_49, %get3A_50] : memref<128x128xf32, #tpu.memory_space<vmem>>, vector<128x128xf32>
    %dot_general3A = arith.constant dense<0.000000e+00> : vector<10000x128xf32>
    %dot_general3A_52 = tpu.matmul %select_n3A, %get3A_51, %dot_general3A {dimension_numbers = #tpu.dot_dimension_numbers<[1], [1], [0], [0], [0, 0, 1, 0], [], []>, transpose_lhs_hint = false} : vector<10000x128xf32>, vector<128x128xf32>, vector<10000x128xf32> -> vector<10000x128xf32>
    %mul3A_53 = vector.broadcast %get3A_1 : vector<10000x1xf32> to vector<10000x128xf32>
    %mul3A_54 = arith.mulf %dot_general3A_52, %mul3A_53 : vector<10000x128xf32>
    %swap3A = arith.constant 0 : index
    %swap3A_55 = arith.constant 0 : index
    %swap3A_56 = vector.load %arg6[%swap3A, %swap3A_55] : memref<10000x128xf32, #tpu.memory_space<vmem>>, vector<10000x128xf32>
    tpu.vector_store %arg6[%swap3A, %swap3A_55], %mul3A_54 {strides = array<i32>} : memref<10000x128xf32, #tpu.memory_space<vmem>>, vector<10000x128xf32>,
    return
  }
}

module attributes {stable_mosaic.version = 14 : i64} {
  func.func @body(%arg0: memref<2x10000x128xf32, #tpu.memory_space<vmem>>, %arg1: memref<10000x1xf32, #tpu.memory_space<vmem>>, %arg2: memref<1x128xf32, #tpu.memory_space<vmem>>, %arg3: memref<1x128xf32, #tpu.memory_space<vmem>>, %arg4: memref<1x128xf32, #tpu.memory_space<vmem>>, %arg5: memref<10000x128xf32, #tpu.memory_space<vmem>>) attributes {dimension_semantics = [], scalar_prefetch = 0 : i64, scratch_operands = 0 : i64, tpu.core_type = #tpu.core_type<tc>} {
    %get3A = arith.constant 0 : index
    %get3A_0 = arith.constant 0 : index
    %get3A_1 = arith.constant 0 : index
    %get3A_2 = vector.load %arg0[%get3A, %get3A_0, %get3A_1] : memref<2x10000x128xf32, #tpu.memory_space<vmem>>, vector<1x10000x128xf32>
    %get3A_3 = vector.shape_cast %get3A_2 : vector<1x10000x128xf32> to vector<10000x128xf32>
    %get3A_4 = arith.constant 1 : index
    %get3A_5 = arith.constant 0 : index
    %get3A_6 = arith.constant 0 : index
    %get3A_7 = vector.load %arg0[%get3A_4, %get3A_5, %get3A_6] : memref<2x10000x128xf32, #tpu.memory_space<vmem>>, vector<1x10000x128xf32>
    %get3A_8 = vector.shape_cast %get3A_7 : vector<1x10000x128xf32> to vector<10000x128xf32>
    %add3A = arith.addf %get3A_3, %get3A_8 : vector<10000x128xf32>
    %get3A_9 = arith.constant 0 : index
    %get3A_10 = arith.constant 0 : index
    %get3A_11 = vector.load %arg1[%get3A_9, %get3A_10] : memref<10000x1xf32, #tpu.memory_space<vmem>>, vector<10000x1xf32>
    %mul3A = vector.broadcast %get3A_11 : vector<10000x1xf32> to vector<10000x128xf32>
    %mul3A_12 = arith.mulf %add3A, %mul3A : vector<10000x128xf32>
    %get3A_13 = arith.constant 0 : index
    %get3A_14 = arith.constant 0 : index
    %get3A_15 = vector.load %arg2[%get3A_13, %get3A_14] : memref<1x128xf32, #tpu.memory_space<vmem>>, vector<1x128xf32>
    %add3A_16 = vector.broadcast %get3A_15 : vector<1x128xf32> to vector<10000x128xf32>
    %add3A_17 = arith.addf %mul3A_12, %add3A_16 : vector<10000x128xf32>
    %reduce_sum3A = arith.constant dense<0.000000e+00> : vector<128xf32>
    %reduce_sum3A_18 = vector.multi_reduction <add>, %add3A_17, %reduce_sum3A [0] : vector<10000x128xf32> to vector<128xf32>
    %broadcast_in_dim3A = vector.shape_cast %reduce_sum3A_18 : vector<128xf32> to vector<1x128xf32>
    %div3A = arith.constant 1.000000e+04 : f32
    %div3A_19 = vector.broadcast %div3A : f32 to vector<1x128xf32>
    %div3A_20 = arith.divf %broadcast_in_dim3A, %div3A_19 : vector<1x128xf32>
    %sub3A = vector.broadcast %div3A_20 : vector<1x128xf32> to vector<10000x128xf32>
    %sub3A_21 = arith.subf %add3A_17, %sub3A : vector<10000x128xf32>
    %mul3A_22 = arith.mulf %sub3A_21, %sub3A_21 : vector<10000x128xf32>
    %reduce_sum3A_23 = arith.constant dense<0.000000e+00> : vector<128xf32>
    %reduce_sum3A_24 = vector.multi_reduction <add>, %mul3A_22, %reduce_sum3A_23 [0] : vector<10000x128xf32> to vector<128xf32>
    %broadcast_in_dim3A_25 = vector.shape_cast %reduce_sum3A_24 : vector<128xf32> to vector<1x128xf32>
    %div3A_26 = arith.constant 1.000000e+04 : f32
    %div3A_27 = vector.broadcast %div3A_26 : f32 to vector<1x128xf32>
    %div3A_28 = arith.divf %broadcast_in_dim3A_25, %div3A_27 : vector<1x128xf32>
    %add3A_29 = arith.constant 9.99999974E-6 : f32
    %add3A_30 = vector.broadcast %add3A_29 : f32 to vector<1x128xf32>
    %add3A_31 = arith.addf %div3A_28, %add3A_30 : vector<1x128xf32>
    %rsqrt3A = math.rsqrt %add3A_31 : vector<1x128xf32>
    %mul3A_32 = vector.broadcast %rsqrt3A : vector<1x128xf32> to vector<10000x128xf32>
    %mul3A_33 = arith.mulf %sub3A_21, %mul3A_32 : vector<10000x128xf32>
    %get3A_34 = arith.constant 0 : index
    %get3A_35 = arith.constant 0 : index
    %get3A_36 = vector.load %arg3[%get3A_34, %get3A_35] : memref<1x128xf32, #tpu.memory_space<vmem>>, vector<1x128xf32>
    %mul3A_37 = vector.broadcast %get3A_36 : vector<1x128xf32> to vector<10000x128xf32>
    %mul3A_38 = arith.mulf %mul3A_33, %mul3A_37 : vector<10000x128xf32>
    %get3A_39 = arith.constant 0 : index
    %get3A_40 = arith.constant 0 : index
    %get3A_41 = vector.load %arg4[%get3A_39, %get3A_40] : memref<1x128xf32, #tpu.memory_space<vmem>>, vector<1x128xf32>
    %add3A_42 = vector.broadcast %get3A_41 : vector<1x128xf32> to vector<10000x128xf32>
    %add3A_43 = arith.addf %mul3A_38, %add3A_42 : vector<10000x128xf32>
    %swap3A = arith.constant 0 : index
    %swap3A_44 = arith.constant 0 : index
    %swap3A_45 = vector.load %arg5[%swap3A, %swap3A_44] : memref<10000x128xf32, #tpu.memory_space<vmem>>, vector<10000x128xf32>
    tpu.vector_store %arg5[%swap3A, %swap3A_44], %add3A_43 {strides = array<i32>} : memref<10000x128xf32, #tpu.memory_space<vmem>>, vector<10000x128xf32>,
    return
  }
}

</mosaic_0001>

<sc_bundles>
// kernel: kernel.10.cloned.1.call-start
scs
__scs_entry_jumppad:
0x0: {  	(pc) =	sbr.rel $0x88, $3  }
0x1: {  	(tag) =	ssettag $0x0;
	lr =	simm.s32 $0x1  }
0x2: {  	[smem:$0x3F93] =	sst lr;
	_ =	strace $0xD0000000  }
0x3: {  	_ = 	snop  }
0x4: {  	_ = 	snop  }
0x5: {  	_ = 	snop  }
0x6: {  	_ = 	snop  }
0x7: {  	_ = 	snop  }
__scs_overlays_trampoline_lowered:
0x8: {  	[smem:$0x3FA2] =	sst s0  }
0x9: {  	[smem:$0x3FA3] =	sst s1  }
0xa: {  	[smem:$0x3FA4] =	sst s2  }
0xb: {  	[smem:$0x3FA5] =	sst s3  }
0xc: {  	[smem:$0x3FA6] =	sst s4  }
0xd: {  	[smem:$0x3FA7] =	sst s5  }
0xe: {  	[smem:$0x3FA8] =	sst s6  }
0xf: {  	[smem:$0x3FA9] =	sst s7  }
0x10: {  	[smem:$0x3FAA] =	sst s8  }
0x11: {  	[smem:$0x3FAB] =	sst s9;
	s0 =	simm.s32 @!p0 $0x0  }
0x12: {  	s1 =	sld [smem:$0x3F91];
	s0 =	simm.s32 @p0 $0x1  }
0x13: {  	[smem:$0x3FAC] =	sst s0;
	s0 =	simm.s32 @!p1 $0x0  }
0x14: {  	s2 =	sld [smem:$0x3F90];
	s0 =	simm.s32 @p1 $0x1  }
0x15: {  	[smem:$0x3FAD] =	sst s0;
	s0 =	simm.s32 @!p2 $0x0  }
0x16: {  	s3 =	sld [smem:$0x3FDB];
	s0 =	simm.s32 @p2 $0x1  }
0x17: {  	s4 =	simm.s32 $0x1BF5;
	[smem:$0x3FAF] =	sst s0  }
0x18: {  	s0 =	sld [smem:$0x3F92];
	_ =	swait.ge [sflag:s4], $0x0  }
0x19: {  	s7 =	sld [smem:$0x3F93]  }
0x1a: {  	s8 =	sadd.s32 $0xFFFFE003, lr  }
0x1b: {  	s9 =	sadd.s32 $0xFFFFFEF7, lr;
	s5 =	simm.s32 $0xFFFFFFFF;
	p2 =	slt.u32 s8, $0xFFFFF086  }
0x1c: {  	p1 =	slt.u32 s9, $0xF7A;
	s5 =	simm.s32 @!p2 $0x0  }
0x1d: {  	s5 =	simm.s32 @p1 $0x1;
	p0 =	seq.s32 s7, s2  }
0x1e: {  	s7 =	smul.u32 @!p0 $0xF7A, s2;
	p2 =	seq.s32 @!p0 s5, $0x0  }
0x1f: {  	s9 =	smul.u32 $0xF7A, s1;
	s8 =	simm.s32 @!p0 $0x1BF5;
	p2 =	por !p2, p0  }
0x20: {  	[sflag:s8] =	ssyncset.s32 @!p0 $0xFFFFF086;
	s6 =	sadd.s32 @!p0 s3, s7;
	s7 =	simm.s32 @!p0 $0x108  }
0x21: {  	s3 =	sadd.s32 s3, s9;
	s6 =	sadd.s32 @!p0 $0x88, s6;
	s7 =	simm.s32 @p2 $0x1082  }
0x22: {  	[simem:s7], [sflag:s8] =	dma.local @!p0 [hbm:s6], $0xF7A  }
0x23: {  	s9 =	sor.u32 $0xD0000000, s2;
	s6 =	simm.s32 $0x108;
	_ =	swait.ge @!p0 [sflag:s8], $0x0  }
0x24: {  	s3 =	sadd.s32 $0x88, s3;
	s6 =	simm.s32 @!p1 $0x1082;
	[sflag:s4] =	ssyncset.s32 $0xFFFFF086  }
0x25: {  	[simem:s6], [sflag:s4] =	dma.local [hbm:s3], $0xF7A  }
0x26: {  	[smem:$0x3F93] =	sst s1;
	(tag) =	ssettag s2;
	_ =	strace s9  }
0x27: {  	s1 =	sld [smem:$0x3FA3]  }
0x28: {  	s2 =	sld [smem:$0x3FA4]  }
0x29: {  	s4 =	sld [smem:$0x3FA6]  }
0x2a: {  	p0 =	seq.s32 s5, $0x0;
	s5 =	sld [smem:$0x3FA7]  }
0x2b: {  	s6 =	sld [smem:$0x3FA8]  }
0x2c: {  	s7 =	sld [smem:$0x3FA9]  }
0x2d: {  	s3 =	simm.s32 $0x108;
	s8 =	sld [smem:$0x3FAA]  }
0x2e: {  	s3 =	simm.s32 @!p0 $0x1082;
	s9 =	sld [smem:$0x3FAB]  }
0x2f: {  	lr =	sadd.s32 s0, s3;
	s0 =	sld [smem:$0x3FA2]  }
0x30: {  	s3 =	sld [smem:$0x3FA5]  }
0x31: {  	[smem:$0x3FAE] =	sst s10  }
0x32: {  	s10 =	sld [smem:$0x3FAC];
	_ =	sdelay $0x3  }
0x33: {  	p0 =	seq.s32 s10, $0x1;
	s10 =	sld [smem:$0x3FAE];
	_ =	sdelay $0x3  }
0x34: {  	[smem:$0x3FAE] =	sst s10  }
0x35: {  	s10 =	sld [smem:$0x3FAD];
	_ =	sdelay $0x3  }
0x36: {  	p1 =	seq.s32 s10, $0x1;
	s10 =	sld [smem:$0x3FAE];
	_ =	sdelay $0x3  }
0x37: {  	[smem:$0x3FAE] =	sst s10  }
0x38: {  	s10 =	sld [smem:$0x3FAF]  }
0x39: {  	_ = 	snop;
	(pc) =	sbr.ind lr, $3  }
0x3a: {  	_ = 	snop  }
0x3b: {  	_ = 	snop  }
0x3c: {  	p2 =	seq.s32 s10, $0x1;
	s10 =	sld [smem:$0x3FAE]  }
0x3d: {  	_ =	shalt  }
0x3e: {  	_ =	shalt  }
0x3f: {  	_ =	shalt  }
0x40: {  	_ =	shalt  }
0x41: {  	_ =	shalt  }
0x42: {  	_ =	shalt  }
0x43: {  	_ =	shalt  }
0x44: {  	_ =	shalt  }
0x45: {  	_ =	shalt  }
0x46: {  	_ =	shalt  }
0x47: {  	_ =	shalt  }
0x48: {  	_ =	shalt  }
0x49: {  	_ =	shalt  }
0x4a: {  	_ =	shalt  }
0x4b: {  	_ =	shalt  }
0x4c: {  	_ =	shalt  }
0x4d: {  	_ =	shalt  }
0x4e: {  	_ =	shalt  }
0x4f: {  	_ =	shalt  }
0x50: {  	_ =	shalt  }
0x51: {  	_ =	shalt  }
0x52: {  	_ =	shalt  }
0x53: {  	_ =	shalt  }
0x54: {  	_ =	shalt  }
0x55: {  	_ =	shalt  }
0x56: {  	_ =	shalt  }
0x57: {  	_ =	shalt  }
0x58: {  	_ =	shalt  }
0x59: {  	_ =	shalt  }
0x5a: {  	_ =	shalt  }
0x5b: {  	_ =	shalt  }
0x5c: {  	_ =	shalt  }
0x5d: {  	_ =	shalt  }
0x5e: {  	_ =	shalt  }
0x5f: {  	_ =	shalt  }
0x60: {  	_ =	shalt  }
0x61: {  	_ =	shalt  }
0x62: {  	_ =	shalt  }
0x63: {  	_ =	shalt  }
0x64: {  	_ =	shalt  }
0x65: {  	_ =	shalt  }
0x66: {  	_ =	shalt  }
0x67: {  	_ =	shalt  }
0x68: {  	_ =	shalt  }
0x69: {  	_ =	shalt  }
0x6a: {  	_ =	shalt  }
0x6b: {  	_ =	shalt  }
0x6c: {  	_ =	shalt  }
0x6d: {  	_ =	shalt  }
0x6e: {  	_ =	shalt  }
0x6f: {  	_ =	shalt  }
0x70: {  	_ =	shalt  }
0x71: {  	_ =	shalt  }
0x72: {  	_ =	shalt  }
0x73: {  	_ =	shalt  }
0x74: {  	_ =	shalt  }
0x75: {  	_ =	shalt  }
0x76: {  	_ =	shalt  }
0x77: {  	_ =	shalt  }
0x78: {  	_ =	shalt  }
0x79: {  	_ =	shalt  }
0x7a: {  	_ =	shalt  }
0x7b: {  	_ =	shalt  }
0x7c: {  	_ =	shalt  }
0x7d: {  	_ =	shalt  }
0x7e: {  	_ =	shalt  }
0x7f: {  	_ =	shalt  }
0x80: {  	_ =	shalt  }
0x81: {  	_ =	shalt  }
0x82: {  	_ =	shalt  }
0x83: {  	_ =	shalt  }
0x84: {  	_ =	shalt  }
0x85: {  	_ =	shalt  }
0x86: {  	_ =	shalt  }
0x87: {  	_ =	shalt  }
.Lfunc_end0:
.L_simem_size_0:
called_computation_lowered:
.L_overlay_start_0:
0x88: {  	s2 =	sld [smem:$0x3FD9]  }
0x89: {  	s3 =	sld [smem:$0x3FFE];
	_ =	sdelay $0x1  }
0x8a: {  	s1 =	srdreg.scid  }
0x8b: {  	s0 =	sand.u32 $0x1, s1  }
0x8c: {  	s17 =	sshll.u32 s0, $0xA;
	s2 =	sadd.s32 s3, s2  }
0x8d: {  	s2 =	sadd.s32 s2, s17  }
0x8e: {  	[smem:$0x3FBA] =	sst s2  }
0x8f: {  	_ = 	snop  }
0x90: {  	s2 =	sld [smem:$0x3FD0];
	(tm) =	ssettm $0x1  }
0x91: {  	s18 =	sld [smem:$0x3FFB];
	_ =	sdelay $0x3  }
0x92: {  	_ =	strace s18  }
0x93: {  	s3 =	sld [smem:$0x3FFC];
	_ =	sdelay $0x3  }
0x94: {  	_ =	strace s3  }
0x95: {  	s3 =	sld [smem:$0x3FFD];
	_ =	sdelay $0x3  }
0x96: {  	_ =	strace s3  }
0x97: {  	_ =	strace $0x8FFFFFFF  }
0x98: {  	s19 =	sld [smem:$0x3FDB];
	_ =	sdelay $0x1  }
0x99: {  	s4 =	simm.s32 $_scs_section_size  }
0x9a: {  	s5 =	simm.s32 $_size__tile_overlayer_lowered;
	s6 =	simm.s32 $_tile_overlayer_lowered  }
0x9b: {  	s22 =	simm.s32 $0x1BFF;
	s21 =	sshll.u32 s6, $0x1;
	s3 =	sadd.s32 s4, s19  }
0x9c: {  	s7 =	simm.s32 $0x0;
	s20 =	sshll.u32 s5, $0x1;
	s5 =	sadd.s32 s21, s3  }
0x9d: {  	[timem:s7], [sflag:s22] =	dma.local [hbm:s5], s20  }
0x9e: {  	_ =	swait.ge [sflag:s22], s20  }
0x9f: {  	s4 =	ssub.s32 $0x0, s20;
	[sflag:s22] =	ssyncset.done $0x0  }
0xa0: {  	[sflag:s22] =	ssyncadd.s32 s4;
	_ =	sdelay $0x1  }
0xa1: {  	s23 =	simm.s32 $0x1B8B  }
0xa2: {  	_ =	swait.ge [sflag:s23], $0x1  }
0xa3: {  	[sflag:s23] =	ssyncset.done $0x0  }
0xa4: {  	s25 =	simm.s32 $0x1B8E;
	s24 =	sld [smem:$0x3FFE];
	[sflag:s23] =	ssyncadd.s32 $0xFFFFFFFF  }
0xa5: {  	s26 =	simm.s32 $execute0_lowered;
	[smem:$0x3FD2] =	sst s25  }
0xa6: {  	s5 =	sshll.u32 s26, $0x1;
	_ =	strace $0x80000046;
	[dreg:$0x1] =	wrdreg $0xFFFFFFFF  }
0xa7: {  	s28 =	simm.s32 $_size_execute0_lowered;
	s3 =	sadd.s32 s3, s5;
	[dreg:$0x0] =	wrdreg $0x0  }
0xa8: {  	s5 =	sshll.u32 s28, $0x1;
	[dreg:$0x2] =	wrdreg s3  }
0xa9: {  	[dreg:$0x3] =	wrdreg s5  }
0xaa: {  	[dreg:$0x4] =	wrdreg $0xC0  }
0xab: {  	_ =	task [dreg:s7], $0x5FFFF  }
0xac: {  	[dreg:$0x1] =	wrdreg $0xFFFFFFFF  }
0xad: {  	[dreg:$0x0] =	wrdreg $0x60  }
0xae: {  	[dreg:$0x2] =	wrdreg s2  }
0xaf: {  	[dreg:$0x3] =	wrdreg s24  }
0xb0: {  	[dreg:$0x4] =	wrdreg $0x9  }
0xb1: {  	_ =	task.clear_ibuf [dreg:s7], $0x5FFFF;
	_ =	strace $0x90000046  }
0xb2: {  	s29 =	simm.s32 $0x9;
	_ =	strace $0x80000048  }
0xb3: {  	_ =	swait.ge [sflag:s29], $0x1  }
0xb4: {  	[sflag:s29] =	ssyncadd.s32 $0xFFFFFFFF  }
0xb5: {  	_ =	strace $0x90000048  }
0xb6: {  	_ =	sfence  }
0xb7: {  	s30 =	sld [smem:$0x0];
	_ =	sdelay $0x2  }
0xb8: {  	s31 =	sshll.u32 s1, $0xD;
	s1 =	sshrl.u32 s1, $0x2  }
0xb9: {  	s3 =	sand.u32 $0x4000, s31;
	s1 =	sadd.s32 s1, s30  }
0xba: {  	s0 =	sor.u32 s3, s0;
	s1 =	sshll.u32 s1, $0x11  }
0xbb: {  	s0 =	sor.u32 s1, s0  }
0xbc: {  	s0 =	sadd.s32 $0x8F2B, s0  }
0xbd: {  	[sflag:s0] =	ssyncadd.remote.s32 $0x1  }
0xbe: {  	_ =	sfence.sel $0xFFFF  }
0xbf: {  	[dreg:$0x0] =	wrdreg $0xFFFFFFFF;
	(pc) =	sbr.abs _section_cstart, $3  }
0xc0: {  	[dreg:$0x1] =	wrdreg $0xFFFFFFFF  }
0xc1: {  	_ =	task.clear_ibuf [dreg:s7], $0x2FFFF;
	_ =	strace $0x9FFFFFFF  }
0xc2: {  	(tm) =	ssettm $0x7FFFFFFF  }
0xc3: {  	_ =	shalt  }
tec
execute0_lowered:
.L_overlay_start_1:
0x0: {  	(tag) =	ssettag $0x1  }
0x1: {  	s0 =	srdreg.scid  }
0x2: {  	s3 =	sand.u32 $0x1, s0  }
0x3: {  	s4 =	rddreg [dreg:$0x0];
	s0 =	stileid.u32;
	s1 =	sshll.u32 s3, $0x4  }
0x4: {  	s5 =	rddreg [dreg:$0x1];
	s1 =	sor.u32 s0, s1  }
0x5: {  	s2 =	simm.s32 $0x0;
	s8 =	simm.s32 $0x1;
	s1 =	sshrl.u32 s1, $0x3  }
0x6: {  	s9 =	simm.s32 $0x2780;
	s7 =	sshll.u32 s0, $0x7;
	s6 =	smul.u32 $0x13C00, s1  }
0x7: {  	[smem:$0x7FF] =	sst s2;
	s3 =	ssub.s32 $0x2, s3;
	s7 =	sand.u32 $0x380, s7  }
0x8: {  	s31 =	sshrl.u32 s3, $0x1;
	s1 =	rddreg [dreg:$0x2];
	s6 =	sor.u32 s7, s6  }
0x9: {  	_ =	strace $0x80000047;
	s7 =	ssub.s32 s3, s31;
	s6 =	sshrl.u32 s6, $0x3  }
0xa: {  	s5 =	sadd.s32 s6, s5;
	s3 =	sadd.s32 s4, s6;
	s6 =	simm.s32 $0x80  }
0xb: {  	v0 =	vimm.f32 $0.0e+00;
	v1 =	vimm.f32 $1.000000000e+00;
	s4 =	sadd.s32 $0x3A00, s5;
	s5 =	smax.u32 s7, $0x1;
	s7 =	simm.s32 $0x400  }
.LBB2_1:
0xc: {  	s10 =	simm.s32 $0x40;
	s11 =	simm.s32 $0x0  }
.LBB2_2:
0xd: {  	p0 =	sne.s32 s10, $0x9C00;
	[tilespmem:s11+$0x2780] =	vst v0;
	s11 =	smov.u32 s10;
	s10 =	sadd.s32 $0x40, s10  }
.Ltmp0:
0xe: {  	(pc) =	sbr.rel @p0 .LBB2_2-.Ltmp0, $2  }
0xf: {  	_ =	sdelay $0x2  }
0x10: {  	s11 =	sshra.s32 s11, $0x2  }
0x11: {  	[tilespmem:s11+$0x2780] =	vst v0;
	s10 =	simm.s32 $0x0  }
0x12: {  	[tilespmem:s10], [sflag:$0x1] =	stream.strided.gather [hbm4b:s3+s6], $0x2780, s7, s6, $0x38;
	[tilespmem:$0x4F00] =	vst v63  }
0x13: {  	_ =	swait.ge [sflag:s8], $0x2780  }
0x14: {  	[sflag:s8] =	ssyncset.done $0x0  }
0x15: {  	s11 =	simm.s32 $0x0;
	s10 =	simm.s32 $0x40;
	[sflag:s8] =	ssyncadd.s32 $0xFFFFD880  }
.LBB2_4:
0x16: {  	p0 =	sne.s32 s10, $0x9C00;
	v2 =	vld [tilespmem:s11+$0x0];
	_ =	sdelay $0x3  }
.Ltmp1:
0x17: {  	(pc) =	sbr.rel @p0 .LBB2_4-.Ltmp1, $2  }
0x18: {  	_ =	sdelay $0x2  }
0x19: {  	s11 =	sshra.s32 s10, $0x2;
	s10 =	sadd.s32 $0x40, s10;
	[tilespmem:v2+s9+$0x0] =	vst.idx.add.f32.msk $0xffff, v1  }
0x1a: {  	v2 =	vld [tilespmem:s11+$0x0];
	_ =	sdelay $0x5  }
0x1b: {  	s2 =	sadd.s32 $0x1, s2  }
0x1c: {  	p0 =	sne.s32 s2, s5  }
.Ltmp2:
0x1d: {  	[tilespmem:v2+s9+$0x0] =	vst.idx.add.f32.msk $0xffff, v1;
	(pc) =	sbr.rel @p0 .LBB2_1-.Ltmp2, $4  }
0x1e: {  	[hbm4b:s4+s6] =	stream.strided.scatter [tilespmem:s9], [sflag:$0x1], $0x2780, s7, s6, $0x38;
	[tilespmem:$0x4F00] =	vst v63  }
0x1f: {  	_ =	swait.ge [sflag:s8], $0x2780  }
0x20: {  	[sflag:s8] =	ssyncset.done $0x0  }
0x21: {  	[sflag:s8] =	ssyncadd.s32 $0xFFFFD880  }
0x22: {  	_ =	sfence.sel $0x180000  }
0x23: {  	[bflag:$0x0] =	sbarrier.arrive $0xFFFF  }
0x24: {  	p0 =	sne.s32 s0, $0x0;
	_ =	strace $0x90000047  }
0x25: {  	s0 =	sadd.s32 @!p0 $0x100000, s1;
	[bflag:$0x2] =	sbarrier.arrive $0xFFFF  }
0x26: {  	[sflag:s0] =	ssyncadd.tile.s32 @!p0 $0x1;
	_ =	shalt  }
.Lfunc_end2:
_tile_overlayer_lowered:
.L_overlay_start_2:
0x27: {  	(tag) =	ssettag $0x2  }
0x28: {  	s0 =	rddreg [dreg:$0x0];
	s2 =	stileid.u32  }
0x29: {  	s1 =	rddreg [dreg:$0x1];
	p0 =	sne.s32 s2, $0x0  }
0x2a: {  	s3 =	rddreg [dreg:$0x2];
	[bflag:$0x3] =	sbarrier.arrive $0xFFFF;
	s2 =	simm.s32 @!p0 $0x1C01  }
0x2b: {  	[timem:s3], [sflag:s2] =	dma.local @!p0 [hbm:s0], s1  }
0x2c: {  	s0 =	simm.s32 @!p0 $0x1  }
0x2d: {  	_ =	swait.ge @!p0 [sflag:s0], s1  }
0x2e: {  	s1 =	ssub.s32 @!p0 $0x0, s1;
	[sflag:s0] =	ssyncset.done @!p0 $0x0  }
0x2f: {  	[sflag:s0] =	ssyncadd.s32 @!p0 s1  }
0x30: {  	[bflag:$0x3] =	sbarrier.arrive $0xFFFF  }
0x31: {  	_ =	shalt  }

// kernel: kernel.13.cloned.1.call-start
scs
__scs_entry_jumppad:
0x0: {  	(pc) =	sbr.rel $0x88, $3  }
0x1: {  	(tag) =	ssettag $0x0;
	lr =	simm.s32 $0x1  }
0x2: {  	[smem:$0x3F93] =	sst lr;
	_ =	strace $0xD0000000  }
0x3: {  	_ = 	snop  }
0x4: {  	_ = 	snop  }
0x5: {  	_ = 	snop  }
0x6: {  	_ = 	snop  }
0x7: {  	_ = 	snop  }
__scs_overlays_trampoline_lowered:
0x8: {  	[smem:$0x3FA2] =	sst s0  }
0x9: {  	[smem:$0x3FA3] =	sst s1  }
0xa: {  	[smem:$0x3FA4] =	sst s2  }
0xb: {  	[smem:$0x3FA5] =	sst s3  }
0xc: {  	[smem:$0x3FA6] =	sst s4  }
0xd: {  	[smem:$0x3FA7] =	sst s5  }
0xe: {  	[smem:$0x3FA8] =	sst s6  }
0xf: {  	[smem:$0x3FA9] =	sst s7  }
0x10: {  	[smem:$0x3FAA] =	sst s8  }
0x11: {  	[smem:$0x3FAB] =	sst s9;
	s0 =	simm.s32 @!p0 $0x0  }
0x12: {  	s1 =	sld [smem:$0x3F91];
	s0 =	simm.s32 @p0 $0x1  }
0x13: {  	[smem:$0x3FAC] =	sst s0;
	s0 =	simm.s32 @!p1 $0x0  }
0x14: {  	s2 =	sld [smem:$0x3F90];
	s0 =	simm.s32 @p1 $0x1  }
0x15: {  	[smem:$0x3FAD] =	sst s0;
	s0 =	simm.s32 @!p2 $0x0  }
0x16: {  	s3 =	sld [smem:$0x3FDB];
	s0 =	simm.s32 @p2 $0x1  }
0x17: {  	s4 =	simm.s32 $0x1BF5;
	[smem:$0x3FAF] =	sst s0  }
0x18: {  	s0 =	sld [smem:$0x3F92];
	_ =	swait.ge [sflag:s4], $0x0  }
0x19: {  	s7 =	sld [smem:$0x3F93]  }
0x1a: {  	s8 =	sadd.s32 $0xFFFFE003, lr  }
0x1b: {  	s9 =	sadd.s32 $0xFFFFFEF7, lr;
	s5 =	simm.s32 $0xFFFFFFFF;
	p2 =	slt.u32 s8, $0xFFFFF086  }
0x1c: {  	p1 =	slt.u32 s9, $0xF7A;
	s5 =	simm.s32 @!p2 $0x0  }
0x1d: {  	s5 =	simm.s32 @p1 $0x1;
	p0 =	seq.s32 s7, s2  }
0x1e: {  	s7 =	smul.u32 @!p0 $0xF7A, s2;
	p2 =	seq.s32 @!p0 s5, $0x0  }
0x1f: {  	s9 =	smul.u32 $0xF7A, s1;
	s8 =	simm.s32 @!p0 $0x1BF5;
	p2 =	por !p2, p0  }
0x20: {  	[sflag:s8] =	ssyncset.s32 @!p0 $0xFFFFF086;
	s6 =	sadd.s32 @!p0 s3, s7;
	s7 =	simm.s32 @!p0 $0x108  }
0x21: {  	s3 =	sadd.s32 s3, s9;
	s6 =	sadd.s32 @!p0 $0x88, s6;
	s7 =	simm.s32 @p2 $0x1082  }
0x22: {  	[simem:s7], [sflag:s8] =	dma.local @!p0 [hbm:s6], $0xF7A  }
0x23: {  	s9 =	sor.u32 $0xD0000000, s2;
	s6 =	simm.s32 $0x108;
	_ =	swait.ge @!p0 [sflag:s8], $0x0  }
0x24: {  	s3 =	sadd.s32 $0x88, s3;
	s6 =	simm.s32 @!p1 $0x1082;
	[sflag:s4] =	ssyncset.s32 $0xFFFFF086  }
0x25: {  	[simem:s6], [sflag:s4] =	dma.local [hbm:s3], $0xF7A  }
0x26: {  	[smem:$0x3F93] =	sst s1;
	(tag) =	ssettag s2;
	_ =	strace s9  }
0x27: {  	s1 =	sld [smem:$0x3FA3]  }
0x28: {  	s2 =	sld [smem:$0x3FA4]  }
0x29: {  	s4 =	sld [smem:$0x3FA6]  }
0x2a: {  	p0 =	seq.s32 s5, $0x0;
	s5 =	sld [smem:$0x3FA7]  }
0x2b: {  	s6 =	sld [smem:$0x3FA8]  }
0x2c: {  	s7 =	sld [smem:$0x3FA9]  }
0x2d: {  	s3 =	simm.s32 $0x108;
	s8 =	sld [smem:$0x3FAA]  }
0x2e: {  	s3 =	simm.s32 @!p0 $0x1082;
	s9 =	sld [smem:$0x3FAB]  }
0x2f: {  	lr =	sadd.s32 s0, s3;
	s0 =	sld [smem:$0x3FA2]  }
0x30: {  	s3 =	sld [smem:$0x3FA5]  }
0x31: {  	[smem:$0x3FAE] =	sst s10  }
0x32: {  	s10 =	sld [smem:$0x3FAC];
	_ =	sdelay $0x3  }
0x33: {  	p0 =	seq.s32 s10, $0x1;
	s10 =	sld [smem:$0x3FAE];
	_ =	sdelay $0x3  }
0x34: {  	[smem:$0x3FAE] =	sst s10  }
0x35: {  	s10 =	sld [smem:$0x3FAD];
	_ =	sdelay $0x3  }
0x36: {  	p1 =	seq.s32 s10, $0x1;
	s10 =	sld [smem:$0x3FAE];
	_ =	sdelay $0x3  }
0x37: {  	[smem:$0x3FAE] =	sst s10  }
0x38: {  	s10 =	sld [smem:$0x3FAF]  }
0x39: {  	_ = 	snop;
	(pc) =	sbr.ind lr, $3  }
0x3a: {  	_ = 	snop  }
0x3b: {  	_ = 	snop  }
0x3c: {  	p2 =	seq.s32 s10, $0x1;
	s10 =	sld [smem:$0x3FAE]  }
0x3d: {  	_ =	shalt  }
0x3e: {  	_ =	shalt  }
0x3f: {  	_ =	shalt  }
0x40: {  	_ =	shalt  }
0x41: {  	_ =	shalt  }
0x42: {  	_ =	shalt  }
0x43: {  	_ =	shalt  }
0x44: {  	_ =	shalt  }
0x45: {  	_ =	shalt  }
0x46: {  	_ =	shalt  }
0x47: {  	_ =	shalt  }
0x48: {  	_ =	shalt  }
0x49: {  	_ =	shalt  }
0x4a: {  	_ =	shalt  }
0x4b: {  	_ =	shalt  }
0x4c: {  	_ =	shalt  }
0x4d: {  	_ =	shalt  }
0x4e: {  	_ =	shalt  }
0x4f: {  	_ =	shalt  }
0x50: {  	_ =	shalt  }
0x51: {  	_ =	shalt  }
0x52: {  	_ =	shalt  }
0x53: {  	_ =	shalt  }
0x54: {  	_ =	shalt  }
0x55: {  	_ =	shalt  }
0x56: {  	_ =	shalt  }
0x57: {  	_ =	shalt  }
0x58: {  	_ =	shalt  }
0x59: {  	_ =	shalt  }
0x5a: {  	_ =	shalt  }
0x5b: {  	_ =	shalt  }
0x5c: {  	_ =	shalt  }
0x5d: {  	_ =	shalt  }
0x5e: {  	_ =	shalt  }
0x5f: {  	_ =	shalt  }
0x60: {  	_ =	shalt  }
0x61: {  	_ =	shalt  }
0x62: {  	_ =	shalt  }
0x63: {  	_ =	shalt  }
0x64: {  	_ =	shalt  }
0x65: {  	_ =	shalt  }
0x66: {  	_ =	shalt  }
0x67: {  	_ =	shalt  }
0x68: {  	_ =	shalt  }
0x69: {  	_ =	shalt  }
0x6a: {  	_ =	shalt  }
0x6b: {  	_ =	shalt  }
0x6c: {  	_ =	shalt  }
0x6d: {  	_ =	shalt  }
0x6e: {  	_ =	shalt  }
0x6f: {  	_ =	shalt  }
0x70: {  	_ =	shalt  }
0x71: {  	_ =	shalt  }
0x72: {  	_ =	shalt  }
0x73: {  	_ =	shalt  }
0x74: {  	_ =	shalt  }
0x75: {  	_ =	shalt  }
0x76: {  	_ =	shalt  }
0x77: {  	_ =	shalt  }
0x78: {  	_ =	shalt  }
0x79: {  	_ =	shalt  }
0x7a: {  	_ =	shalt  }
0x7b: {  	_ =	shalt  }
0x7c: {  	_ =	shalt  }
0x7d: {  	_ =	shalt  }
0x7e: {  	_ =	shalt  }
0x7f: {  	_ =	shalt  }
0x80: {  	_ =	shalt  }
0x81: {  	_ =	shalt  }
0x82: {  	_ =	shalt  }
0x83: {  	_ =	shalt  }
0x84: {  	_ =	shalt  }
0x85: {  	_ =	shalt  }
0x86: {  	_ =	shalt  }
0x87: {  	_ =	shalt  }
.Lfunc_end0:
.L_simem_size_0:
called_computation.1_lowered:
.L_overlay_start_0:
0x88: {  	s2 =	sld [smem:$0x3FD9]  }
0x89: {  	s3 =	sld [smem:$0x3FFE];
	_ =	sdelay $0x1  }
0x8a: {  	s1 =	srdreg.scid  }
0x8b: {  	s0 =	sand.u32 $0x1, s1  }
0x8c: {  	s17 =	sshll.u32 s0, $0xA;
	s2 =	sadd.s32 s3, s2  }
0x8d: {  	s2 =	sadd.s32 s2, s17  }
0x8e: {  	[smem:$0x3FBA] =	sst s2  }
0x8f: {  	_ = 	snop  }
0x90: {  	s2 =	sld [smem:$0x3FD0];
	(tm) =	ssettm $0x1  }
0x91: {  	s18 =	sld [smem:$0x3FFB];
	_ =	sdelay $0x3  }
0x92: {  	_ =	strace s18  }
0x93: {  	s3 =	sld [smem:$0x3FFC];
	_ =	sdelay $0x3  }
0x94: {  	_ =	strace s3  }
0x95: {  	s3 =	sld [smem:$0x3FFD];
	_ =	sdelay $0x3  }
0x96: {  	_ =	strace s3  }
0x97: {  	_ =	strace $0x8FFFFFFF  }
0x98: {  	s19 =	sld [smem:$0x3FDB];
	_ =	sdelay $0x1  }
0x99: {  	s4 =	simm.s32 $_scs_section_size  }
0x9a: {  	s5 =	simm.s32 $_size__tile_overlayer_lowered;
	s6 =	simm.s32 $_tile_overlayer_lowered  }
0x9b: {  	s22 =	simm.s32 $0x1BFF;
	s21 =	sshll.u32 s6, $0x1;
	s3 =	sadd.s32 s4, s19  }
0x9c: {  	s7 =	simm.s32 $0x0;
	s20 =	sshll.u32 s5, $0x1;
	s5 =	sadd.s32 s21, s3  }
0x9d: {  	[timem:s7], [sflag:s22] =	dma.local [hbm:s5], s20  }
0x9e: {  	_ =	swait.ge [sflag:s22], s20  }
0x9f: {  	s4 =	ssub.s32 $0x0, s20;
	[sflag:s22] =	ssyncset.done $0x0  }
0xa0: {  	[sflag:s22] =	ssyncadd.s32 s4;
	_ =	sdelay $0x1  }
0xa1: {  	s23 =	simm.s32 $0x1B8B  }
0xa2: {  	_ =	swait.ge [sflag:s23], $0x1  }
0xa3: {  	[sflag:s23] =	ssyncset.done $0x0  }
0xa4: {  	s25 =	simm.s32 $0x1B8E;
	s24 =	sld [smem:$0x3FFE];
	[sflag:s23] =	ssyncadd.s32 $0xFFFFFFFF  }
0xa5: {  	s26 =	simm.s32 $execute0_lowered;
	[smem:$0x3FD2] =	sst s25  }
0xa6: {  	s5 =	sshll.u32 s26, $0x1;
	_ =	strace $0x80000049;
	[dreg:$0x1] =	wrdreg $0xFFFFFFFF  }
0xa7: {  	s28 =	simm.s32 $_size_execute0_lowered;
	s3 =	sadd.s32 s3, s5;
	[dreg:$0x0] =	wrdreg $0x0  }
0xa8: {  	s5 =	sshll.u32 s28, $0x1;
	[dreg:$0x2] =	wrdreg s3  }
0xa9: {  	[dreg:$0x3] =	wrdreg s5  }
0xaa: {  	[dreg:$0x4] =	wrdreg $0xC0  }
0xab: {  	_ =	task [dreg:s7], $0x5FFFF  }
0xac: {  	[dreg:$0x1] =	wrdreg $0xFFFFFFFF  }
0xad: {  	[dreg:$0x0] =	wrdreg $0x60  }
0xae: {  	[dreg:$0x2] =	wrdreg s2  }
0xaf: {  	[dreg:$0x3] =	wrdreg s24  }
0xb0: {  	[dreg:$0x4] =	wrdreg $0xC7000  }
0xb1: {  	[dreg:$0x5] =	wrdreg $0x9  }
0xb2: {  	_ =	task.clear_ibuf [dreg:s7], $0x6FFFF;
	_ =	strace $0x90000049  }
0xb3: {  	s29 =	simm.s32 $0x9;
	_ =	strace $0x8000004B  }
0xb4: {  	_ =	swait.ge [sflag:s29], $0x1  }
0xb5: {  	[sflag:s29] =	ssyncadd.s32 $0xFFFFFFFF  }
0xb6: {  	_ =	strace $0x9000004B  }
0xb7: {  	_ =	sfence  }
0xb8: {  	s30 =	sld [smem:$0x0];
	_ =	sdelay $0x2  }
0xb9: {  	s31 =	sshll.u32 s1, $0xD;
	s1 =	sshrl.u32 s1, $0x2  }
0xba: {  	s3 =	sand.u32 $0x4000, s31;
	s1 =	sadd.s32 s1, s30  }
0xbb: {  	s0 =	sor.u32 s3, s0;
	s1 =	sshll.u32 s1, $0x11  }
0xbc: {  	s0 =	sor.u32 s1, s0  }
0xbd: {  	s0 =	sadd.s32 $0x8F2B, s0  }
0xbe: {  	[sflag:s0] =	ssyncadd.remote.s32 $0x1  }
0xbf: {  	_ =	sfence.sel $0xFFFF  }
0xc0: {  	[dreg:$0x0] =	wrdreg $0xFFFFFFFF;
	(pc) =	sbr.abs _section_cstart, $3  }
0xc1: {  	[dreg:$0x1] =	wrdreg $0xFFFFFFFF  }
0xc2: {  	_ =	task.clear_ibuf [dreg:s7], $0x2FFFF;
	_ =	strace $0x9FFFFFFF  }
0xc3: {  	(tm) =	ssettm $0x7FFFFFFF  }
tec
execute0_lowered:
.L_overlay_start_1:
0x0: {  	(tag) =	ssettag $0x1  }
0x1: {  	s0 =	srdreg.scid;
	s1 =	rddreg [dreg:$0x0]  }
0x2: {  	s2 =	rddreg [dreg:$0x1];
	s11 =	stileid.u32  }
0x3: {  	s3 =	rddreg [dreg:$0x2];
	s6 =	simm.s32 $0x0;
	s28 =	simm.s32 $0x4F00  }
0x4: {  	s29 =	simm.s32 $0x7700;
	s30 =	simm.s32 $0x1;
	s31 =	simm.s32 $0x4  }
0x5: {  	s0 =	sand.u32 $0x1, s0;
	s5 =	sshll.u32 s11, $0x7;
	s15 =	smul.u32 $0x2700, s11  }
0x6: {  	[smem:$0x7FF] =	sst s6;
	s7 =	smul.u32 $0x4E000, s11;
	s10 =	sadd.s32 $0x48600, s2  }
0x7: {  	s19 =	smul.u32 $0x13800, s11;
	s20 =	sadd.s32 $0x24900, s1;
	p0 =	seq.s32 s11, $0xF  }
0x8: {  	s4 =	sshll.u32 s0, $0x4;
	s5 =	sand.u32 $0x380, s5;
	_ =	strace $0x8000004A  }
0x9: {  	s16 =	ssub.s32 $0x2, s0;
	s18 =	smul.u32 $0x138800, s0;
	[dreg:$0x8] =	wrdreg s20  }
0xa: {  	p2 =	sne.s32 @p0 s0, $0x0;
	p4 =	sne.s32 @!p0 s0, $0x0;
	s4 =	sor.u32 s11, s4  }
0xb: {  	s8 =	sadd.s32 s15, s2;
	s9 =	sshrl.u32 s16, $0x1;
	s7 =	sshrl.u32 s7, $0x2  }
0xc: {  	s6 =	sadd.s32 s1, s15;
	p1 =	por !p2, !p0;
	p2 =	por p2, !p0  }
0xd: {  	p3 =	por !p4, p0;
	p4 =	por p4, p0;
	s4 =	sshrl.u32 s4, $0x3  }
0xe: {  	s17 =	sadd.s32 $0x21400, s8;
	[dreg:$0x5] =	wrdreg s6;
	s8 =	sadd.s32 $0x124800, s3  }
0xf: {  	s23 =	sadd.s32 s19, s18;
	s24 =	sshrl.u32 s18, $0x3;
	[dreg:$0x4] =	wrdreg s17  }
0x10: {  	s4 =	smul.u32 $0x13C00, s4;
	s0 =	sshrl.u32 @!p1 s8, $0x3;
	[dreg:$0x6] =	wrdreg s8  }
0x11: {  	s6 =	simm.s32 $0x0;
	[dreg:$0xe] =	wrdreg s0;
	s0 =	sshrl.u32 @!p2 s8, $0x3  }
0x12: {  	s4 =	sor.u32 s5, s4;
	s5 =	ssub.s32 s16, s9;
	s9 =	sadd.s32 s7, s3  }
0x13: {  	[dreg:$0xf] =	wrdreg s0;
	s0 =	sshll.u32 @!p3 s11, $0x6;
	s4 =	sshrl.u32 s4, $0x3  }
0x14: {  	s26 =	smax.u32 s5, $0x1;
	s0 =	sor.u32 @!p3 $0x1C07, s0;
	s19 =	sshrl.u32 @!p3 s9, $0x3  }
0x15: {  	s18 =	smov.u32 s9;
	s4 =	sadd.s32 s4, s2;
	[dreg:$0xd] =	wrdreg s26  }
0x16: {  	s2 =	sadd.s32 $0x45D00, s2;
	[dreg:$0x10] =	wrdreg s0;
	s0 =	sshll.u32 @!p4 s11, $0x6  }
0x17: {  	s26 =	simm.s32 $0x50;
	[dreg:$0x7] =	wrdreg s2;
	s21 =	sadd.s32 $0xD800, s4  }
0x18: {  	s22 =	sadd.s32 $0x17600, s4;
	s2 =	sshrl.u32 s23, $0x3;
	s4 =	sadd.s32 s10, s24  }
0x19: {  	s20 =	sor.u32 @!p4 $0x1C07, s0;
	s23 =	simm.s32 $0x400;
	[dreg:$0x9] =	wrdreg s21  }
0x1a: {  	s24 =	simm.s32 $0x7;
	s0 =	simm.s32 $0x2;
	[dreg:$0xa] =	wrdreg s22  }
0x1b: {  	s2 =	sadd.s32 s10, s2;
	s25 =	sadd.s32 $0x24900, s4;
	s21 =	sshrl.u32 @!p4 s9, $0x3  }
0x1c: {  	s22 =	simm.s32 $0x80;
	s4 =	simm.s32 $0x5;
	[dreg:$0xb] =	wrdreg s2  }
0x1d: {  	[dreg:$0xc] =	wrdreg s25;
	s25 =	simm.s32 $0x2780;
	s2 =	simm.s32 $0x6  }
.LBB2_1:
0x1e: {  	s7 =	rddreg [dreg:$0x7]  }
0x1f: {  	s5 =	simm.s32 @!p1 $0x1FC7;
	s8 =	rddreg [dreg:$0xe]  }
0x20: {  	[spmem:s8], [sflag:s5] =	dma.local @!p1 [hbm:s7], $0x2800  }
0x21: {  	s5 =	simm.s32 @!p1 $0x7  }
0x22: {  	_ =	swait.ge @!p1 [sflag:s5], $0x2800  }
0x23: {  	[sflag:s5] =	ssyncset.done @!p1 $0x0;
	s7 =	rddreg [dreg:$0x8]  }
0x24: {  	s8 =	rddreg [dreg:$0xf];
	[sflag:s5] =	ssyncadd.s32 @!p1 $0xFFFFD800;
	s5 =	simm.s32 @!p2 $0x1FC7  }
0x25: {  	[spmem:s8], [sflag:s5] =	dma.local @!p2 [hbm:s7], $0x2800  }
0x26: {  	s5 =	simm.s32 @!p2 $0x7  }
0x27: {  	_ =	swait.ge @!p2 [sflag:s5], $0x2800  }
0x28: {  	[sflag:s5] =	ssyncset.done @!p2 $0x0;
	s7 =	rddreg [dreg:$0x10]  }
0x29: {  	[sflag:s5] =	ssyncadd.s32 @!p2 $0xFFFFD800;
	s5 =	rddreg [dreg:$0x4]  }
0x2a: {  	[spmem:s19], [sflag:s7] =	dma.local @!p3 [hbm:s5], $0x2700  }
0x2b: {  	s5 =	simm.s32 @!p3 $0x7  }
0x2c: {  	_ =	swait.ge @!p3 [sflag:s5], $0x2700  }
0x2d: {  	[sflag:s5] =	ssyncset.done @!p3 $0x0  }
0x2e: {  	[sflag:s5] =	ssyncadd.s32 @!p3 $0xFFFFD900;
	s5 =	rddreg [dreg:$0x5]  }
0x2f: {  	[spmem:s21], [sflag:s20] =	dma.local @!p4 [hbm:s5], $0x2700  }
0x30: {  	s5 =	simm.s32 @!p4 $0x7  }
0x31: {  	_ =	swait.ge @!p4 [sflag:s5], $0x2700  }
0x32: {  	[sflag:s5] =	ssyncset.done @!p4 $0x0  }
0x33: {  	s15 =	simm.s32 $0x0;
	s16 =	rddreg [dreg:$0x9];
	[sflag:s5] =	ssyncadd.s32 @!p4 $0xFFFFD900  }
0x34: {  	[tilespmem:s15], [sflag:$0x7] =	stream.strided.gather [hbm4b:s16+s22], $0x2780, s23, s22, $0x38;
	[tilespmem:$0x1FF80] =	vst v63  }
0x35: {  	_ =	swait.ge [sflag:s24], $0x2780  }
0x36: {  	[sflag:s24] =	ssyncset.done $0x0  }
0x37: {  	s17 =	rddreg [dreg:$0xa];
	[sflag:s24] =	ssyncadd.s32 $0xFFFFD880  }
0x38: {  	[tilespmem:s25], [sflag:$0x7] =	stream.strided.gather [hbm4b:s17+s22], $0x2780, s23, s22, $0x38;
	[tilespmem:$0x1FF80] =	vst v63  }
0x39: {  	_ =	swait.ge [sflag:s24], $0x2780  }
0x3a: {  	[sflag:s24] =	ssyncset.done $0x0  }
0x3b: {  	[sflag:s24] =	ssyncadd.s32 $0xFFFFD880  }
0x3c: {  	[bflag:$0x0] =	sbarrier.arrive $0xFFFF  }
0x3d: {  	[tilespmem:s28], [sflag:$0x1] =	stream.indirect.gather [hbm4b:s1+s26], $0x80, s15, s26, $0xb8;
	[tilespmem:$0x1FF80] =	vst v63  }
0x3e: {  	s10 =	smul.u32 $0xAB, s31  }
0x3f: {  	[tilespmem:s29], [sflag:$0x2] =	stream.indirect.gather [hbm4b:s1+s26], $0x80, s26, s26, $0xb8;
	[tilespmem:$0x1FF80] =	vst v63  }
0x40: {  	s5 =	sshrl.u32 s10, $0x9;
	_ =	swait.ge [sflag:s30], $0x2800  }
0x41: {  	s5 =	sand.u32 $0x7F, s5;
	[sflag:s30] =	ssyncset.done $0x0  }
0x42: {  	s12 =	sadd.s32 $0xFFFFFEAA, s10;
	s5 =	smul.u32 $0x3, s5;
	[sflag:s30] =	ssyncadd.s32 $0xFFFFD800  }
0x43: {  	[spmem:s3] =	stream.indirect.scatter.add.f32 [tilespmem:s28], [sflag:$0x4], $0x80, s25, s26, $0xb8;
	[tilespmem:$0x1FF80] =	vst v63  }
0x44: {  	s8 =	simm.s32 $0x9F00;
	s7 =	simm.s32 $0xA0;
	s5 =	ssub.s32 $0x4, s5  }
0x45: {  	[tilespmem:s8], [sflag:$0x3] =	stream.indirect.gather [hbm4b:s1+s26], $0x80, s7, s26, $0xb8;
	[tilespmem:$0x1FF80] =	vst v63  }
0x46: {  	s14 =	sand.u32 $0xFF, s5;
	s7 =	sshrl.u32 s12, $0x9;
	_ =	swait.ge [sflag:s0], $0x2800  }
0x47: {  	s16 =	smul.u32 $0xA000, s14;
	s7 =	sand.u32 $0x7F, s7;
	[sflag:s0] =	ssyncset.done $0x0  }
0x48: {  	s9 =	simm.s32 $0x27D0;
	s7 =	smul.u32 $0x3, s7;
	[sflag:s0] =	ssyncadd.s32 $0xFFFFD800  }
0x49: {  	[spmem:s3] =	stream.indirect.scatter.add.f32 [tilespmem:s29], [sflag:$0x5], $0x80, s9, s26, $0xb8;
	[tilespmem:$0x1FF80] =	vst v63  }
0x4a: {  	s11 =	simm.s32 $0xF0;
	s15 =	sor.u32 $0x4, s14;
	s7 =	ssub.s32 $0x4, s7  }
0x4b: {  	s8 =	sshrl.u32 s16, $0x2;
	_ =	swait.ge [sflag:s31], $0x2800;
	s9 =	sadd.s32 $0xFFFFFFFE, s7  }
0x4c: {  	s7 =	simm.s32 $0x2820;
	[sflag:s31] =	ssyncset.done $0x0;
	s10 =	sand.u32 $0xFF, s9  }
0x4d: {  	[sflag:s31] =	ssyncadd.s32 $0xFFFFD800;
	s12 =	sadd.s32 $0x1, s10;
	s13 =	smul.u32 $0xA000, s10  }
0x4e: {  	[tilespmem:s28], [sflag:$0x1] =	stream.indirect.gather [hbm4b:s1+s26], $0x80, s11, s26, $0xb8;
	[tilespmem:$0x1FF80] =	vst v63  }
0x4f: {  	s9 =	simm.s32 $0x5;
	s10 =	sor.u32 $0x4, s10;
	_ =	swait.ge [sflag:s12], $0x2800  }
0x50: {  	s11 =	simm.s32 $0x140;
	s13 =	sshrl.u32 s13, $0x2;
	[sflag:s12] =	ssyncset.done $0x0  }
0x51: {  	s5 =	sadd.s32 $0x4F00, s13;
	s13 =	smul.u32 $0xAB, s9;
	[sflag:s12] =	ssyncadd.s32 $0xFFFFD800  }
0x52: {  	[spmem:s3] =	stream.indirect.scatter.add.f32 [tilespmem:s5], [sflag:s10], $0x80, s7, s26, $0xb8;
	[tilespmem:$0x1FF80] =	vst v63  }
0x53: {  	s12 =	sadd.s32 $0x1, s14;
	s14 =	sadd.s32 $0x4F00, s8;
	s5 =	simm.s32 $0x6  }
0x54: {  	s10 =	simm.s32 $0x190;
	s17 =	sshrl.u32 s13, $0x9;
	_ =	swait.ge [sflag:s15], $0x2800  }
0x55: {  	s13 =	sadd.s32 $0xFFFFFEAA, s13;
	s16 =	sand.u32 $0x7F, s17;
	[sflag:s15] =	ssyncset.done $0x0  }
0x56: {  	[sflag:s15] =	ssyncadd.s32 $0xFFFFD800;
	s15 =	sshrl.u32 s13, $0x9;
	s13 =	smul.u32 $0x3, s16  }
.LBB2_2:
0x57: {  	s8 =	sand.u32 $0x7F, s15  }
0x58: {  	s7 =	sadd.s32 $0x50, s7;
	s15 =	smov.u32 s5;
	s16 =	sadd.s32 $0x1, s5  }
0x59: {  	p5 =	sne.s32 s5, $0x7C;
	s5 =	smul.u32 $0x3, s8;
	s8 =	ssub.s32 s9, s13  }
0x5a: {  	[tilespmem:s14], [sflag:s12] =	stream.indirect.gather [hbm4b:s1+s26], $0x80, s11, s26, $0xb8;
	[tilespmem:$0x1FF80] =	vst v63  }
0x5b: {  	s8 =	sand.u32 $0xFF, s8;
	s5 =	ssub.s32 s9, s5;
	s9 =	smov.u32 s15  }
0x5c: {  	s13 =	smul.u32 $0xA000, s8;
	s12 =	sadd.s32 $0x1, s8;
	s5 =	sadd.s32 $0xFFFFFFFE, s5  }
0x5d: {  	s11 =	smov.u32 s10;
	s10 =	sadd.s32 $0x50, s10;
	s5 =	sand.u32 $0xFF, s5  }
0x5e: {  	s13 =	sshrl.u32 s13, $0x2;
	s14 =	sadd.s32 $0x1, s5;
	s15 =	smul.u32 $0xA000, s5  }
0x5f: {  	s8 =	sor.u32 $0x4, s8;
	s17 =	smul.u32 $0xAB, s9;
	_ =	swait.ge [sflag:s14], $0x2800  }
0x60: {  	s5 =	sor.u32 $0x4, s5;
	[sflag:s14] =	ssyncset.done $0x0;
	s15 =	sshrl.u32 s15, $0x2  }
0x61: {  	[sflag:s14] =	ssyncadd.s32 $0xFFFFD800;
	s14 =	sadd.s32 $0x4F00, s15  }
0x62: {  	[spmem:s3] =	stream.indirect.scatter.add.f32 [tilespmem:s14], [sflag:s5], $0x80, s7, s26, $0xb8;
	[tilespmem:$0x1FF80] =	vst v63  }
.Ltmp0:
0x63: {  	_ = 	snop;
	(pc) =	sbr.rel @p5 .LBB2_2-.Ltmp0, $4  }
0x64: {  	s5 =	sshrl.u32 s17, $0x9  }
0x65: {  	s14 =	sadd.s32 $0x4F00, s13;
	s13 =	sadd.s32 $0xFFFFFEAA, s17;
	_ =	swait.ge [sflag:s8], $0x2800  }
0x66: {  	s5 =	sand.u32 $0x7F, s5;
	s15 =	sshrl.u32 s13, $0x9;
	[sflag:s8] =	ssyncset.done $0x0  }
0x67: {  	s13 =	smul.u32 $0x3, s5;
	s5 =	smov.u32 s16;
	[sflag:s8] =	ssyncadd.s32 $0xFFFFD800  }
0x68: {  	s5 =	sand.u32 $0x7F, s15  }
0x69: {  	s5 =	smul.u32 $0x3, s5  }
0x6a: {  	[tilespmem:s14], [sflag:s12] =	stream.indirect.gather [hbm4b:s1+s26], $0x80, s11, s26, $0xb8;
	[tilespmem:$0x1FF80] =	vst v63  }
0x6b: {  	s5 =	ssub.s32 s9, s5  }
0x6c: {  	s5 =	sadd.s32 $0xFFFFFFFE, s5  }
0x6d: {  	s5 =	sand.u32 $0xFF, s5  }
0x6e: {  	s8 =	sadd.s32 $0x1, s5;
	s17 =	smul.u32 $0xA000, s5  }
0x6f: {  	s7 =	sadd.s32 $0x50, s7;
	_ =	swait.ge [sflag:s8], $0x2800  }
0x70: {  	s12 =	ssub.s32 s9, s13;
	[sflag:s8] =	ssyncset.done $0x0;
	s11 =	sshrl.u32 s17, $0x2  }
0x71: {  	s5 =	sor.u32 $0x4, s5;
	[sflag:s8] =	ssyncadd.s32 $0xFFFFD800;
	s8 =	sadd.s32 $0x4F00, s11  }
0x72: {  	[spmem:s3] =	stream.indirect.scatter.add.f32 [tilespmem:s8], [sflag:s5], $0x80, s7, s26, $0xb8;
	[tilespmem:$0x1FF80] =	vst v63  }
0x73: {  	s5 =	sand.u32 $0xFF, s12  }
0x74: {  	s13 =	smul.u32 $0xA000, s5;
	s14 =	sor.u32 $0x4, s5  }
0x75: {  	_ =	swait.ge [sflag:s14], $0x2800  }
0x76: {  	s7 =	sshrl.u32 s13, $0x2;
	[sflag:s14] =	ssyncset.done $0x0  }
0x77: {  	s5 =	sadd.s32 $0x1, s5;
	[sflag:s14] =	ssyncadd.s32 $0xFFFFD800;
	s7 =	sadd.s32 $0x4F00, s7  }
0x78: {  	[tilespmem:s7], [sflag:s5] =	stream.indirect.gather [hbm4b:s1+s26], $0x80, s10, s26, $0xb8;
	[tilespmem:$0x1FF80] =	vst v63  }
0x79: {  	_ =	swait.ge [sflag:s30], $0x2800  }
0x7a: {  	[sflag:s30] =	ssyncset.done $0x0  }
0x7b: {  	s15 =	simm.s32 $0x4DF0;
	[sflag:s30] =	ssyncadd.s32 $0xFFFFD800  }
0x7c: {  	[spmem:s3] =	stream.indirect.scatter.add.f32 [tilespmem:s28], [sflag:$0x4], $0x80, s15, s26, $0xb8;
	[tilespmem:$0x1FF80] =	vst v63  }
0x7d: {  	_ =	swait.ge [sflag:s2], $0x2800  }
0x7e: {  	[sflag:s2] =	ssyncset.done $0x0  }
0x7f: {  	[sflag:s2] =	ssyncadd.s32 $0xFFFFD800  }
0x80: {  	_ =	swait.ge [sflag:s0], $0x2800  }
0x81: {  	[sflag:s0] =	ssyncset.done $0x0  }
0x82: {  	s16 =	simm.s32 $0x4E40;
	[sflag:s0] =	ssyncadd.s32 $0xFFFFD800  }
0x83: {  	[spmem:s3] =	stream.indirect.scatter.add.f32 [tilespmem:s29], [sflag:$0x5], $0x80, s16, s26, $0xb8;
	[tilespmem:$0x1FF80] =	vst v63  }
0x84: {  	_ =	swait.ge [sflag:s31], $0x2800  }
0x85: {  	[sflag:s31] =	ssyncset.done $0x0  }
0x86: {  	[sflag:s31] =	ssyncadd.s32 $0xFFFFD800  }
0x87: {  	_ =	swait.ge [sflag:s4], $0x2800  }
0x88: {  	[sflag:s4] =	ssyncset.done $0x0  }
0x89: {  	[sflag:s4] =	ssyncadd.s32 $0xFFFFD800  }
0x8a: {  	[bflag:$0x0] =	sbarrier.arrive $0xFFFF  }
0x8b: {  	s5 =	rddreg [dreg:$0x6]  }
0x8c: {  	s7 =	simm.s32 @p0 $0x1FC7;
	s8 =	rddreg [dreg:$0xc];
	s5 =	sshrl.u32 @p0 s5, $0x3  }
0x8d: {  	[hbm:s8], [sflag:s7] =	dma.local @p0 [spmem:s5], $0x2800  }
0x8e: {  	s5 =	simm.s32 @p0 $0x7  }
0x8f: {  	s7 =	stileid.u32;
	_ =	swait.ge @p0 [sflag:s5], $0x2800  }
0x90: {  	s7 =	sshll.u32 @!p0 s7, $0x6;
	[sflag:s5] =	ssyncset.done @p0 $0x0;
	s8 =	rddreg [dreg:$0xb]  }
0x91: {  	[sflag:s5] =	ssyncadd.s32 @p0 $0xFFFFD800;
	s5 =	sor.u32 @!p0 $0x1C07, s7;
	s7 =	sshrl.u32 @!p0 s18, $0x3  }
0x92: {  	[hbm:s8], [sflag:s5] =	dma.local @!p0 [spmem:s7], $0x2700  }
0x93: {  	s5 =	simm.s32 @!p0 $0x7  }
0x94: {  	_ =	swait.ge @!p0 [sflag:s5], $0x2700  }
0x95: {  	s6 =	sadd.s32 $0x1, s6;
	s17 =	rddreg [dreg:$0xd]  }
0x96: {  	p5 =	sne.s32 s6, s17  }
.Ltmp1:
0x97: {  	_ = 	snop;
	(pc) =	sbr.rel @p5 .LBB2_1-.Ltmp1, $3  }
0x98: {  	_ =	sdelay $0x1  }
0x99: {  	[sflag:s5] =	ssyncset.done @!p0 $0x0  }
0x9a: {  	[sflag:s5] =	ssyncadd.s32 @!p0 $0xFFFFD900  }
0x9b: {  	_ =	sfence.sel $0x180000  }
0x9c: {  	[bflag:$0x0] =	sbarrier.arrive $0xFFFF  }
0x9d: {  	_ =	strace $0x9000004A  }
0x9e: {  	s0 =	stileid.u32;
	[bflag:$0x2] =	sbarrier.arrive $0xFFFF  }
0x9f: {  	p0 =	sne.s32 s0, $0x0;
	s0 =	rddreg [dreg:$0x3]  }
0xa0: {  	s0 =	sadd.s32 @!p0 $0x100000, s0  }
0xa1: {  	[sflag:s0] =	ssyncadd.tile.s32 @!p0 $0x1;
	_ =	shalt  }
.Lfunc_end2:
_tile_overlayer_lowered:
.L_overlay_start_2:
0xa2: {  	(tag) =	ssettag $0x2  }
0xa3: {  	s0 =	rddreg [dreg:$0x0];
	s2 =	stileid.u32  }
0xa4: {  	s1 =	rddreg [dreg:$0x1];
	p0 =	sne.s32 s2, $0x0  }
0xa5: {  	s3 =	rddreg [dreg:$0x2];
	[bflag:$0x3] =	sbarrier.arrive $0xFFFF;
	s2 =	simm.s32 @!p0 $0x1C07  }
0xa6: {  	[timem:s3], [sflag:s2] =	dma.local @!p0 [hbm:s0], s1  }
0xa7: {  	s0 =	simm.s32 @!p0 $0x7  }
0xa8: {  	_ =	swait.ge @!p0 [sflag:s0], s1  }
0xa9: {  	s1 =	ssub.s32 @!p0 $0x0, s1;
	[sflag:s0] =	ssyncset.done @!p0 $0x0  }
0xaa: {  	[sflag:s0] =	ssyncadd.s32 @!p0 s1  }
0xab: {  	[bflag:$0x3] =	sbarrier.arrive $0xFFFF  }
0xac: {  	_ =	shalt  }

// kernel: kernel.16.cloned.1.call-start
scs
__scs_entry_jumppad:
0x0: {  	(pc) =	sbr.rel $0x88, $3  }
0x1: {  	(tag) =	ssettag $0x0;
	lr =	simm.s32 $0x1  }
0x2: {  	[smem:$0x3F93] =	sst lr;
	_ =	strace $0xD0000000  }
0x3: {  	_ = 	snop  }
0x4: {  	_ = 	snop  }
0x5: {  	_ = 	snop  }
0x6: {  	_ = 	snop  }
0x7: {  	_ = 	snop  }
__scs_overlays_trampoline_lowered:
0x8: {  	[smem:$0x3FA2] =	sst s0  }
0x9: {  	[smem:$0x3FA3] =	sst s1  }
0xa: {  	[smem:$0x3FA4] =	sst s2  }
0xb: {  	[smem:$0x3FA5] =	sst s3  }
0xc: {  	[smem:$0x3FA6] =	sst s4  }
0xd: {  	[smem:$0x3FA7] =	sst s5  }
0xe: {  	[smem:$0x3FA8] =	sst s6  }
0xf: {  	[smem:$0x3FA9] =	sst s7  }
0x10: {  	[smem:$0x3FAA] =	sst s8  }
0x11: {  	[smem:$0x3FAB] =	sst s9;
	s0 =	simm.s32 @!p0 $0x0  }
0x12: {  	s1 =	sld [smem:$0x3F91];
	s0 =	simm.s32 @p0 $0x1  }
0x13: {  	[smem:$0x3FAC] =	sst s0;
	s0 =	simm.s32 @!p1 $0x0  }
0x14: {  	s2 =	sld [smem:$0x3F90];
	s0 =	simm.s32 @p1 $0x1  }
0x15: {  	[smem:$0x3FAD] =	sst s0;
	s0 =	simm.s32 @!p2 $0x0  }
0x16: {  	s3 =	sld [smem:$0x3FDB];
	s0 =	simm.s32 @p2 $0x1  }
0x17: {  	s4 =	simm.s32 $0x1BF5;
	[smem:$0x3FAF] =	sst s0  }
0x18: {  	s0 =	sld [smem:$0x3F92];
	_ =	swait.ge [sflag:s4], $0x0  }
0x19: {  	s7 =	sld [smem:$0x3F93]  }
0x1a: {  	s8 =	sadd.s32 $0xFFFFE003, lr  }
0x1b: {  	s9 =	sadd.s32 $0xFFFFFEF7, lr;
	s5 =	simm.s32 $0xFFFFFFFF;
	p2 =	slt.u32 s8, $0xFFFFF086  }
0x1c: {  	p1 =	slt.u32 s9, $0xF7A;
	s5 =	simm.s32 @!p2 $0x0  }
0x1d: {  	s5 =	simm.s32 @p1 $0x1;
	p0 =	seq.s32 s7, s2  }
0x1e: {  	s7 =	smul.u32 @!p0 $0xF7A, s2;
	p2 =	seq.s32 @!p0 s5, $0x0  }
0x1f: {  	s9 =	smul.u32 $0xF7A, s1;
	s8 =	simm.s32 @!p0 $0x1BF5;
	p2 =	por !p2, p0  }
0x20: {  	[sflag:s8] =	ssyncset.s32 @!p0 $0xFFFFF086;
	s6 =	sadd.s32 @!p0 s3, s7;
	s7 =	simm.s32 @!p0 $0x108  }
0x21: {  	s3 =	sadd.s32 s3, s9;
	s6 =	sadd.s32 @!p0 $0x88, s6;
	s7 =	simm.s32 @p2 $0x1082  }
0x22: {  	[simem:s7], [sflag:s8] =	dma.local @!p0 [hbm:s6], $0xF7A  }
0x23: {  	s9 =	sor.u32 $0xD0000000, s2;
	s6 =	simm.s32 $0x108;
	_ =	swait.ge @!p0 [sflag:s8], $0x0  }
0x24: {  	s3 =	sadd.s32 $0x88, s3;
	s6 =	simm.s32 @!p1 $0x1082;
	[sflag:s4] =	ssyncset.s32 $0xFFFFF086  }
0x25: {  	[simem:s6], [sflag:s4] =	dma.local [hbm:s3], $0xF7A  }
0x26: {  	[smem:$0x3F93] =	sst s1;
	(tag) =	ssettag s2;
	_ =	strace s9  }
0x27: {  	s1 =	sld [smem:$0x3FA3]  }
0x28: {  	s2 =	sld [smem:$0x3FA4]  }
0x29: {  	s4 =	sld [smem:$0x3FA6]  }
0x2a: {  	p0 =	seq.s32 s5, $0x0;
	s5 =	sld [smem:$0x3FA7]  }
0x2b: {  	s6 =	sld [smem:$0x3FA8]  }
0x2c: {  	s7 =	sld [smem:$0x3FA9]  }
0x2d: {  	s3 =	simm.s32 $0x108;
	s8 =	sld [smem:$0x3FAA]  }
0x2e: {  	s3 =	simm.s32 @!p0 $0x1082;
	s9 =	sld [smem:$0x3FAB]  }
0x2f: {  	lr =	sadd.s32 s0, s3;
	s0 =	sld [smem:$0x3FA2]  }
0x30: {  	s3 =	sld [smem:$0x3FA5]  }
0x31: {  	[smem:$0x3FAE] =	sst s10  }
0x32: {  	s10 =	sld [smem:$0x3FAC];
	_ =	sdelay $0x3  }
0x33: {  	p0 =	seq.s32 s10, $0x1;
	s10 =	sld [smem:$0x3FAE];
	_ =	sdelay $0x3  }
0x34: {  	[smem:$0x3FAE] =	sst s10  }
0x35: {  	s10 =	sld [smem:$0x3FAD];
	_ =	sdelay $0x3  }
0x36: {  	p1 =	seq.s32 s10, $0x1;
	s10 =	sld [smem:$0x3FAE];
	_ =	sdelay $0x3  }
0x37: {  	[smem:$0x3FAE] =	sst s10  }
0x38: {  	s10 =	sld [smem:$0x3FAF]  }
0x39: {  	_ = 	snop;
	(pc) =	sbr.ind lr, $3  }
0x3a: {  	_ = 	snop  }
0x3b: {  	_ = 	snop  }
0x3c: {  	p2 =	seq.s32 s10, $0x1;
	s10 =	sld [smem:$0x3FAE]  }
0x3d: {  	_ =	shalt  }
0x3e: {  	_ =	shalt  }
0x3f: {  	_ =	shalt  }
0x40: {  	_ =	shalt  }
0x41: {  	_ =	shalt  }
0x42: {  	_ =	shalt  }
0x43: {  	_ =	shalt  }
0x44: {  	_ =	shalt  }
0x45: {  	_ =	shalt  }
0x46: {  	_ =	shalt  }
0x47: {  	_ =	shalt  }
0x48: {  	_ =	shalt  }
0x49: {  	_ =	shalt  }
0x4a: {  	_ =	shalt  }
0x4b: {  	_ =	shalt  }
0x4c: {  	_ =	shalt  }
0x4d: {  	_ =	shalt  }
0x4e: {  	_ =	shalt  }
0x4f: {  	_ =	shalt  }
0x50: {  	_ =	shalt  }
0x51: {  	_ =	shalt  }
0x52: {  	_ =	shalt  }
0x53: {  	_ =	shalt  }
0x54: {  	_ =	shalt  }
0x55: {  	_ =	shalt  }
0x56: {  	_ =	shalt  }
0x57: {  	_ =	shalt  }
0x58: {  	_ =	shalt  }
0x59: {  	_ =	shalt  }
0x5a: {  	_ =	shalt  }
0x5b: {  	_ =	shalt  }
0x5c: {  	_ =	shalt  }
0x5d: {  	_ =	shalt  }
0x5e: {  	_ =	shalt  }
0x5f: {  	_ =	shalt  }
0x60: {  	_ =	shalt  }
0x61: {  	_ =	shalt  }
0x62: {  	_ =	shalt  }
0x63: {  	_ =	shalt  }
0x64: {  	_ =	shalt  }
0x65: {  	_ =	shalt  }
0x66: {  	_ =	shalt  }
0x67: {  	_ =	shalt  }
0x68: {  	_ =	shalt  }
0x69: {  	_ =	shalt  }
0x6a: {  	_ =	shalt  }
0x6b: {  	_ =	shalt  }
0x6c: {  	_ =	shalt  }
0x6d: {  	_ =	shalt  }
0x6e: {  	_ =	shalt  }
0x6f: {  	_ =	shalt  }
0x70: {  	_ =	shalt  }
0x71: {  	_ =	shalt  }
0x72: {  	_ =	shalt  }
0x73: {  	_ =	shalt  }
0x74: {  	_ =	shalt  }
0x75: {  	_ =	shalt  }
0x76: {  	_ =	shalt  }
0x77: {  	_ =	shalt  }
0x78: {  	_ =	shalt  }
0x79: {  	_ =	shalt  }
0x7a: {  	_ =	shalt  }
0x7b: {  	_ =	shalt  }
0x7c: {  	_ =	shalt  }
0x7d: {  	_ =	shalt  }
0x7e: {  	_ =	shalt  }
0x7f: {  	_ =	shalt  }
0x80: {  	_ =	shalt  }
0x81: {  	_ =	shalt  }
0x82: {  	_ =	shalt  }
0x83: {  	_ =	shalt  }
0x84: {  	_ =	shalt  }
0x85: {  	_ =	shalt  }
0x86: {  	_ =	shalt  }
0x87: {  	_ =	shalt  }
.Lfunc_end0:
.L_simem_size_0:
called_computation.2_lowered:
.L_overlay_start_0:
0x88: {  	s2 =	sld [smem:$0x3FD9]  }
0x89: {  	s3 =	sld [smem:$0x3FFE];
	_ =	sdelay $0x1  }
0x8a: {  	s1 =	srdreg.scid  }
0x8b: {  	s0 =	sand.u32 $0x1, s1  }
0x8c: {  	s17 =	sshll.u32 s0, $0xA;
	s2 =	sadd.s32 s3, s2  }
0x8d: {  	s2 =	sadd.s32 s2, s17  }
0x8e: {  	[smem:$0x3FBA] =	sst s2  }
0x8f: {  	_ = 	snop  }
0x90: {  	s2 =	sld [smem:$0x3FD0];
	(tm) =	ssettm $0x1  }
0x91: {  	s18 =	sld [smem:$0x3FFB];
	_ =	sdelay $0x3  }
0x92: {  	_ =	strace s18  }
0x93: {  	s3 =	sld [smem:$0x3FFC];
	_ =	sdelay $0x3  }
0x94: {  	_ =	strace s3  }
0x95: {  	s3 =	sld [smem:$0x3FFD];
	_ =	sdelay $0x3  }
0x96: {  	_ =	strace s3  }
0x97: {  	_ =	strace $0x8FFFFFFF  }
0x98: {  	s19 =	sld [smem:$0x3FDB];
	_ =	sdelay $0x1  }
0x99: {  	s4 =	simm.s32 $_scs_section_size  }
0x9a: {  	s5 =	simm.s32 $_size__tile_overlayer_lowered;
	s6 =	simm.s32 $_tile_overlayer_lowered  }
0x9b: {  	s22 =	simm.s32 $0x1BFF;
	s21 =	sshll.u32 s6, $0x1;
	s3 =	sadd.s32 s4, s19  }
0x9c: {  	s7 =	simm.s32 $0x0;
	s20 =	sshll.u32 s5, $0x1;
	s5 =	sadd.s32 s21, s3  }
0x9d: {  	[timem:s7], [sflag:s22] =	dma.local [hbm:s5], s20  }
0x9e: {  	_ =	swait.ge [sflag:s22], s20  }
0x9f: {  	s4 =	ssub.s32 $0x0, s20;
	[sflag:s22] =	ssyncset.done $0x0  }
0xa0: {  	[sflag:s22] =	ssyncadd.s32 s4;
	_ =	sdelay $0x1  }
0xa1: {  	s23 =	simm.s32 $0x1B8B  }
0xa2: {  	_ =	swait.ge [sflag:s23], $0x1  }
0xa3: {  	[sflag:s23] =	ssyncset.done $0x0  }
0xa4: {  	s25 =	simm.s32 $0x1B8E;
	s24 =	sld [smem:$0x3FFE];
	[sflag:s23] =	ssyncadd.s32 $0xFFFFFFFF  }
0xa5: {  	s26 =	simm.s32 $execute0_lowered;
	[smem:$0x3FD2] =	sst s25  }
0xa6: {  	s5 =	sshll.u32 s26, $0x1;
	_ =	strace $0x8000004C;
	[dreg:$0x1] =	wrdreg $0xFFFFFFFF  }
0xa7: {  	s28 =	simm.s32 $_size_execute0_lowered;
	s3 =	sadd.s32 s3, s5;
	[dreg:$0x0] =	wrdreg $0x0  }
0xa8: {  	s5 =	sshll.u32 s28, $0x1;
	[dreg:$0x2] =	wrdreg s3  }
0xa9: {  	[dreg:$0x3] =	wrdreg s5  }
0xaa: {  	[dreg:$0x4] =	wrdreg $0xC0  }
0xab: {  	_ =	task [dreg:s7], $0x5FFFF  }
0xac: {  	[dreg:$0x1] =	wrdreg $0xFFFFFFFF  }
0xad: {  	[dreg:$0x0] =	wrdreg $0x60  }
0xae: {  	[dreg:$0x2] =	wrdreg s2  }
0xaf: {  	[dreg:$0x3] =	wrdreg s24  }
0xb0: {  	[dreg:$0x4] =	wrdreg $0xC7000  }
0xb1: {  	[dreg:$0x5] =	wrdreg $0x9  }
0xb2: {  	_ =	task.clear_ibuf [dreg:s7], $0x6FFFF;
	_ =	strace $0x9000004C  }
0xb3: {  	s29 =	simm.s32 $0x9;
	_ =	strace $0x8000004E  }
0xb4: {  	_ =	swait.ge [sflag:s29], $0x1  }
0xb5: {  	[sflag:s29] =	ssyncadd.s32 $0xFFFFFFFF  }
0xb6: {  	_ =	strace $0x9000004E  }
0xb7: {  	_ =	sfence  }
0xb8: {  	s30 =	sld [smem:$0x0];
	_ =	sdelay $0x2  }
0xb9: {  	s31 =	sshll.u32 s1, $0xD;
	s1 =	sshrl.u32 s1, $0x2  }
0xba: {  	s3 =	sand.u32 $0x4000, s31;
	s1 =	sadd.s32 s1, s30  }
0xbb: {  	s0 =	sor.u32 s3, s0;
	s1 =	sshll.u32 s1, $0x11  }
0xbc: {  	s0 =	sor.u32 s1, s0  }
0xbd: {  	s0 =	sadd.s32 $0x8F2B, s0  }
0xbe: {  	[sflag:s0] =	ssyncadd.remote.s32 $0x1  }
0xbf: {  	_ =	sfence.sel $0xFFFF  }
0xc0: {  	[dreg:$0x0] =	wrdreg $0xFFFFFFFF;
	(pc) =	sbr.abs _section_cstart, $3  }
0xc1: {  	[dreg:$0x1] =	wrdreg $0xFFFFFFFF  }
0xc2: {  	_ =	task.clear_ibuf [dreg:s7], $0x2FFFF;
	_ =	strace $0x9FFFFFFF  }
0xc3: {  	(tm) =	ssettm $0x7FFFFFFF  }
tec
execute0_lowered:
.L_overlay_start_1:
0x0: {  	(tag) =	ssettag $0x1  }
0x1: {  	s0 =	srdreg.scid;
	s1 =	rddreg [dreg:$0x0]  }
0x2: {  	s2 =	rddreg [dreg:$0x1];
	s11 =	stileid.u32  }
0x3: {  	s3 =	rddreg [dreg:$0x2];
	s6 =	simm.s32 $0x0;
	s28 =	simm.s32 $0x4F00  }
0x4: {  	s29 =	simm.s32 $0x7700;
	s30 =	simm.s32 $0x1;
	s31 =	simm.s32 $0x4  }
0x5: {  	s0 =	sand.u32 $0x1, s0;
	s5 =	sshll.u32 s11, $0x7;
	s15 =	smul.u32 $0x2700, s11  }
0x6: {  	[smem:$0x7FF] =	sst s6;
	s7 =	smul.u32 $0x4E000, s11;
	s10 =	sadd.s32 $0x48600, s2  }
0x7: {  	s19 =	smul.u32 $0x13800, s11;
	s20 =	sadd.s32 $0x24900, s1;
	p0 =	seq.s32 s11, $0xF  }
0x8: {  	s4 =	sshll.u32 s0, $0x4;
	s5 =	sand.u32 $0x380, s5;
	_ =	strace $0x8000004D  }
0x9: {  	s16 =	ssub.s32 $0x2, s0;
	s18 =	smul.u32 $0x138800, s0;
	[dreg:$0x8] =	wrdreg s20  }
0xa: {  	p2 =	sne.s32 @p0 s0, $0x0;
	p4 =	sne.s32 @!p0 s0, $0x0;
	s4 =	sor.u32 s11, s4  }
0xb: {  	s8 =	sadd.s32 s15, s2;
	s9 =	sshrl.u32 s16, $0x1;
	s7 =	sshrl.u32 s7, $0x2  }
0xc: {  	s6 =	sadd.s32 s1, s15;
	p1 =	por !p2, !p0;
	p2 =	por p2, !p0  }
0xd: {  	p3 =	por !p4, p0;
	p4 =	por p4, p0;
	s4 =	sshrl.u32 s4, $0x3  }
0xe: {  	s17 =	sadd.s32 $0x21400, s8;
	[dreg:$0x5] =	wrdreg s6;
	s8 =	sadd.s32 $0x124800, s3  }
0xf: {  	s23 =	sadd.s32 s19, s18;
	s24 =	sshrl.u32 s18, $0x3;
	[dreg:$0x4] =	wrdreg s17  }
0x10: {  	s4 =	smul.u32 $0x13C00, s4;
	s0 =	sshrl.u32 @!p1 s8, $0x3;
	[dreg:$0x6] =	wrdreg s8  }
0x11: {  	s6 =	simm.s32 $0x0;
	[dreg:$0xe] =	wrdreg s0;
	s0 =	sshrl.u32 @!p2 s8, $0x3  }
0x12: {  	s4 =	sor.u32 s5, s4;
	s5 =	ssub.s32 s16, s9;
	s9 =	sadd.s32 s7, s3  }
0x13: {  	[dreg:$0xf] =	wrdreg s0;
	s0 =	sshll.u32 @!p3 s11, $0x6;
	s4 =	sshrl.u32 s4, $0x3  }
0x14: {  	s26 =	smax.u32 s5, $0x1;
	s0 =	sor.u32 @!p3 $0x1C07, s0;
	s19 =	sshrl.u32 @!p3 s9, $0x3  }
0x15: {  	s18 =	smov.u32 s9;
	s4 =	sadd.s32 s4, s2;
	[dreg:$0xd] =	wrdreg s26  }
0x16: {  	s2 =	sadd.s32 $0x45D00, s2;
	[dreg:$0x10] =	wrdreg s0;
	s0 =	sshll.u32 @!p4 s11, $0x6  }
0x17: {  	s26 =	simm.s32 $0x50;
	[dreg:$0x7] =	wrdreg s2;
	s21 =	sadd.s32 $0xD800, s4  }
0x18: {  	s22 =	sadd.s32 $0x17600, s4;
	s2 =	sshrl.u32 s23, $0x3;
	s4 =	sadd.s32 s10, s24  }
0x19: {  	s20 =	sor.u32 @!p4 $0x1C07, s0;
	s23 =	simm.s32 $0x400;
	[dreg:$0x9] =	wrdreg s21  }
0x1a: {  	s24 =	simm.s32 $0x7;
	s0 =	simm.s32 $0x2;
	[dreg:$0xa] =	wrdreg s22  }
0x1b: {  	s2 =	sadd.s32 s10, s2;
	s25 =	sadd.s32 $0x24900, s4;
	s21 =	sshrl.u32 @!p4 s9, $0x3  }
0x1c: {  	s22 =	simm.s32 $0x80;
	s4 =	simm.s32 $0x5;
	[dreg:$0xb] =	wrdreg s2  }
0x1d: {  	[dreg:$0xc] =	wrdreg s25;
	s25 =	simm.s32 $0x2780;
	s2 =	simm.s32 $0x6  }
.LBB2_1:
0x1e: {  	s7 =	rddreg [dreg:$0x7]  }
0x1f: {  	s5 =	simm.s32 @!p1 $0x1FC7;
	s8 =	rddreg [dreg:$0xe]  }
0x20: {  	[spmem:s8], [sflag:s5] =	dma.local @!p1 [hbm:s7], $0x2800  }
0x21: {  	s5 =	simm.s32 @!p1 $0x7  }
0x22: {  	_ =	swait.ge @!p1 [sflag:s5], $0x2800  }
0x23: {  	[sflag:s5] =	ssyncset.done @!p1 $0x0;
	s7 =	rddreg [dreg:$0x8]  }
0x24: {  	s8 =	rddreg [dreg:$0xf];
	[sflag:s5] =	ssyncadd.s32 @!p1 $0xFFFFD800;
	s5 =	simm.s32 @!p2 $0x1FC7  }
0x25: {  	[spmem:s8], [sflag:s5] =	dma.local @!p2 [hbm:s7], $0x2800  }
0x26: {  	s5 =	simm.s32 @!p2 $0x7  }
0x27: {  	_ =	swait.ge @!p2 [sflag:s5], $0x2800  }
0x28: {  	[sflag:s5] =	ssyncset.done @!p2 $0x0;
	s7 =	rddreg [dreg:$0x10]  }
0x29: {  	[sflag:s5] =	ssyncadd.s32 @!p2 $0xFFFFD800;
	s5 =	rddreg [dreg:$0x4]  }
0x2a: {  	[spmem:s19], [sflag:s7] =	dma.local @!p3 [hbm:s5], $0x2700  }
0x2b: {  	s5 =	simm.s32 @!p3 $0x7  }
0x2c: {  	_ =	swait.ge @!p3 [sflag:s5], $0x2700  }
0x2d: {  	[sflag:s5] =	ssyncset.done @!p3 $0x0  }
0x2e: {  	[sflag:s5] =	ssyncadd.s32 @!p3 $0xFFFFD900;
	s5 =	rddreg [dreg:$0x5]  }
0x2f: {  	[spmem:s21], [sflag:s20] =	dma.local @!p4 [hbm:s5], $0x2700  }
0x30: {  	s5 =	simm.s32 @!p4 $0x7  }
0x31: {  	_ =	swait.ge @!p4 [sflag:s5], $0x2700  }
0x32: {  	[sflag:s5] =	ssyncset.done @!p4 $0x0  }
0x33: {  	s15 =	simm.s32 $0x0;
	s16 =	rddreg [dreg:$0x9];
	[sflag:s5] =	ssyncadd.s32 @!p4 $0xFFFFD900  }
0x34: {  	[tilespmem:s15], [sflag:$0x7] =	stream.strided.gather [hbm4b:s16+s22], $0x2780, s23, s22, $0x38;
	[tilespmem:$0x1FF80] =	vst v63  }
0x35: {  	_ =	swait.ge [sflag:s24], $0x2780  }
0x36: {  	[sflag:s24] =	ssyncset.done $0x0  }
0x37: {  	s17 =	rddreg [dreg:$0xa];
	[sflag:s24] =	ssyncadd.s32 $0xFFFFD880  }
0x38: {  	[tilespmem:s25], [sflag:$0x7] =	stream.strided.gather [hbm4b:s17+s22], $0x2780, s23, s22, $0x38;
	[tilespmem:$0x1FF80] =	vst v63  }
0x39: {  	_ =	swait.ge [sflag:s24], $0x2780  }
0x3a: {  	[sflag:s24] =	ssyncset.done $0x0  }
0x3b: {  	[sflag:s24] =	ssyncadd.s32 $0xFFFFD880  }
0x3c: {  	[bflag:$0x0] =	sbarrier.arrive $0xFFFF  }
0x3d: {  	[tilespmem:s28], [sflag:$0x1] =	stream.indirect.gather [hbm4b:s1+s26], $0x80, s15, s26, $0xb8;
	[tilespmem:$0x1FF80] =	vst v63  }
0x3e: {  	s10 =	smul.u32 $0xAB, s31  }
0x3f: {  	[tilespmem:s29], [sflag:$0x2] =	stream.indirect.gather [hbm4b:s1+s26], $0x80, s26, s26, $0xb8;
	[tilespmem:$0x1FF80] =	vst v63  }
0x40: {  	s5 =	sshrl.u32 s10, $0x9;
	_ =	swait.ge [sflag:s30], $0x2800  }
0x41: {  	s5 =	sand.u32 $0x7F, s5;
	[sflag:s30] =	ssyncset.done $0x0  }
0x42: {  	s12 =	sadd.s32 $0xFFFFFEAA, s10;
	s5 =	smul.u32 $0x3, s5;
	[sflag:s30] =	ssyncadd.s32 $0xFFFFD800  }
0x43: {  	[spmem:s3] =	stream.indirect.scatter.add.f32 [tilespmem:s28], [sflag:$0x4], $0x80, s25, s26, $0xb8;
	[tilespmem:$0x1FF80] =	vst v63  }
0x44: {  	s8 =	simm.s32 $0x9F00;
	s7 =	simm.s32 $0xA0;
	s5 =	ssub.s32 $0x4, s5  }
0x45: {  	[tilespmem:s8], [sflag:$0x3] =	stream.indirect.gather [hbm4b:s1+s26], $0x80, s7, s26, $0xb8;
	[tilespmem:$0x1FF80] =	vst v63  }
0x46: {  	s14 =	sand.u32 $0xFF, s5;
	s7 =	sshrl.u32 s12, $0x9;
	_ =	swait.ge [sflag:s0], $0x2800  }
0x47: {  	s16 =	smul.u32 $0xA000, s14;
	s7 =	sand.u32 $0x7F, s7;
	[sflag:s0] =	ssyncset.done $0x0  }
0x48: {  	s9 =	simm.s32 $0x27D0;
	s7 =	smul.u32 $0x3, s7;
	[sflag:s0] =	ssyncadd.s32 $0xFFFFD800  }
0x49: {  	[spmem:s3] =	stream.indirect.scatter.add.f32 [tilespmem:s29], [sflag:$0x5], $0x80, s9, s26, $0xb8;
	[tilespmem:$0x1FF80] =	vst v63  }
0x4a: {  	s11 =	simm.s32 $0xF0;
	s15 =	sor.u32 $0x4, s14;
	s7 =	ssub.s32 $0x4, s7  }
0x4b: {  	s8 =	sshrl.u32 s16, $0x2;
	_ =	swait.ge [sflag:s31], $0x2800;
	s9 =	sadd.s32 $0xFFFFFFFE, s7  }
0x4c: {  	s7 =	simm.s32 $0x2820;
	[sflag:s31] =	ssyncset.done $0x0;
	s10 =	sand.u32 $0xFF, s9  }
0x4d: {  	[sflag:s31] =	ssyncadd.s32 $0xFFFFD800;
	s12 =	sadd.s32 $0x1, s10;
	s13 =	smul.u32 $0xA000, s10  }
0x4e: {  	[tilespmem:s28], [sflag:$0x1] =	stream.indirect.gather [hbm4b:s1+s26], $0x80, s11, s26, $0xb8;
	[tilespmem:$0x1FF80] =	vst v63  }
0x4f: {  	s9 =	simm.s32 $0x5;
	s10 =	sor.u32 $0x4, s10;
	_ =	swait.ge [sflag:s12], $0x2800  }
0x50: {  	s11 =	simm.s32 $0x140;
	s13 =	sshrl.u32 s13, $0x2;
	[sflag:s12] =	ssyncset.done $0x0  }
0x51: {  	s5 =	sadd.s32 $0x4F00, s13;
	s13 =	smul.u32 $0xAB, s9;
	[sflag:s12] =	ssyncadd.s32 $0xFFFFD800  }
0x52: {  	[spmem:s3] =	stream.indirect.scatter.add.f32 [tilespmem:s5], [sflag:s10], $0x80, s7, s26, $0xb8;
	[tilespmem:$0x1FF80] =	vst v63  }
0x53: {  	s12 =	sadd.s32 $0x1, s14;
	s14 =	sadd.s32 $0x4F00, s8;
	s5 =	simm.s32 $0x6  }
0x54: {  	s10 =	simm.s32 $0x190;
	s17 =	sshrl.u32 s13, $0x9;
	_ =	swait.ge [sflag:s15], $0x2800  }
0x55: {  	s13 =	sadd.s32 $0xFFFFFEAA, s13;
	s16 =	sand.u32 $0x7F, s17;
	[sflag:s15] =	ssyncset.done $0x0  }
0x56: {  	[sflag:s15] =	ssyncadd.s32 $0xFFFFD800;
	s15 =	sshrl.u32 s13, $0x9;
	s13 =	smul.u32 $0x3, s16  }
.LBB2_2:
0x57: {  	s8 =	sand.u32 $0x7F, s15  }
0x58: {  	s7 =	sadd.s32 $0x50, s7;
	s15 =	smov.u32 s5;
	s16 =	sadd.s32 $0x1, s5  }
0x59: {  	p5 =	sne.s32 s5, $0x7C;
	s5 =	smul.u32 $0x3, s8;
	s8 =	ssub.s32 s9, s13  }
0x5a: {  	[tilespmem:s14], [sflag:s12] =	stream.indirect.gather [hbm4b:s1+s26], $0x80, s11, s26, $0xb8;
	[tilespmem:$0x1FF80] =	vst v63  }
0x5b: {  	s8 =	sand.u32 $0xFF, s8;
	s5 =	ssub.s32 s9, s5;
	s9 =	smov.u32 s15  }
0x5c: {  	s13 =	smul.u32 $0xA000, s8;
	s12 =	sadd.s32 $0x1, s8;
	s5 =	sadd.s32 $0xFFFFFFFE, s5  }
0x5d: {  	s11 =	smov.u32 s10;
	s10 =	sadd.s32 $0x50, s10;
	s5 =	sand.u32 $0xFF, s5  }
0x5e: {  	s13 =	sshrl.u32 s13, $0x2;
	s14 =	sadd.s32 $0x1, s5;
	s15 =	smul.u32 $0xA000, s5  }
0x5f: {  	s8 =	sor.u32 $0x4, s8;
	s17 =	smul.u32 $0xAB, s9;
	_ =	swait.ge [sflag:s14], $0x2800  }
0x60: {  	s5 =	sor.u32 $0x4, s5;
	[sflag:s14] =	ssyncset.done $0x0;
	s15 =	sshrl.u32 s15, $0x2  }
0x61: {  	[sflag:s14] =	ssyncadd.s32 $0xFFFFD800;
	s14 =	sadd.s32 $0x4F00, s15  }
0x62: {  	[spmem:s3] =	stream.indirect.scatter.add.f32 [tilespmem:s14], [sflag:s5], $0x80, s7, s26, $0xb8;
	[tilespmem:$0x1FF80] =	vst v63  }
.Ltmp0:
0x63: {  	_ = 	snop;
	(pc) =	sbr.rel @p5 .LBB2_2-.Ltmp0, $4  }
0x64: {  	s5 =	sshrl.u32 s17, $0x9  }
0x65: {  	s14 =	sadd.s32 $0x4F00, s13;
	s13 =	sadd.s32 $0xFFFFFEAA, s17;
	_ =	swait.ge [sflag:s8], $0x2800  }
0x66: {  	s5 =	sand.u32 $0x7F, s5;
	s15 =	sshrl.u32 s13, $0x9;
	[sflag:s8] =	ssyncset.done $0x0  }
0x67: {  	s13 =	smul.u32 $0x3, s5;
	s5 =	smov.u32 s16;
	[sflag:s8] =	ssyncadd.s32 $0xFFFFD800  }
0x68: {  	s5 =	sand.u32 $0x7F, s15  }
0x69: {  	s5 =	smul.u32 $0x3, s5  }
0x6a: {  	[tilespmem:s14], [sflag:s12] =	stream.indirect.gather [hbm4b:s1+s26], $0x80, s11, s26, $0xb8;
	[tilespmem:$0x1FF80] =	vst v63  }
0x6b: {  	s5 =	ssub.s32 s9, s5  }
0x6c: {  	s5 =	sadd.s32 $0xFFFFFFFE, s5  }
0x6d: {  	s5 =	sand.u32 $0xFF, s5  }
0x6e: {  	s8 =	sadd.s32 $0x1, s5;
	s17 =	smul.u32 $0xA000, s5  }
0x6f: {  	s7 =	sadd.s32 $0x50, s7;
	_ =	swait.ge [sflag:s8], $0x2800  }
0x70: {  	s12 =	ssub.s32 s9, s13;
	[sflag:s8] =	ssyncset.done $0x0;
	s11 =	sshrl.u32 s17, $0x2  }
0x71: {  	s5 =	sor.u32 $0x4, s5;
	[sflag:s8] =	ssyncadd.s32 $0xFFFFD800;
	s8 =	sadd.s32 $0x4F00, s11  }
0x72: {  	[spmem:s3] =	stream.indirect.scatter.add.f32 [tilespmem:s8], [sflag:s5], $0x80, s7, s26, $0xb8;
	[tilespmem:$0x1FF80] =	vst v63  }
0x73: {  	s5 =	sand.u32 $0xFF, s12  }
0x74: {  	s13 =	smul.u32 $0xA000, s5;
	s14 =	sor.u32 $0x4, s5  }
0x75: {  	_ =	swait.ge [sflag:s14], $0x2800  }
0x76: {  	s7 =	sshrl.u32 s13, $0x2;
	[sflag:s14] =	ssyncset.done $0x0  }
0x77: {  	s5 =	sadd.s32 $0x1, s5;
	[sflag:s14] =	ssyncadd.s32 $0xFFFFD800;
	s7 =	sadd.s32 $0x4F00, s7  }
0x78: {  	[tilespmem:s7], [sflag:s5] =	stream.indirect.gather [hbm4b:s1+s26], $0x80, s10, s26, $0xb8;
	[tilespmem:$0x1FF80] =	vst v63  }
0x79: {  	_ =	swait.ge [sflag:s30], $0x2800  }
0x7a: {  	[sflag:s30] =	ssyncset.done $0x0  }
0x7b: {  	s15 =	simm.s32 $0x4DF0;
	[sflag:s30] =	ssyncadd.s32 $0xFFFFD800  }
0x7c: {  	[spmem:s3] =	stream.indirect.scatter.add.f32 [tilespmem:s28], [sflag:$0x4], $0x80, s15, s26, $0xb8;
	[tilespmem:$0x1FF80] =	vst v63  }
0x7d: {  	_ =	swait.ge [sflag:s2], $0x2800  }
0x7e: {  	[sflag:s2] =	ssyncset.done $0x0  }
0x7f: {  	[sflag:s2] =	ssyncadd.s32 $0xFFFFD800  }
0x80: {  	_ =	swait.ge [sflag:s0], $0x2800  }
0x81: {  	[sflag:s0] =	ssyncset.done $0x0  }
0x82: {  	s16 =	simm.s32 $0x4E40;
	[sflag:s0] =	ssyncadd.s32 $0xFFFFD800  }
0x83: {  	[spmem:s3] =	stream.indirect.scatter.add.f32 [tilespmem:s29], [sflag:$0x5], $0x80, s16, s26, $0xb8;
	[tilespmem:$0x1FF80] =	vst v63  }
0x84: {  	_ =	swait.ge [sflag:s31], $0x2800  }
0x85: {  	[sflag:s31] =	ssyncset.done $0x0  }
0x86: {  	[sflag:s31] =	ssyncadd.s32 $0xFFFFD800  }
0x87: {  	_ =	swait.ge [sflag:s4], $0x2800  }
0x88: {  	[sflag:s4] =	ssyncset.done $0x0  }
0x89: {  	[sflag:s4] =	ssyncadd.s32 $0xFFFFD800  }
0x8a: {  	[bflag:$0x0] =	sbarrier.arrive $0xFFFF  }
0x8b: {  	s5 =	rddreg [dreg:$0x6]  }
0x8c: {  	s7 =	simm.s32 @p0 $0x1FC7;
	s8 =	rddreg [dreg:$0xc];
	s5 =	sshrl.u32 @p0 s5, $0x3  }
0x8d: {  	[hbm:s8], [sflag:s7] =	dma.local @p0 [spmem:s5], $0x2800  }
0x8e: {  	s5 =	simm.s32 @p0 $0x7  }
0x8f: {  	s7 =	stileid.u32;
	_ =	swait.ge @p0 [sflag:s5], $0x2800  }
0x90: {  	s7 =	sshll.u32 @!p0 s7, $0x6;
	[sflag:s5] =	ssyncset.done @p0 $0x0;
	s8 =	rddreg [dreg:$0xb]  }
0x91: {  	[sflag:s5] =	ssyncadd.s32 @p0 $0xFFFFD800;
	s5 =	sor.u32 @!p0 $0x1C07, s7;
	s7 =	sshrl.u32 @!p0 s18, $0x3  }
0x92: {  	[hbm:s8], [sflag:s5] =	dma.local @!p0 [spmem:s7], $0x2700  }
0x93: {  	s5 =	simm.s32 @!p0 $0x7  }
0x94: {  	_ =	swait.ge @!p0 [sflag:s5], $0x2700  }
0x95: {  	s6 =	sadd.s32 $0x1, s6;
	s17 =	rddreg [dreg:$0xd]  }
0x96: {  	p5 =	sne.s32 s6, s17  }
.Ltmp1:
0x97: {  	_ = 	snop;
	(pc) =	sbr.rel @p5 .LBB2_1-.Ltmp1, $3  }
0x98: {  	_ =	sdelay $0x1  }
0x99: {  	[sflag:s5] =	ssyncset.done @!p0 $0x0  }
0x9a: {  	[sflag:s5] =	ssyncadd.s32 @!p0 $0xFFFFD900  }
0x9b: {  	_ =	sfence.sel $0x180000  }
0x9c: {  	[bflag:$0x0] =	sbarrier.arrive $0xFFFF  }
0x9d: {  	_ =	strace $0x9000004D  }
0x9e: {  	s0 =	stileid.u32;
	[bflag:$0x2] =	sbarrier.arrive $0xFFFF  }
0x9f: {  	p0 =	sne.s32 s0, $0x0;
	s0 =	rddreg [dreg:$0x3]  }
0xa0: {  	s0 =	sadd.s32 @!p0 $0x100000, s0  }
0xa1: {  	[sflag:s0] =	ssyncadd.tile.s32 @!p0 $0x1;
	_ =	shalt  }
.Lfunc_end2:
_tile_overlayer_lowered:
.L_overlay_start_2:
0xa2: {  	(tag) =	ssettag $0x2  }
0xa3: {  	s0 =	rddreg [dreg:$0x0];
	s2 =	stileid.u32  }
0xa4: {  	s1 =	rddreg [dreg:$0x1];
	p0 =	sne.s32 s2, $0x0  }
0xa5: {  	s3 =	rddreg [dreg:$0x2];
	[bflag:$0x3] =	sbarrier.arrive $0xFFFF;
	s2 =	simm.s32 @!p0 $0x1C07  }
0xa6: {  	[timem:s3], [sflag:s2] =	dma.local @!p0 [hbm:s0], s1  }
0xa7: {  	s0 =	simm.s32 @!p0 $0x7  }
0xa8: {  	_ =	swait.ge @!p0 [sflag:s0], s1  }
0xa9: {  	s1 =	ssub.s32 @!p0 $0x0, s1;
	[sflag:s0] =	ssyncset.done @!p0 $0x0  }
0xaa: {  	[sflag:s0] =	ssyncadd.s32 @!p0 s1  }
0xab: {  	[bflag:$0x3] =	sbarrier.arrive $0xFFFF  }
0xac: {  	_ =	shalt  }

// kernel: kernel.19.cloned.1.call-start
scs
__scs_entry_jumppad:
0x0: {  	(pc) =	sbr.rel $0x88, $3  }
0x1: {  	(tag) =	ssettag $0x0;
	lr =	simm.s32 $0x1  }
0x2: {  	[smem:$0x3F93] =	sst lr;
	_ =	strace $0xD0000000  }
0x3: {  	_ = 	snop  }
0x4: {  	_ = 	snop  }
0x5: {  	_ = 	snop  }
0x6: {  	_ = 	snop  }
0x7: {  	_ = 	snop  }
__scs_overlays_trampoline_lowered:
0x8: {  	[smem:$0x3FA2] =	sst s0  }
0x9: {  	[smem:$0x3FA3] =	sst s1  }
0xa: {  	[smem:$0x3FA4] =	sst s2  }
0xb: {  	[smem:$0x3FA5] =	sst s3  }
0xc: {  	[smem:$0x3FA6] =	sst s4  }
0xd: {  	[smem:$0x3FA7] =	sst s5  }
0xe: {  	[smem:$0x3FA8] =	sst s6  }
0xf: {  	[smem:$0x3FA9] =	sst s7  }
0x10: {  	[smem:$0x3FAA] =	sst s8  }
0x11: {  	[smem:$0x3FAB] =	sst s9;
	s0 =	simm.s32 @!p0 $0x0  }
0x12: {  	s1 =	sld [smem:$0x3F91];
	s0 =	simm.s32 @p0 $0x1  }
0x13: {  	[smem:$0x3FAC] =	sst s0;
	s0 =	simm.s32 @!p1 $0x0  }
0x14: {  	s2 =	sld [smem:$0x3F90];
	s0 =	simm.s32 @p1 $0x1  }
0x15: {  	[smem:$0x3FAD] =	sst s0;
	s0 =	simm.s32 @!p2 $0x0  }
0x16: {  	s3 =	sld [smem:$0x3FDB];
	s0 =	simm.s32 @p2 $0x1  }
0x17: {  	s4 =	simm.s32 $0x1BF5;
	[smem:$0x3FAF] =	sst s0  }
0x18: {  	s0 =	sld [smem:$0x3F92];
	_ =	swait.ge [sflag:s4], $0x0  }
0x19: {  	s7 =	sld [smem:$0x3F93]  }
0x1a: {  	s8 =	sadd.s32 $0xFFFFE003, lr  }
0x1b: {  	s9 =	sadd.s32 $0xFFFFFEF7, lr;
	s5 =	simm.s32 $0xFFFFFFFF;
	p2 =	slt.u32 s8, $0xFFFFF086  }
0x1c: {  	p1 =	slt.u32 s9, $0xF7A;
	s5 =	simm.s32 @!p2 $0x0  }
0x1d: {  	s5 =	simm.s32 @p1 $0x1;
	p0 =	seq.s32 s7, s2  }
0x1e: {  	s7 =	smul.u32 @!p0 $0xF7A, s2;
	p2 =	seq.s32 @!p0 s5, $0x0  }
0x1f: {  	s9 =	smul.u32 $0xF7A, s1;
	s8 =	simm.s32 @!p0 $0x1BF5;
	p2 =	por !p2, p0  }
0x20: {  	[sflag:s8] =	ssyncset.s32 @!p0 $0xFFFFF086;
	s6 =	sadd.s32 @!p0 s3, s7;
	s7 =	simm.s32 @!p0 $0x108  }
0x21: {  	s3 =	sadd.s32 s3, s9;
	s6 =	sadd.s32 @!p0 $0x88, s6;
	s7 =	simm.s32 @p2 $0x1082  }
0x22: {  	[simem:s7], [sflag:s8] =	dma.local @!p0 [hbm:s6], $0xF7A  }
0x23: {  	s9 =	sor.u32 $0xD0000000, s2;
	s6 =	simm.s32 $0x108;
	_ =	swait.ge @!p0 [sflag:s8], $0x0  }
0x24: {  	s3 =	sadd.s32 $0x88, s3;
	s6 =	simm.s32 @!p1 $0x1082;
	[sflag:s4] =	ssyncset.s32 $0xFFFFF086  }
0x25: {  	[simem:s6], [sflag:s4] =	dma.local [hbm:s3], $0xF7A  }
0x26: {  	[smem:$0x3F93] =	sst s1;
	(tag) =	ssettag s2;
	_ =	strace s9  }
0x27: {  	s1 =	sld [smem:$0x3FA3]  }
0x28: {  	s2 =	sld [smem:$0x3FA4]  }
0x29: {  	s4 =	sld [smem:$0x3FA6]  }
0x2a: {  	p0 =	seq.s32 s5, $0x0;
	s5 =	sld [smem:$0x3FA7]  }
0x2b: {  	s6 =	sld [smem:$0x3FA8]  }
0x2c: {  	s7 =	sld [smem:$0x3FA9]  }
0x2d: {  	s3 =	simm.s32 $0x108;
	s8 =	sld [smem:$0x3FAA]  }
0x2e: {  	s3 =	simm.s32 @!p0 $0x1082;
	s9 =	sld [smem:$0x3FAB]  }
0x2f: {  	lr =	sadd.s32 s0, s3;
	s0 =	sld [smem:$0x3FA2]  }
0x30: {  	s3 =	sld [smem:$0x3FA5]  }
0x31: {  	[smem:$0x3FAE] =	sst s10  }
0x32: {  	s10 =	sld [smem:$0x3FAC];
	_ =	sdelay $0x3  }
0x33: {  	p0 =	seq.s32 s10, $0x1;
	s10 =	sld [smem:$0x3FAE];
	_ =	sdelay $0x3  }
0x34: {  	[smem:$0x3FAE] =	sst s10  }
0x35: {  	s10 =	sld [smem:$0x3FAD];
	_ =	sdelay $0x3  }
0x36: {  	p1 =	seq.s32 s10, $0x1;
	s10 =	sld [smem:$0x3FAE];
	_ =	sdelay $0x3  }
0x37: {  	[smem:$0x3FAE] =	sst s10  }
0x38: {  	s10 =	sld [smem:$0x3FAF]  }
0x39: {  	_ = 	snop;
	(pc) =	sbr.ind lr, $3  }
0x3a: {  	_ = 	snop  }
0x3b: {  	_ = 	snop  }
0x3c: {  	p2 =	seq.s32 s10, $0x1;
	s10 =	sld [smem:$0x3FAE]  }
0x3d: {  	_ =	shalt  }
0x3e: {  	_ =	shalt  }
0x3f: {  	_ =	shalt  }
0x40: {  	_ =	shalt  }
0x41: {  	_ =	shalt  }
0x42: {  	_ =	shalt  }
0x43: {  	_ =	shalt  }
0x44: {  	_ =	shalt  }
0x45: {  	_ =	shalt  }
0x46: {  	_ =	shalt  }
0x47: {  	_ =	shalt  }
0x48: {  	_ =	shalt  }
0x49: {  	_ =	shalt  }
0x4a: {  	_ =	shalt  }
0x4b: {  	_ =	shalt  }
0x4c: {  	_ =	shalt  }
0x4d: {  	_ =	shalt  }
0x4e: {  	_ =	shalt  }
0x4f: {  	_ =	shalt  }
0x50: {  	_ =	shalt  }
0x51: {  	_ =	shalt  }
0x52: {  	_ =	shalt  }
0x53: {  	_ =	shalt  }
0x54: {  	_ =	shalt  }
0x55: {  	_ =	shalt  }
0x56: {  	_ =	shalt  }
0x57: {  	_ =	shalt  }
0x58: {  	_ =	shalt  }
0x59: {  	_ =	shalt  }
0x5a: {  	_ =	shalt  }
0x5b: {  	_ =	shalt  }
0x5c: {  	_ =	shalt  }
0x5d: {  	_ =	shalt  }
0x5e: {  	_ =	shalt  }
0x5f: {  	_ =	shalt  }
0x60: {  	_ =	shalt  }
0x61: {  	_ =	shalt  }
0x62: {  	_ =	shalt  }
0x63: {  	_ =	shalt  }
0x64: {  	_ =	shalt  }
0x65: {  	_ =	shalt  }
0x66: {  	_ =	shalt  }
0x67: {  	_ =	shalt  }
0x68: {  	_ =	shalt  }
0x69: {  	_ =	shalt  }
0x6a: {  	_ =	shalt  }
0x6b: {  	_ =	shalt  }
0x6c: {  	_ =	shalt  }
0x6d: {  	_ =	shalt  }
0x6e: {  	_ =	shalt  }
0x6f: {  	_ =	shalt  }
0x70: {  	_ =	shalt  }
0x71: {  	_ =	shalt  }
0x72: {  	_ =	shalt  }
0x73: {  	_ =	shalt  }
0x74: {  	_ =	shalt  }
0x75: {  	_ =	shalt  }
0x76: {  	_ =	shalt  }
0x77: {  	_ =	shalt  }
0x78: {  	_ =	shalt  }
0x79: {  	_ =	shalt  }
0x7a: {  	_ =	shalt  }
0x7b: {  	_ =	shalt  }
0x7c: {  	_ =	shalt  }
0x7d: {  	_ =	shalt  }
0x7e: {  	_ =	shalt  }
0x7f: {  	_ =	shalt  }
0x80: {  	_ =	shalt  }
0x81: {  	_ =	shalt  }
0x82: {  	_ =	shalt  }
0x83: {  	_ =	shalt  }
0x84: {  	_ =	shalt  }
0x85: {  	_ =	shalt  }
0x86: {  	_ =	shalt  }
0x87: {  	_ =	shalt  }
.Lfunc_end0:
.L_simem_size_0:
called_computation.3_lowered:
.L_overlay_start_0:
0x88: {  	s2 =	sld [smem:$0x3FD9]  }
0x89: {  	s3 =	sld [smem:$0x3FFE];
	_ =	sdelay $0x1  }
0x8a: {  	s1 =	srdreg.scid  }
0x8b: {  	s0 =	sand.u32 $0x1, s1  }
0x8c: {  	s17 =	sshll.u32 s0, $0xA;
	s2 =	sadd.s32 s3, s2  }
0x8d: {  	s2 =	sadd.s32 s2, s17  }
0x8e: {  	[smem:$0x3FBA] =	sst s2  }
0x8f: {  	_ = 	snop  }
0x90: {  	s2 =	sld [smem:$0x3FD0];
	(tm) =	ssettm $0x1  }
0x91: {  	s18 =	sld [smem:$0x3FFB];
	_ =	sdelay $0x3  }
0x92: {  	_ =	strace s18  }
0x93: {  	s3 =	sld [smem:$0x3FFC];
	_ =	sdelay $0x3  }
0x94: {  	_ =	strace s3  }
0x95: {  	s3 =	sld [smem:$0x3FFD];
	_ =	sdelay $0x3  }
0x96: {  	_ =	strace s3  }
0x97: {  	_ =	strace $0x8FFFFFFF  }
0x98: {  	s19 =	sld [smem:$0x3FDB];
	_ =	sdelay $0x1  }
0x99: {  	s4 =	simm.s32 $_scs_section_size  }
0x9a: {  	s5 =	simm.s32 $_size__tile_overlayer_lowered;
	s6 =	simm.s32 $_tile_overlayer_lowered  }
0x9b: {  	s22 =	simm.s32 $0x1BFF;
	s21 =	sshll.u32 s6, $0x1;
	s3 =	sadd.s32 s4, s19  }
0x9c: {  	s7 =	simm.s32 $0x0;
	s20 =	sshll.u32 s5, $0x1;
	s5 =	sadd.s32 s21, s3  }
0x9d: {  	[timem:s7], [sflag:s22] =	dma.local [hbm:s5], s20  }
0x9e: {  	_ =	swait.ge [sflag:s22], s20  }
0x9f: {  	s4 =	ssub.s32 $0x0, s20;
	[sflag:s22] =	ssyncset.done $0x0  }
0xa0: {  	[sflag:s22] =	ssyncadd.s32 s4;
	_ =	sdelay $0x1  }
0xa1: {  	s23 =	simm.s32 $0x1B8B  }
0xa2: {  	_ =	swait.ge [sflag:s23], $0x1  }
0xa3: {  	[sflag:s23] =	ssyncset.done $0x0  }
0xa4: {  	s25 =	simm.s32 $0x1B8E;
	s24 =	sld [smem:$0x3FFE];
	[sflag:s23] =	ssyncadd.s32 $0xFFFFFFFF  }
0xa5: {  	s26 =	simm.s32 $execute0_lowered;
	[smem:$0x3FD2] =	sst s25  }
0xa6: {  	s5 =	sshll.u32 s26, $0x1;
	_ =	strace $0x8000004F;
	[dreg:$0x1] =	wrdreg $0xFFFFFFFF  }
0xa7: {  	s28 =	simm.s32 $_size_execute0_lowered;
	s3 =	sadd.s32 s3, s5;
	[dreg:$0x0] =	wrdreg $0x0  }
0xa8: {  	s5 =	sshll.u32 s28, $0x1;
	[dreg:$0x2] =	wrdreg s3  }
0xa9: {  	[dreg:$0x3] =	wrdreg s5  }
0xaa: {  	[dreg:$0x4] =	wrdreg $0xC0  }
0xab: {  	_ =	task [dreg:s7], $0x5FFFF  }
0xac: {  	[dreg:$0x1] =	wrdreg $0xFFFFFFFF  }
0xad: {  	[dreg:$0x0] =	wrdreg $0x60  }
0xae: {  	[dreg:$0x2] =	wrdreg s2  }
0xaf: {  	[dreg:$0x3] =	wrdreg s24  }
0xb0: {  	[dreg:$0x4] =	wrdreg $0xC7000  }
0xb1: {  	[dreg:$0x5] =	wrdreg $0x9  }
0xb2: {  	_ =	task.clear_ibuf [dreg:s7], $0x6FFFF;
	_ =	strace $0x9000004F  }
0xb3: {  	s29 =	simm.s32 $0x9;
	_ =	strace $0x80000051  }
0xb4: {  	_ =	swait.ge [sflag:s29], $0x1  }
0xb5: {  	[sflag:s29] =	ssyncadd.s32 $0xFFFFFFFF  }
0xb6: {  	_ =	strace $0x90000051  }
0xb7: {  	_ =	sfence  }
0xb8: {  	s30 =	sld [smem:$0x0];
	_ =	sdelay $0x2  }
0xb9: {  	s31 =	sshll.u32 s1, $0xD;
	s1 =	sshrl.u32 s1, $0x2  }
0xba: {  	s3 =	sand.u32 $0x4000, s31;
	s1 =	sadd.s32 s1, s30  }
0xbb: {  	s0 =	sor.u32 s3, s0;
	s1 =	sshll.u32 s1, $0x11  }
0xbc: {  	s0 =	sor.u32 s1, s0  }
0xbd: {  	s0 =	sadd.s32 $0x8F2B, s0  }
0xbe: {  	[sflag:s0] =	ssyncadd.remote.s32 $0x1  }
0xbf: {  	_ =	sfence.sel $0xFFFF  }
0xc0: {  	[dreg:$0x0] =	wrdreg $0xFFFFFFFF;
	(pc) =	sbr.abs _section_cstart, $3  }
0xc1: {  	[dreg:$0x1] =	wrdreg $0xFFFFFFFF  }
0xc2: {  	_ =	task.clear_ibuf [dreg:s7], $0x2FFFF;
	_ =	strace $0x9FFFFFFF  }
0xc3: {  	(tm) =	ssettm $0x7FFFFFFF  }
tec
execute0_lowered:
.L_overlay_start_1:
0x0: {  	(tag) =	ssettag $0x1  }
0x1: {  	s0 =	srdreg.scid;
	s1 =	rddreg [dreg:$0x0]  }
0x2: {  	s2 =	rddreg [dreg:$0x1];
	s11 =	stileid.u32  }
0x3: {  	s3 =	rddreg [dreg:$0x2];
	s6 =	simm.s32 $0x0;
	s28 =	simm.s32 $0x4F00  }
0x4: {  	s29 =	simm.s32 $0x7700;
	s30 =	simm.s32 $0x1;
	s31 =	simm.s32 $0x4  }
0x5: {  	s0 =	sand.u32 $0x1, s0;
	s5 =	sshll.u32 s11, $0x7;
	s15 =	smul.u32 $0x2700, s11  }
0x6: {  	[smem:$0x7FF] =	sst s6;
	s7 =	smul.u32 $0x4E000, s11;
	s10 =	sadd.s32 $0x48600, s2  }
0x7: {  	s19 =	smul.u32 $0x13800, s11;
	s20 =	sadd.s32 $0x24900, s1;
	p0 =	seq.s32 s11, $0xF  }
0x8: {  	s4 =	sshll.u32 s0, $0x4;
	s5 =	sand.u32 $0x380, s5;
	_ =	strace $0x80000050  }
0x9: {  	s16 =	ssub.s32 $0x2, s0;
	s18 =	smul.u32 $0x138800, s0;
	[dreg:$0x8] =	wrdreg s20  }
0xa: {  	p2 =	sne.s32 @p0 s0, $0x0;
	p4 =	sne.s32 @!p0 s0, $0x0;
	s4 =	sor.u32 s11, s4  }
0xb: {  	s8 =	sadd.s32 s15, s2;
	s9 =	sshrl.u32 s16, $0x1;
	s7 =	sshrl.u32 s7, $0x2  }
0xc: {  	s6 =	sadd.s32 s1, s15;
	p1 =	por !p2, !p0;
	p2 =	por p2, !p0  }
0xd: {  	p3 =	por !p4, p0;
	p4 =	por p4, p0;
	s4 =	sshrl.u32 s4, $0x3  }
0xe: {  	s17 =	sadd.s32 $0x21400, s8;
	[dreg:$0x5] =	wrdreg s6;
	s8 =	sadd.s32 $0x124800, s3  }
0xf: {  	s23 =	sadd.s32 s19, s18;
	s24 =	sshrl.u32 s18, $0x3;
	[dreg:$0x4] =	wrdreg s17  }
0x10: {  	s4 =	smul.u32 $0x13C00, s4;
	s0 =	sshrl.u32 @!p1 s8, $0x3;
	[dreg:$0x6] =	wrdreg s8  }
0x11: {  	s6 =	simm.s32 $0x0;
	[dreg:$0xe] =	wrdreg s0;
	s0 =	sshrl.u32 @!p2 s8, $0x3  }
0x12: {  	s4 =	sor.u32 s5, s4;
	s5 =	ssub.s32 s16, s9;
	s9 =	sadd.s32 s7, s3  }
0x13: {  	[dreg:$0xf] =	wrdreg s0;
	s0 =	sshll.u32 @!p3 s11, $0x6;
	s4 =	sshrl.u32 s4, $0x3  }
0x14: {  	s26 =	smax.u32 s5, $0x1;
	s0 =	sor.u32 @!p3 $0x1C07, s0;
	s19 =	sshrl.u32 @!p3 s9, $0x3  }
0x15: {  	s18 =	smov.u32 s9;
	s4 =	sadd.s32 s4, s2;
	[dreg:$0xd] =	wrdreg s26  }
0x16: {  	s2 =	sadd.s32 $0x45D00, s2;
	[dreg:$0x10] =	wrdreg s0;
	s0 =	sshll.u32 @!p4 s11, $0x6  }
0x17: {  	s26 =	simm.s32 $0x50;
	[dreg:$0x7] =	wrdreg s2;
	s21 =	sadd.s32 $0xD800, s4  }
0x18: {  	s22 =	sadd.s32 $0x17600, s4;
	s2 =	sshrl.u32 s23, $0x3;
	s4 =	sadd.s32 s10, s24  }
0x19: {  	s20 =	sor.u32 @!p4 $0x1C07, s0;
	s23 =	simm.s32 $0x400;
	[dreg:$0x9] =	wrdreg s21  }
0x1a: {  	s24 =	simm.s32 $0x7;
	s0 =	simm.s32 $0x2;
	[dreg:$0xa] =	wrdreg s22  }
0x1b: {  	s2 =	sadd.s32 s10, s2;
	s25 =	sadd.s32 $0x24900, s4;
	s21 =	sshrl.u32 @!p4 s9, $0x3  }
0x1c: {  	s22 =	simm.s32 $0x80;
	s4 =	simm.s32 $0x5;
	[dreg:$0xb] =	wrdreg s2  }
0x1d: {  	[dreg:$0xc] =	wrdreg s25;
	s25 =	simm.s32 $0x2780;
	s2 =	simm.s32 $0x6  }
.LBB2_1:
0x1e: {  	s7 =	rddreg [dreg:$0x7]  }
0x1f: {  	s5 =	simm.s32 @!p1 $0x1FC7;
	s8 =	rddreg [dreg:$0xe]  }
0x20: {  	[spmem:s8], [sflag:s5] =	dma.local @!p1 [hbm:s7], $0x2800  }
0x21: {  	s5 =	simm.s32 @!p1 $0x7  }
0x22: {  	_ =	swait.ge @!p1 [sflag:s5], $0x2800  }
0x23: {  	[sflag:s5] =	ssyncset.done @!p1 $0x0;
	s7 =	rddreg [dreg:$0x8]  }
0x24: {  	s8 =	rddreg [dreg:$0xf];
	[sflag:s5] =	ssyncadd.s32 @!p1 $0xFFFFD800;
	s5 =	simm.s32 @!p2 $0x1FC7  }
0x25: {  	[spmem:s8], [sflag:s5] =	dma.local @!p2 [hbm:s7], $0x2800  }
0x26: {  	s5 =	simm.s32 @!p2 $0x7  }
0x27: {  	_ =	swait.ge @!p2 [sflag:s5], $0x2800  }
0x28: {  	[sflag:s5] =	ssyncset.done @!p2 $0x0;
	s7 =	rddreg [dreg:$0x10]  }
0x29: {  	[sflag:s5] =	ssyncadd.s32 @!p2 $0xFFFFD800;
	s5 =	rddreg [dreg:$0x4]  }
0x2a: {  	[spmem:s19], [sflag:s7] =	dma.local @!p3 [hbm:s5], $0x2700  }
0x2b: {  	s5 =	simm.s32 @!p3 $0x7  }
0x2c: {  	_ =	swait.ge @!p3 [sflag:s5], $0x2700  }
0x2d: {  	[sflag:s5] =	ssyncset.done @!p3 $0x0  }
0x2e: {  	[sflag:s5] =	ssyncadd.s32 @!p3 $0xFFFFD900;
	s5 =	rddreg [dreg:$0x5]  }
0x2f: {  	[spmem:s21], [sflag:s20] =	dma.local @!p4 [hbm:s5], $0x2700  }
0x30: {  	s5 =	simm.s32 @!p4 $0x7  }
0x31: {  	_ =	swait.ge @!p4 [sflag:s5], $0x2700  }
0x32: {  	[sflag:s5] =	ssyncset.done @!p4 $0x0  }
0x33: {  	s15 =	simm.s32 $0x0;
	s16 =	rddreg [dreg:$0x9];
	[sflag:s5] =	ssyncadd.s32 @!p4 $0xFFFFD900  }
0x34: {  	[tilespmem:s15], [sflag:$0x7] =	stream.strided.gather [hbm4b:s16+s22], $0x2780, s23, s22, $0x38;
	[tilespmem:$0x1FF80] =	vst v63  }
0x35: {  	_ =	swait.ge [sflag:s24], $0x2780  }
0x36: {  	[sflag:s24] =	ssyncset.done $0x0  }
0x37: {  	s17 =	rddreg [dreg:$0xa];
	[sflag:s24] =	ssyncadd.s32 $0xFFFFD880  }
0x38: {  	[tilespmem:s25], [sflag:$0x7] =	stream.strided.gather [hbm4b:s17+s22], $0x2780, s23, s22, $0x38;
	[tilespmem:$0x1FF80] =	vst v63  }
0x39: {  	_ =	swait.ge [sflag:s24], $0x2780  }
0x3a: {  	[sflag:s24] =	ssyncset.done $0x0  }
0x3b: {  	[sflag:s24] =	ssyncadd.s32 $0xFFFFD880  }
0x3c: {  	[bflag:$0x0] =	sbarrier.arrive $0xFFFF  }
0x3d: {  	[tilespmem:s28], [sflag:$0x1] =	stream.indirect.gather [hbm4b:s1+s26], $0x80, s15, s26, $0xb8;
	[tilespmem:$0x1FF80] =	vst v63  }
0x3e: {  	s10 =	smul.u32 $0xAB, s31  }
0x3f: {  	[tilespmem:s29], [sflag:$0x2] =	stream.indirect.gather [hbm4b:s1+s26], $0x80, s26, s26, $0xb8;
	[tilespmem:$0x1FF80] =	vst v63  }
0x40: {  	s5 =	sshrl.u32 s10, $0x9;
	_ =	swait.ge [sflag:s30], $0x2800  }
0x41: {  	s5 =	sand.u32 $0x7F, s5;
	[sflag:s30] =	ssyncset.done $0x0  }
0x42: {  	s12 =	sadd.s32 $0xFFFFFEAA, s10;
	s5 =	smul.u32 $0x3, s5;
	[sflag:s30] =	ssyncadd.s32 $0xFFFFD800  }
0x43: {  	[spmem:s3] =	stream.indirect.scatter.add.f32 [tilespmem:s28], [sflag:$0x4], $0x80, s25, s26, $0xb8;
	[tilespmem:$0x1FF80] =	vst v63  }
0x44: {  	s8 =	simm.s32 $0x9F00;
	s7 =	simm.s32 $0xA0;
	s5 =	ssub.s32 $0x4, s5  }
0x45: {  	[tilespmem:s8], [sflag:$0x3] =	stream.indirect.gather [hbm4b:s1+s26], $0x80, s7, s26, $0xb8;
	[tilespmem:$0x1FF80] =	vst v63  }
0x46: {  	s14 =	sand.u32 $0xFF, s5;
	s7 =	sshrl.u32 s12, $0x9;
	_ =	swait.ge [sflag:s0], $0x2800  }
0x47: {  	s16 =	smul.u32 $0xA000, s14;
	s7 =	sand.u32 $0x7F, s7;
	[sflag:s0] =	ssyncset.done $0x0  }
0x48: {  	s9 =	simm.s32 $0x27D0;
	s7 =	smul.u32 $0x3, s7;
	[sflag:s0] =	ssyncadd.s32 $0xFFFFD800  }
0x49: {  	[spmem:s3] =	stream.indirect.scatter.add.f32 [tilespmem:s29], [sflag:$0x5], $0x80, s9, s26, $0xb8;
	[tilespmem:$0x1FF80] =	vst v63  }
0x4a: {  	s11 =	simm.s32 $0xF0;
	s15 =	sor.u32 $0x4, s14;
	s7 =	ssub.s32 $0x4, s7  }
0x4b: {  	s8 =	sshrl.u32 s16, $0x2;
	_ =	swait.ge [sflag:s31], $0x2800;
	s9 =	sadd.s32 $0xFFFFFFFE, s7  }
0x4c: {  	s7 =	simm.s32 $0x2820;
	[sflag:s31] =	ssyncset.done $0x0;
	s10 =	sand.u32 $0xFF, s9  }
0x4d: {  	[sflag:s31] =	ssyncadd.s32 $0xFFFFD800;
	s12 =	sadd.s32 $0x1, s10;
	s13 =	smul.u32 $0xA000, s10  }
0x4e: {  	[tilespmem:s28], [sflag:$0x1] =	stream.indirect.gather [hbm4b:s1+s26], $0x80, s11, s26, $0xb8;
	[tilespmem:$0x1FF80] =	vst v63  }
0x4f: {  	s9 =	simm.s32 $0x5;
	s10 =	sor.u32 $0x4, s10;
	_ =	swait.ge [sflag:s12], $0x2800  }
0x50: {  	s11 =	simm.s32 $0x140;
	s13 =	sshrl.u32 s13, $0x2;
	[sflag:s12] =	ssyncset.done $0x0  }
0x51: {  	s5 =	sadd.s32 $0x4F00, s13;
	s13 =	smul.u32 $0xAB, s9;
	[sflag:s12] =	ssyncadd.s32 $0xFFFFD800  }
0x52: {  	[spmem:s3] =	stream.indirect.scatter.add.f32 [tilespmem:s5], [sflag:s10], $0x80, s7, s26, $0xb8;
	[tilespmem:$0x1FF80] =	vst v63  }
0x53: {  	s12 =	sadd.s32 $0x1, s14;
	s14 =	sadd.s32 $0x4F00, s8;
	s5 =	simm.s32 $0x6  }
0x54: {  	s10 =	simm.s32 $0x190;
	s17 =	sshrl.u32 s13, $0x9;
	_ =	swait.ge [sflag:s15], $0x2800  }
0x55: {  	s13 =	sadd.s32 $0xFFFFFEAA, s13;
	s16 =	sand.u32 $0x7F, s17;
	[sflag:s15] =	ssyncset.done $0x0  }
0x56: {  	[sflag:s15] =	ssyncadd.s32 $0xFFFFD800;
	s15 =	sshrl.u32 s13, $0x9;
	s13 =	smul.u32 $0x3, s16  }
.LBB2_2:
0x57: {  	s8 =	sand.u32 $0x7F, s15  }
0x58: {  	s7 =	sadd.s32 $0x50, s7;
	s15 =	smov.u32 s5;
	s16 =	sadd.s32 $0x1, s5  }
0x59: {  	p5 =	sne.s32 s5, $0x7C;
	s5 =	smul.u32 $0x3, s8;
	s8 =	ssub.s32 s9, s13  }
0x5a: {  	[tilespmem:s14], [sflag:s12] =	stream.indirect.gather [hbm4b:s1+s26], $0x80, s11, s26, $0xb8;
	[tilespmem:$0x1FF80] =	vst v63  }
0x5b: {  	s8 =	sand.u32 $0xFF, s8;
	s5 =	ssub.s32 s9, s5;
	s9 =	smov.u32 s15  }
0x5c: {  	s13 =	smul.u32 $0xA000, s8;
	s12 =	sadd.s32 $0x1, s8;
	s5 =	sadd.s32 $0xFFFFFFFE, s5  }
0x5d: {  	s11 =	smov.u32 s10;
	s10 =	sadd.s32 $0x50, s10;
	s5 =	sand.u32 $0xFF, s5  }
0x5e: {  	s13 =	sshrl.u32 s13, $0x2;
	s14 =	sadd.s32 $0x1, s5;
	s15 =	smul.u32 $0xA000, s5  }
0x5f: {  	s8 =	sor.u32 $0x4, s8;
	s17 =	smul.u32 $0xAB, s9;
	_ =	swait.ge [sflag:s14], $0x2800  }
0x60: {  	s5 =	sor.u32 $0x4, s5;
	[sflag:s14] =	ssyncset.done $0x0;
	s15 =	sshrl.u32 s15, $0x2  }
0x61: {  	[sflag:s14] =	ssyncadd.s32 $0xFFFFD800;
	s14 =	sadd.s32 $0x4F00, s15  }
0x62: {  	[spmem:s3] =	stream.indirect.scatter.add.f32 [tilespmem:s14], [sflag:s5], $0x80, s7, s26, $0xb8;
	[tilespmem:$0x1FF80] =	vst v63  }
.Ltmp0:
0x63: {  	_ = 	snop;
	(pc) =	sbr.rel @p5 .LBB2_2-.Ltmp0, $4  }
0x64: {  	s5 =	sshrl.u32 s17, $0x9  }
0x65: {  	s14 =	sadd.s32 $0x4F00, s13;
	s13 =	sadd.s32 $0xFFFFFEAA, s17;
	_ =	swait.ge [sflag:s8], $0x2800  }
0x66: {  	s5 =	sand.u32 $0x7F, s5;
	s15 =	sshrl.u32 s13, $0x9;
	[sflag:s8] =	ssyncset.done $0x0  }
0x67: {  	s13 =	smul.u32 $0x3, s5;
	s5 =	smov.u32 s16;
	[sflag:s8] =	ssyncadd.s32 $0xFFFFD800  }
0x68: {  	s5 =	sand.u32 $0x7F, s15  }
0x69: {  	s5 =	smul.u32 $0x3, s5  }
0x6a: {  	[tilespmem:s14], [sflag:s12] =	stream.indirect.gather [hbm4b:s1+s26], $0x80, s11, s26, $0xb8;
	[tilespmem:$0x1FF80] =	vst v63  }
0x6b: {  	s5 =	ssub.s32 s9, s5  }
0x6c: {  	s5 =	sadd.s32 $0xFFFFFFFE, s5  }
0x6d: {  	s5 =	sand.u32 $0xFF, s5  }
0x6e: {  	s8 =	sadd.s32 $0x1, s5;
	s17 =	smul.u32 $0xA000, s5  }
0x6f: {  	s7 =	sadd.s32 $0x50, s7;
	_ =	swait.ge [sflag:s8], $0x2800  }
0x70: {  	s12 =	ssub.s32 s9, s13;
	[sflag:s8] =	ssyncset.done $0x0;
	s11 =	sshrl.u32 s17, $0x2  }
0x71: {  	s5 =	sor.u32 $0x4, s5;
	[sflag:s8] =	ssyncadd.s32 $0xFFFFD800;
	s8 =	sadd.s32 $0x4F00, s11  }
0x72: {  	[spmem:s3] =	stream.indirect.scatter.add.f32 [tilespmem:s8], [sflag:s5], $0x80, s7, s26, $0xb8;
	[tilespmem:$0x1FF80] =	vst v63  }
0x73: {  	s5 =	sand.u32 $0xFF, s12  }
0x74: {  	s13 =	smul.u32 $0xA000, s5;
	s14 =	sor.u32 $0x4, s5  }
0x75: {  	_ =	swait.ge [sflag:s14], $0x2800  }
0x76: {  	s7 =	sshrl.u32 s13, $0x2;
	[sflag:s14] =	ssyncset.done $0x0  }
0x77: {  	s5 =	sadd.s32 $0x1, s5;
	[sflag:s14] =	ssyncadd.s32 $0xFFFFD800;
	s7 =	sadd.s32 $0x4F00, s7  }
0x78: {  	[tilespmem:s7], [sflag:s5] =	stream.indirect.gather [hbm4b:s1+s26], $0x80, s10, s26, $0xb8;
	[tilespmem:$0x1FF80] =	vst v63  }
0x79: {  	_ =	swait.ge [sflag:s30], $0x2800  }
0x7a: {  	[sflag:s30] =	ssyncset.done $0x0  }
0x7b: {  	s15 =	simm.s32 $0x4DF0;
	[sflag:s30] =	ssyncadd.s32 $0xFFFFD800  }
0x7c: {  	[spmem:s3] =	stream.indirect.scatter.add.f32 [tilespmem:s28], [sflag:$0x4], $0x80, s15, s26, $0xb8;
	[tilespmem:$0x1FF80] =	vst v63  }
0x7d: {  	_ =	swait.ge [sflag:s2], $0x2800  }
0x7e: {  	[sflag:s2] =	ssyncset.done $0x0  }
0x7f: {  	[sflag:s2] =	ssyncadd.s32 $0xFFFFD800  }
0x80: {  	_ =	swait.ge [sflag:s0], $0x2800  }
0x81: {  	[sflag:s0] =	ssyncset.done $0x0  }
0x82: {  	s16 =	simm.s32 $0x4E40;
	[sflag:s0] =	ssyncadd.s32 $0xFFFFD800  }
0x83: {  	[spmem:s3] =	stream.indirect.scatter.add.f32 [tilespmem:s29], [sflag:$0x5], $0x80, s16, s26, $0xb8;
	[tilespmem:$0x1FF80] =	vst v63  }
0x84: {  	_ =	swait.ge [sflag:s31], $0x2800  }
0x85: {  	[sflag:s31] =	ssyncset.done $0x0  }
0x86: {  	[sflag:s31] =	ssyncadd.s32 $0xFFFFD800  }
0x87: {  	_ =	swait.ge [sflag:s4], $0x2800  }
0x88: {  	[sflag:s4] =	ssyncset.done $0x0  }
0x89: {  	[sflag:s4] =	ssyncadd.s32 $0xFFFFD800  }
0x8a: {  	[bflag:$0x0] =	sbarrier.arrive $0xFFFF  }
0x8b: {  	s5 =	rddreg [dreg:$0x6]  }
0x8c: {  	s7 =	simm.s32 @p0 $0x1FC7;
	s8 =	rddreg [dreg:$0xc];
	s5 =	sshrl.u32 @p0 s5, $0x3  }
0x8d: {  	[hbm:s8], [sflag:s7] =	dma.local @p0 [spmem:s5], $0x2800  }
0x8e: {  	s5 =	simm.s32 @p0 $0x7  }
0x8f: {  	s7 =	stileid.u32;
	_ =	swait.ge @p0 [sflag:s5], $0x2800  }
0x90: {  	s7 =	sshll.u32 @!p0 s7, $0x6;
	[sflag:s5] =	ssyncset.done @p0 $0x0;
	s8 =	rddreg [dreg:$0xb]  }
0x91: {  	[sflag:s5] =	ssyncadd.s32 @p0 $0xFFFFD800;
	s5 =	sor.u32 @!p0 $0x1C07, s7;
	s7 =	sshrl.u32 @!p0 s18, $0x3  }
0x92: {  	[hbm:s8], [sflag:s5] =	dma.local @!p0 [spmem:s7], $0x2700  }
0x93: {  	s5 =	simm.s32 @!p0 $0x7  }
0x94: {  	_ =	swait.ge @!p0 [sflag:s5], $0x2700  }
0x95: {  	s6 =	sadd.s32 $0x1, s6;
	s17 =	rddreg [dreg:$0xd]  }
0x96: {  	p5 =	sne.s32 s6, s17  }
.Ltmp1:
0x97: {  	_ = 	snop;
	(pc) =	sbr.rel @p5 .LBB2_1-.Ltmp1, $3  }
0x98: {  	_ =	sdelay $0x1  }
0x99: {  	[sflag:s5] =	ssyncset.done @!p0 $0x0  }
0x9a: {  	[sflag:s5] =	ssyncadd.s32 @!p0 $0xFFFFD900  }
0x9b: {  	_ =	sfence.sel $0x180000  }
0x9c: {  	[bflag:$0x0] =	sbarrier.arrive $0xFFFF  }
0x9d: {  	_ =	strace $0x90000050  }
0x9e: {  	s0 =	stileid.u32;
	[bflag:$0x2] =	sbarrier.arrive $0xFFFF  }
0x9f: {  	p0 =	sne.s32 s0, $0x0;
	s0 =	rddreg [dreg:$0x3]  }
0xa0: {  	s0 =	sadd.s32 @!p0 $0x100000, s0  }
0xa1: {  	[sflag:s0] =	ssyncadd.tile.s32 @!p0 $0x1;
	_ =	shalt  }
.Lfunc_end2:
_tile_overlayer_lowered:
.L_overlay_start_2:
0xa2: {  	(tag) =	ssettag $0x2  }
0xa3: {  	s0 =	rddreg [dreg:$0x0];
	s2 =	stileid.u32  }
0xa4: {  	s1 =	rddreg [dreg:$0x1];
	p0 =	sne.s32 s2, $0x0  }
0xa5: {  	s3 =	rddreg [dreg:$0x2];
	[bflag:$0x3] =	sbarrier.arrive $0xFFFF;
	s2 =	simm.s32 @!p0 $0x1C07  }
0xa6: {  	[timem:s3], [sflag:s2] =	dma.local @!p0 [hbm:s0], s1  }
0xa7: {  	s0 =	simm.s32 @!p0 $0x7  }
0xa8: {  	_ =	swait.ge @!p0 [sflag:s0], s1  }
0xa9: {  	s1 =	ssub.s32 @!p0 $0x0, s1;
	[sflag:s0] =	ssyncset.done @!p0 $0x0  }
0xaa: {  	[sflag:s0] =	ssyncadd.s32 @!p0 s1  }
0xab: {  	[bflag:$0x3] =	sbarrier.arrive $0xFFFF  }
0xac: {  	_ =	shalt  }

</sc_bundles>
